<compile_context>
chip_gen: v7x
topology: tpu7x:2x2x1
jax: 0.10.2.dev20260603
libtpu: 0.0.44.dev20260713+nightly
codegen_flags: <defaults>
</compile_context>

<pallas_src>
import functools

import jax
import jax.numpy as jnp
from jax import lax
from jax.experimental import pallas as pl
from jax.experimental.pallas import tpu as pltpu
from jax.experimental.pallas import tpu_sc as plsc

NN = 10000
K = 6
D = 128
RB = 256
CT = 2048
LB = 512
NP = 10240
PADV = 1.0e18
ROWW = 144
NW = 32
NPW = NP // NW
NB = 64
NT = NPW // NB

_BIG_F = 3.0e38
_BIG_I = (1 << 30)



def _top6(vals, ids):
    out_v, out_i = [], []
    for _ in range(K):
        m = jnp.min(vals, axis=1, keepdims=True)
        idx = jnp.min(jnp.where(vals == m, ids, _BIG_I), axis=1,
                      keepdims=True)
        out_v.append(m)
        out_i.append(idx)
        vals = jnp.where(ids == idx, _BIG_F, vals)
    return out_v, out_i


def _knn_body(pos_r_ref, pos_t_ref, col_ref, bv_ref, bi_ref):
    i = pl.program_id(0)
    c = pl.program_id(1)

    @pl.when(c == 0)
    def _():
        bv_ref[:] = jnp.full((RB, 8), _BIG_F, jnp.float32)
        bi_ref[:] = jnp.zeros((RB, 8), jnp.int32)

    pr = pos_r_ref[:]
    pt = pos_t_ref[:]
    dot = jnp.dot(pr, pt, preferred_element_type=jnp.float32)
    sqr = (pr[:, 0:1] * pr[:, 0:1] + pr[:, 1:2] * pr[:, 1:2]) \
        + pr[:, 2:3] * pr[:, 2:3]
    sqc = (pt[0:1, :] * pt[0:1, :] + pt[1:2, :] * pt[1:2, :]) \
        + pt[2:3, :] * pt[2:3, :]
    d2 = (sqr + sqc) - 2.0 * dot
    colids = lax.broadcasted_iota(jnp.int32, (RB, CT), 1) + c * CT
    row_ids = lax.broadcasted_iota(jnp.int32, (RB, 1), 0) + i * RB
    d2 = jnp.where(colids == row_ids, _BIG_F, d2)
    tv, ti = _top6(d2, colids)

    lv, li = [], []
    for k in range(K):
        a_v = bv_ref[:, k:k + 1]
        a_i = bi_ref[:, k:k + 1]
        b_v = tv[K - 1 - k]
        b_i = ti[K - 1 - k]
        sel = a_v <= b_v
        lv.append(jnp.where(sel, a_v, b_v))
        li.append(jnp.where(sel, a_i, b_i))
    for r in range(K):
        for p, q in ((0, 1), (2, 3), (4, 5)) if r % 2 == 0 else \
                ((1, 2), (3, 4)):
            sel = lv[p] <= lv[q]
            pv = jnp.where(sel, lv[p], lv[q])
            qv = jnp.where(sel, lv[q], lv[p])
            pi = jnp.where(sel, li[p], li[q])
            qi = jnp.where(sel, li[q], li[p])
            lv[p], lv[q], li[p], li[q] = pv, qv, pi, qi
    for k in range(K):
        bv_ref[:, k:k + 1] = lv[k]
        bi_ref[:, k:k + 1] = li[k]

    @pl.when(c == NP // CT - 1)
    def _():
        for k in range(K):
            col_ref[:, k:k + 1] = li[k]


def _knn(pos_p, pos_t):
    return pl.pallas_call(
        _knn_body,
        grid=(NP // RB, NP // CT),
        in_specs=[
            pl.BlockSpec((RB, 3), lambda i, c: (i, 0)),
            pl.BlockSpec((3, CT), lambda i, c: (0, c)),
        ],
        out_specs=pl.BlockSpec((RB, K), lambda i, c: (i, 0)),
        out_shape=jax.ShapeDtypeStruct((NP, K), jnp.int32),
        scratch_shapes=[
            pltpu.VMEM((RB, 8), jnp.float32),
            pltpu.VMEM((RB, 8), jnp.int32),
        ],
        compiler_params=pltpu.CompilerParams(
            dimension_semantics=("parallel", "arbitrary")),
    )(pos_p, pos_t)



def _layer_body(hp_ref, xxp_ref, sp_ref, wh_ref, bh_ref, wx_ref, bx_ref,
                mq_ref, hn_ref, xxn_ref):
    h = hp_ref[:] + sp_ref[:, 0:D]
    sw = sp_ref[:, 131:132]
    sxw = sp_ref[:, 128:131]
    xyz = xxp_ref[:, 0:3]
    xyz = xyz + xyz * sw - sxw
    m = jnp.maximum(
        jnp.dot(h, wh_ref[:], preferred_element_type=jnp.float32)
        + bh_ref[:], 0.0)
    w = jnp.maximum(
        jnp.dot(h, wx_ref[:], preferred_element_type=jnp.float32)
        + bx_ref[:], 0.0)
    mq_ref[:, 0:D] = m
    mq_ref[:, 128:131] = xyz * w
    mq_ref[:, 131:132] = w
    mq_ref[:, 132:ROWW] = jnp.zeros((LB, ROWW - 132), jnp.float32)
    hn_ref[:] = h
    xxn_ref[:, 0:3] = xyz
    xxn_ref[:, 3:4] = jnp.zeros((LB, 1), jnp.float32)


def _layer(h, xx, s, wh, bh, wxt, bx):
    return pl.pallas_call(
        _layer_body,
        grid=(NP // LB,),
        in_specs=[
            pl.BlockSpec((LB, D), lambda i: (i, 0)),
            pl.BlockSpec((LB, 4), lambda i: (i, 0)),
            pl.BlockSpec((LB, ROWW), lambda i: (i, 0)),
            pl.BlockSpec((D, D), lambda i: (0, 0)),
            pl.BlockSpec((1, D), lambda i: (0, 0)),
            pl.BlockSpec((D, 1), lambda i: (0, 0)),
            pl.BlockSpec((1, 1), lambda i: (0, 0)),
        ],
        out_specs=[
            pl.BlockSpec((LB, ROWW), lambda i: (i, 0)),
            pl.BlockSpec((LB, D), lambda i: (i, 0)),
            pl.BlockSpec((LB, 4), lambda i: (i, 0)),
        ],
        out_shape=[
            jax.ShapeDtypeStruct((NP, ROWW), jnp.float32),
            jax.ShapeDtypeStruct((NP, D), jnp.float32),
            jax.ShapeDtypeStruct((NP, 4), jnp.float32),
        ],
    )(h, xx, s, wh, bh, wxt, bx)



def _segsum_body(mq_hbm, colf_hbm, s_hbm, idx_v, rows_v, acc_v, sem):
    wid = lax.axis_index("s") * 2 + lax.axis_index("c")

    def batch(t, carry):
        nbase = wid * NPW + t * NB
        ebase = nbase * K
        pltpu.sync_copy(colf_hbm.at[pl.ds(ebase, NB * K)], idx_v)
        cps = []
        for c in range(NB * K // 128):
            cps.append(pltpu.async_copy(
                mq_hbm.at[idx_v.at[pl.ds(c * 128, 128)]],
                rows_v.at[pl.ds(c * 128, 128)], sem))
        for cp in cps:
            cp.wait()

        def node(n, carry2):
            r0 = n * K
            for c in range(ROWW // 16):
                sl = pl.ds(c * 16, 16)
                v = rows_v[r0, sl]
                for k in range(1, K):
                    v = v + rows_v[r0 + k, sl]
                acc_v[n, sl] = v
            return carry2

        lax.fori_loop(0, NB, node, 0)
        pltpu.sync_copy(acc_v, s_hbm.at[pl.ds(nbase, NB)])
        return carry

    lax.fori_loop(0, NT, batch, 0)


@functools.cache
def _build_segsum():
    return pl.kernel(
        _segsum_body,
        out_type=jax.ShapeDtypeStruct((NP, ROWW), jnp.float32),
        mesh=plsc.VectorSubcoreMesh(core_axis_name="c",
                                    subcore_axis_name="s"),
        compiler_params=pltpu.CompilerParams(use_tc_tiling_on_sc=False),
        scratch_types=[
            pltpu.VMEM((NB * K,), jnp.int32),
            pltpu.VMEM((NB * K, ROWW), jnp.float32),
            pltpu.VMEM((NB, ROWW), jnp.float32),
            pltpu.SemaphoreType.DMA,
        ],
    )


def _segsum(mq, colf):
    return _build_segsum()(mq, colf)



def _pool_body(hp_ref, sp_ref, out_ref):
    i = pl.program_id(0)

    @pl.when(i == 0)
    def _():
        out_ref[:] = jnp.zeros((1, D), jnp.float32)

    h = hp_ref[:] + sp_ref[:, 0:D]
    rows = lax.broadcasted_iota(jnp.int32, (LB, 1), 0) + i * LB
    hm = jnp.where(rows < NN, h, 0.0)
    out_ref[:] = out_ref[:] + jnp.sum(hm, axis=0, keepdims=True)


def _pool(h, s):
    return pl.pallas_call(
        _pool_body,
        grid=(NP // LB,),
        in_specs=[
            pl.BlockSpec((LB, D), lambda i: (i, 0)),
            pl.BlockSpec((LB, ROWW), lambda i: (i, 0)),
        ],
        out_specs=pl.BlockSpec((1, D), lambda i: (0, 0)),
        out_shape=jax.ShapeDtypeStruct((1, D), jnp.float32),
    )(h, s)


def _head_body(hsum_ref, wfc_ref, bfc_ref, wt_ref, bt_ref, t_ref):
    hmean = hsum_ref[:] * (1.0 / NN)
    emb = jnp.maximum(
        jnp.dot(hmean, wfc_ref[:], preferred_element_type=jnp.float32)
        + bfc_ref[:], 0.0)
    t_ref[0:1, 0:3] = (
        jnp.dot(emb, wt_ref[:], preferred_element_type=jnp.float32)
        + bt_ref[:])
    t_ref[0:1, 3:4] = jnp.zeros((1, 1), jnp.float32)


def _head(hsum, wfc, bfc, wt, bt):
    return pl.pallas_call(
        _head_body,
        grid=(1,),
        in_specs=[
            pl.BlockSpec((1, D), lambda i: (0, 0)),
            pl.BlockSpec((D, D), lambda i: (0, 0)),
            pl.BlockSpec((1, D), lambda i: (0, 0)),
            pl.BlockSpec((D, 3), lambda i: (0, 0)),
            pl.BlockSpec((1, 3), lambda i: (0, 0)),
        ],
        out_specs=pl.BlockSpec((1, 4), lambda i: (0, 0)),
        out_shape=jax.ShapeDtypeStruct((1, 4), jnp.float32),
    )(hsum, wfc, bfc, wt, bt)


def _finish_body(xxp_ref, sp_ref, t_ref, out_ref):
    sw = sp_ref[:, 131:132]
    sxw = sp_ref[:, 128:131]
    xyz = xxp_ref[:, 0:3]
    xyz = xyz + xyz * sw - sxw
    out_ref[:] = xyz + t_ref[0:1, 0:3]


def _finish(xx, s, t):
    return pl.pallas_call(
        _finish_body,
        grid=(NP // LB,),
        in_specs=[
            pl.BlockSpec((LB, 4), lambda i: (i, 0)),
            pl.BlockSpec((LB, ROWW), lambda i: (i, 0)),
            pl.BlockSpec((1, 4), lambda i: (0, 0)),
        ],
        out_specs=pl.BlockSpec((LB, 3), lambda i: (i, 0)),
        out_shape=jax.ShapeDtypeStruct((NP, 3), jnp.float32),
    )(xx, s, t)



def kernel(x, pos, Wh0, bh0, Wx0, bx0, Wh1, bh1, Wx1, bx1, Wh2, bh2, Wx2,
           bx2, Wfc, bfc, Wt, bt):
    pos_p = jnp.pad(pos, ((0, NP - NN), (0, 0)),
                    constant_values=PADV)
    col = _knn(pos_p, pos_p.T)
    colf = col.reshape(-1)
    h = jnp.pad(x, ((0, NP - NN), (0, 0)))
    xx = jnp.pad(pos, ((0, NP - NN), (0, 1)))
    s = jnp.zeros((NP, ROWW), jnp.float32)
    for wh, bh, wx, bx in ((Wh0, bh0, Wx0, bx0), (Wh1, bh1, Wx1, bx1),
                           (Wh2, bh2, Wx2, bx2)):
        mq, h, xx = _layer(h, xx, s, wh, bh.reshape(1, D),
                           wx, bx.reshape(1, 1))
        s = _segsum(mq, colf)
    hsum = _pool(h, s)
    t = _head(hsum, Wfc, bfc.reshape(1, D), Wt, bt.reshape(1, 3))
    out = _finish(xx, s, t)
    return out[:NN]

# --- scband reference (transcript-rebuilt; emitter-appended) ---
"""Pipeline reference for scband-equi-bind-model-86208583565932 (READ-ONLY COPY).

The authoritative reference and input builder live on the scoring server;
editing this copy changes nothing except your own understanding.
"""

import jax, jax.numpy as jnp
import numpy as np

N = 10000
D = 128
H = 128
K = 6

def setup_inputs(seed: int = 0) -> dict:
    key = jax.random.key(seed)
    ks = jax.random.split(key, 16)
    inp = {}
    inp["x"] = jax.random.normal(ks[0], (N, D), dtype=jnp.float32)
    inp["pos"] = jax.random.normal(ks[1], (N, 3), dtype=jnp.float32)
    dims = [(D, H), (H, H), (H, H)]
    ki = 2
    for l, (fi, fo) in enumerate(dims):
        inp[f"Wh{l}"] = jax.random.normal(ks[ki], (fi, fo), dtype=jnp.float32) * (1.0 / np.sqrt(fi)); ki += 1
        inp[f"bh{l}"] = jnp.zeros((fo,), dtype=jnp.float32)
        inp[f"Wx{l}"] = jax.random.normal(ks[ki], (fi, 1), dtype=jnp.float32) * (1.0 / np.sqrt(fi)); ki += 1
        inp[f"bx{l}"] = jnp.zeros((1,), dtype=jnp.float32)
    inp["Wfc"] = jax.random.normal(ks[ki], (H, H), dtype=jnp.float32) * (1.0 / np.sqrt(H)); ki += 1
    inp["bfc"] = jnp.zeros((H,), dtype=jnp.float32)
    inp["Wt"] = jax.random.normal(ks[ki], (H, 3), dtype=jnp.float32) * (1.0 / np.sqrt(H)); ki += 1
    inp["bt"] = jnp.zeros((3,), dtype=jnp.float32)
    return inp

def knn_graph(pos, k):
    n = pos.shape[0]
    sq = jnp.sum(pos * pos, axis=1)
    d2 = sq[:, None] + sq[None, :] - 2.0 * (pos @ pos.T)
    d2 = d2.at[jnp.arange(n), jnp.arange(n)].set(jnp.inf)
    _, idx = jax.lax.top_k(-d2, k)
    row = jnp.repeat(jnp.arange(n), k)
    col = idx.reshape(-1)
    return row, col

def reference(x, pos, Wh0, bh0, Wx0, bx0, Wh1, bh1, Wx1, bx1, Wh2, bh2, Wx2, bx2, Wfc, bfc, Wt, bt):
    row, col = knn_graph(pos, K)
    h = x
    xx = pos
    params = [(Wh0, bh0, Wx0, bx0), (Wh1, bh1, Wx1, bx1), (Wh2, bh2, Wx2, bx2)]
    for Wh, bh, Wx, bx in params:
        h_j = h[col]
        delta_x = xx[row] - xx[col]
        m = jax.nn.relu(h_j @ Wh + bh)
        agg_h = jnp.zeros((h.shape[0], m.shape[1]), dtype=m.dtype).at[row].add(m)
        h = h + agg_h
        weight = jax.nn.relu(h_j @ Wx + bx)
        agg_x = jnp.zeros_like(xx).at[row].add(delta_x * weight)
        xx = xx + agg_x
    h_pool = jnp.mean(h, axis=0, keepdims=True)
    emb = jax.nn.relu(h_pool @ Wfc + bfc)
    translation = emb @ Wt + bt
    return xx + translation

if __name__ == "__main__":
    import jax
    _d = setup_inputs()
    print(jax.jit(kernel)(*tuple(_d.values())))

</pallas_src>

<mosaic_0001>
#map = affine_map<(d0, d1) -> (0, 0)>
#map1 = affine_map<(d0, d1) -> (0)>
module attributes {stable_mosaic.version = 14 : i64} {
  func.func @_segsum_body(%arg0: i32, %arg1: i32, %arg2: memref<10240x144xf32, #tpu.memory_space<hbm>>, %arg3: memref<61440xi32, #tpu.memory_space<hbm>>, %arg4: memref<10240x144xf32, #tpu.memory_space<hbm>>, %arg5: memref<384xi32, #tpu.memory_space<vmem>>, %arg6: memref<384x144xf32, #tpu.memory_space<vmem>>, %arg7: memref<64x144xf32, #tpu.memory_space<vmem>>, %arg8: memref<!tpu.dma_semaphore, #tpu.memory_space<semaphore_mem>>) attributes {dimension_semantics = [#tpu.dimension_semantics<core_parallel>, #tpu.dimension_semantics<subcore_parallel>], iteration_bounds = array<i64: 2, 16>, scalar_prefetch = 0 : i64, scratch_operands = 4 : i64, tpu.core_type = #tpu.core_type<sc_vector_subcore>, window_params = [{transform_indices = #map}, {transform_indices = #map1}, {transform_indices = #map}]} {
    %mul3A = arith.constant 2 : i32
    %mul3A_0 = arith.muli %arg1, %mul3A : i32
    %add3A = arith.addi %mul3A_0, %arg0 : i32
    %scan3A = arith.constant 0 : i32
    %scan3A_1 = arith.constant 0 : i32
    %scan3A_2 = arith.constant 5 : i32
    %scan3A_3 = arith.addi %scan3A_1, %scan3A_2 : i32
    %scan3A_4 = arith.constant 1 : i32
    scf.for %scan3A_6 = %scan3A_1 to %scan3A_3 step %scan3A_4  : i32 {
      %mul3A_7 = arith.constant 320 : i32
      %mul3A_8 = arith.muli %add3A, %mul3A_7 : i32
      %mul3A_9 = arith.constant 64 : i32
      %mul3A_10 = arith.muli %scan3A_6, %mul3A_9 : i32
      %add3A_11 = arith.addi %mul3A_8, %mul3A_10 : i32
      %mul3A_12 = arith.constant 6 : i32
      %mul3A_13 = arith.muli %add3A_11, %mul3A_12 : i32
      "tpu.region"() ({
        %run_scoped3A = tpu.sem_alloc : memref<!tpu.dma_semaphore, #tpu.memory_space<semaphore_mem>>
        %dma_start3A_66 = tpu.memref_slice %arg3[%mul3A_13] : memref<61440xi32, #tpu.memory_space<hbm>> -> memref<384xi32, #tpu.memory_space<hbm>>
        %dma_start3A_67 = tpu.memref_slice %arg3[%mul3A_13] : memref<61440xi32, #tpu.memory_space<hbm>> -> memref<384xi32, #tpu.memory_space<hbm>>
        tpu.enqueue_dma source(%dma_start3A_67 : memref<384xi32, #tpu.memory_space<hbm>>) target(%arg5 : memref<384xi32, #tpu.memory_space<vmem>>) target_semaphore(%run_scoped3A : memref<!tpu.dma_semaphore, #tpu.memory_space<semaphore_mem>>)
        %dma_wait3A_68 = tpu.memref_slice %arg3[%mul3A_13] : memref<61440xi32, #tpu.memory_space<hbm>> -> memref<384xi32, #tpu.memory_space<hbm>>
        %dma_wait3A_69 = tpu.memref_slice %arg3[%mul3A_13] : memref<61440xi32, #tpu.memory_space<hbm>> -> memref<384xi32, #tpu.memory_space<hbm>>
        tpu.wait_dma2 semaphore(%run_scoped3A : memref<!tpu.dma_semaphore, #tpu.memory_space<semaphore_mem>>) src(%dma_wait3A_69 : memref<384xi32, #tpu.memory_space<hbm>>) dst(%arg5 : memref<384xi32, #tpu.memory_space<vmem>>)
        tpu.yield
      }) : () -> ()
      %dma_start3A = arith.constant 0 : i32
      %dma_start3A_14 = arith.constant 0 : i32
      %dma_start3A_15 = tpu.memref_slice %arg6[%dma_start3A, %dma_start3A_14] : memref<384x144xf32, #tpu.memory_space<vmem>> -> memref<128x144xf32, #tpu.memory_space<vmem>>
      %dma_start3A_16 = arith.constant 0 : i32
      %dma_start3A_17 = tpu.memref_slice %arg5[%dma_start3A_16] : memref<384xi32, #tpu.memory_space<vmem>> -> memref<128xi32, #tpu.memory_space<vmem>>
      %dma_start3A_18 = arith.constant 0 : i32
      %dma_start3A_19 = arith.constant 0 : i32
      %dma_start3A_20 = tpu.memref_slice %arg2[%dma_start3A_18, %dma_start3A_19] : memref<10240x144xf32, #tpu.memory_space<hbm>> -> memref<10240x144xf32, #tpu.memory_space<hbm>>
      tpu.enqueue_indirect_dma source(%dma_start3A_20 : memref<10240x144xf32, #tpu.memory_space<hbm>>) target(%dma_start3A_15 : memref<128x144xf32, #tpu.memory_space<vmem>>) offsets(%dma_start3A_17 : memref<128xi32, #tpu.memory_space<vmem>>) semaphore(%arg8 : memref<!tpu.dma_semaphore, #tpu.memory_space<semaphore_mem>>)
      %dma_start3A_21 = arith.constant 128 : i32
      %dma_start3A_22 = arith.constant 0 : i32
      %dma_start3A_23 = tpu.memref_slice %arg6[%dma_start3A_21, %dma_start3A_22] : memref<384x144xf32, #tpu.memory_space<vmem>> -> memref<128x144xf32, #tpu.memory_space<vmem>>
      %dma_start3A_24 = arith.constant 128 : i32
      %dma_start3A_25 = tpu.memref_slice %arg5[%dma_start3A_24] : memref<384xi32, #tpu.memory_space<vmem>> -> memref<128xi32, #tpu.memory_space<vmem>>
      %dma_start3A_26 = arith.constant 0 : i32
      %dma_start3A_27 = arith.constant 0 : i32
      %dma_start3A_28 = tpu.memref_slice %arg2[%dma_start3A_26, %dma_start3A_27] : memref<10240x144xf32, #tpu.memory_space<hbm>> -> memref<10240x144xf32, #tpu.memory_space<hbm>>
      tpu.enqueue_indirect_dma source(%dma_start3A_28 : memref<10240x144xf32, #tpu.memory_space<hbm>>) target(%dma_start3A_23 : memref<128x144xf32, #tpu.memory_space<vmem>>) offsets(%dma_start3A_25 : memref<128xi32, #tpu.memory_space<vmem>>) semaphore(%arg8 : memref<!tpu.dma_semaphore, #tpu.memory_space<semaphore_mem>>)
      %dma_start3A_29 = arith.constant 256 : i32
      %dma_start3A_30 = arith.constant 0 : i32
      %dma_start3A_31 = tpu.memref_slice %arg6[%dma_start3A_29, %dma_start3A_30] : memref<384x144xf32, #tpu.memory_space<vmem>> -> memref<128x144xf32, #tpu.memory_space<vmem>>
      %dma_start3A_32 = arith.constant 256 : i32
      %dma_start3A_33 = tpu.memref_slice %arg5[%dma_start3A_32] : memref<384xi32, #tpu.memory_space<vmem>> -> memref<128xi32, #tpu.memory_space<vmem>>
      %dma_start3A_34 = arith.constant 0 : i32
      %dma_start3A_35 = arith.constant 0 : i32
      %dma_start3A_36 = tpu.memref_slice %arg2[%dma_start3A_34, %dma_start3A_35] : memref<10240x144xf32, #tpu.memory_space<hbm>> -> memref<10240x144xf32, #tpu.memory_space<hbm>>
      tpu.enqueue_indirect_dma source(%dma_start3A_36 : memref<10240x144xf32, #tpu.memory_space<hbm>>) target(%dma_start3A_31 : memref<128x144xf32, #tpu.memory_space<vmem>>) offsets(%dma_start3A_33 : memref<128xi32, #tpu.memory_space<vmem>>) semaphore(%arg8 : memref<!tpu.dma_semaphore, #tpu.memory_space<semaphore_mem>>)
      %dma_wait3A = arith.constant 0 : i32
      %dma_wait3A_37 = arith.constant 0 : i32
      %dma_wait3A_38 = tpu.memref_slice %arg6[%dma_wait3A, %dma_wait3A_37] : memref<384x144xf32, #tpu.memory_space<vmem>> -> memref<128x144xf32, #tpu.memory_space<vmem>>
      %dma_wait3A_39 = arith.constant 0 : i32
      %dma_wait3A_40 = tpu.memref_slice %arg5[%dma_wait3A_39] : memref<384xi32, #tpu.memory_space<vmem>> -> memref<128xi32, #tpu.memory_space<vmem>>
      %dma_wait3A_41 = arith.constant 0 : i32
      %dma_wait3A_42 = arith.constant 0 : i32
      %dma_wait3A_43 = tpu.memref_slice %arg2[%dma_wait3A_41, %dma_wait3A_42] : memref<10240x144xf32, #tpu.memory_space<hbm>> -> memref<10240x144xf32, #tpu.memory_space<hbm>>
      tpu.wait_indirect_dma semaphore(%arg8 : memref<!tpu.dma_semaphore, #tpu.memory_space<semaphore_mem>>) src(%dma_wait3A_43 : memref<10240x144xf32, #tpu.memory_space<hbm>>) dst(%dma_wait3A_38 : memref<128x144xf32, #tpu.memory_space<vmem>>)
      %dma_wait3A_44 = arith.constant 128 : i32
      %dma_wait3A_45 = arith.constant 0 : i32
      %dma_wait3A_46 = tpu.memref_slice %arg6[%dma_wait3A_44, %dma_wait3A_45] : memref<384x144xf32, #tpu.memory_space<vmem>> -> memref<128x144xf32, #tpu.memory_space<vmem>>
      %dma_wait3A_47 = arith.constant 128 : i32
      %dma_wait3A_48 = tpu.memref_slice %arg5[%dma_wait3A_47] : memref<384xi32, #tpu.memory_space<vmem>> -> memref<128xi32, #tpu.memory_space<vmem>>
      %dma_wait3A_49 = arith.constant 0 : i32
      %dma_wait3A_50 = arith.constant 0 : i32
      %dma_wait3A_51 = tpu.memref_slice %arg2[%dma_wait3A_49, %dma_wait3A_50] : memref<10240x144xf32, #tpu.memory_space<hbm>> -> memref<10240x144xf32, #tpu.memory_space<hbm>>
      tpu.wait_indirect_dma semaphore(%arg8 : memref<!tpu.dma_semaphore, #tpu.memory_space<semaphore_mem>>) src(%dma_wait3A_51 : memref<10240x144xf32, #tpu.memory_space<hbm>>) dst(%dma_wait3A_46 : memref<128x144xf32, #tpu.memory_space<vmem>>)
      %dma_wait3A_52 = arith.constant 256 : i32
      %dma_wait3A_53 = arith.constant 0 : i32
      %dma_wait3A_54 = tpu.memref_slice %arg6[%dma_wait3A_52, %dma_wait3A_53] : memref<384x144xf32, #tpu.memory_space<vmem>> -> memref<128x144xf32, #tpu.memory_space<vmem>>
      %dma_wait3A_55 = arith.constant 256 : i32
      %dma_wait3A_56 = tpu.memref_slice %arg5[%dma_wait3A_55] : memref<384xi32, #tpu.memory_space<vmem>> -> memref<128xi32, #tpu.memory_space<vmem>>
      %dma_wait3A_57 = arith.constant 0 : i32
      %dma_wait3A_58 = arith.constant 0 : i32
      %dma_wait3A_59 = tpu.memref_slice %arg2[%dma_wait3A_57, %dma_wait3A_58] : memref<10240x144xf32, #tpu.memory_space<hbm>> -> memref<10240x144xf32, #tpu.memory_space<hbm>>
      tpu.wait_indirect_dma semaphore(%arg8 : memref<!tpu.dma_semaphore, #tpu.memory_space<semaphore_mem>>) src(%dma_wait3A_59 : memref<10240x144xf32, #tpu.memory_space<hbm>>) dst(%dma_wait3A_54 : memref<128x144xf32, #tpu.memory_space<vmem>>)
      %scan3A_60 = arith.constant 0 : i32
      %scan3A_61 = arith.constant 0 : i32
      %scan3A_62 = arith.constant 64 : i32
      %scan3A_63 = arith.addi %scan3A_61, %scan3A_62 : i32
      %scan3A_64 = arith.constant 1 : i32
      scf.for %scan3A_66 = %scan3A_61 to %scan3A_63 step %scan3A_64  : i32 {
        %mul3A_67 = arith.constant 6 : i32
        %mul3A_68 = arith.muli %scan3A_66, %mul3A_67 : i32
        %get3A = arith.index_cast %mul3A_68 : i32 to index
        %get3A_69 = arith.constant 0 : index
        %get3A_70 = tpu.vector_load %arg6[%get3A, %get3A_69] {strides = array<i32>} : memref<384x144xf32, #tpu.memory_space<vmem>>, vector<1x16xf32>,
        %get3A_71 = vector.shape_cast %get3A_70 : vector<1x16xf32> to vector<16xf32>
        %add3A_72 = arith.constant 1 : i32
        %add3A_73 = arith.addi %mul3A_68, %add3A_72 : i32
        %get3A_74 = arith.index_cast %add3A_73 : i32 to index
        %get3A_75 = arith.constant 0 : index
        %get3A_76 = tpu.vector_load %arg6[%get3A_74, %get3A_75] {strides = array<i32>} : memref<384x144xf32, #tpu.memory_space<vmem>>, vector<1x16xf32>,
        %get3A_77 = vector.shape_cast %get3A_76 : vector<1x16xf32> to vector<16xf32>
        %add3A_78 = arith.addf %get3A_71, %get3A_77 : vector<16xf32>
        %add3A_79 = arith.constant 2 : i32
        %add3A_80 = arith.addi %mul3A_68, %add3A_79 : i32
        %get3A_81 = arith.index_cast %add3A_80 : i32 to index
        %get3A_82 = arith.constant 0 : index
        %get3A_83 = tpu.vector_load %arg6[%get3A_81, %get3A_82] {strides = array<i32>} : memref<384x144xf32, #tpu.memory_space<vmem>>, vector<1x16xf32>,
        %get3A_84 = vector.shape_cast %get3A_83 : vector<1x16xf32> to vector<16xf32>
        %add3A_85 = arith.addf %add3A_78, %get3A_84 : vector<16xf32>
        %add3A_86 = arith.constant 3 : i32
        %add3A_87 = arith.addi %mul3A_68, %add3A_86 : i32
        %get3A_88 = arith.index_cast %add3A_87 : i32 to index
        %get3A_89 = arith.constant 0 : index
        %get3A_90 = tpu.vector_load %arg6[%get3A_88, %get3A_89] {strides = array<i32>} : memref<384x144xf32, #tpu.memory_space<vmem>>, vector<1x16xf32>,
        %get3A_91 = vector.shape_cast %get3A_90 : vector<1x16xf32> to vector<16xf32>
        %add3A_92 = arith.addf %add3A_85, %get3A_91 : vector<16xf32>
        %add3A_93 = arith.constant 4 : i32
        %add3A_94 = arith.addi %mul3A_68, %add3A_93 : i32
        %get3A_95 = arith.index_cast %add3A_94 : i32 to index
        %get3A_96 = arith.constant 0 : index
        %get3A_97 = tpu.vector_load %arg6[%get3A_95, %get3A_96] {strides = array<i32>} : memref<384x144xf32, #tpu.memory_space<vmem>>, vector<1x16xf32>,
        %get3A_98 = vector.shape_cast %get3A_97 : vector<1x16xf32> to vector<16xf32>
        %add3A_99 = arith.addf %add3A_92, %get3A_98 : vector<16xf32>
        %add3A_100 = arith.constant 5 : i32
        %add3A_101 = arith.addi %mul3A_68, %add3A_100 : i32
        %get3A_102 = arith.index_cast %add3A_101 : i32 to index
        %get3A_103 = arith.constant 0 : index
        %get3A_104 = tpu.vector_load %arg6[%get3A_102, %get3A_103] {strides = array<i32>} : memref<384x144xf32, #tpu.memory_space<vmem>>, vector<1x16xf32>,
        %get3A_105 = vector.shape_cast %get3A_104 : vector<1x16xf32> to vector<16xf32>
        %add3A_106 = arith.addf %add3A_99, %get3A_105 : vector<16xf32>
        %swap3A = arith.index_cast %scan3A_66 : i32 to index
        %swap3A_107 = arith.constant 0 : index
        %swap3A_108 = tpu.vector_load %arg7[%swap3A, %swap3A_107] {strides = array<i32>} : memref<64x144xf32, #tpu.memory_space<vmem>>, vector<1x16xf32>,
        %swap3A_109 = vector.shape_cast %swap3A_108 : vector<1x16xf32> to vector<16xf32>
        %swap3A_110 = vector.shape_cast %add3A_106 : vector<16xf32> to vector<1x16xf32>
        tpu.vector_store %arg7[%swap3A, %swap3A_107], %swap3A_110 {strides = array<i32>} : memref<64x144xf32, #tpu.memory_space<vmem>>, vector<1x16xf32>,
        %get3A_111 = arith.index_cast %mul3A_68 : i32 to index
        %get3A_112 = arith.constant 16 : index
        %get3A_113 = tpu.vector_load %arg6[%get3A_111, %get3A_112] {strides = array<i32>} : memref<384x144xf32, #tpu.memory_space<vmem>>, vector<1x16xf32>,
        %get3A_114 = vector.shape_cast %get3A_113 : vector<1x16xf32> to vector<16xf32>
        %add3A_115 = arith.constant 1 : i32
        %add3A_116 = arith.addi %mul3A_68, %add3A_115 : i32
        %get3A_117 = arith.index_cast %add3A_116 : i32 to index
        %get3A_118 = arith.constant 16 : index
        %get3A_119 = tpu.vector_load %arg6[%get3A_117, %get3A_118] {strides = array<i32>} : memref<384x144xf32, #tpu.memory_space<vmem>>, vector<1x16xf32>,
        %get3A_120 = vector.shape_cast %get3A_119 : vector<1x16xf32> to vector<16xf32>
        %add3A_121 = arith.addf %get3A_114, %get3A_120 : vector<16xf32>
        %add3A_122 = arith.constant 2 : i32
        %add3A_123 = arith.addi %mul3A_68, %add3A_122 : i32
        %get3A_124 = arith.index_cast %add3A_123 : i32 to index
        %get3A_125 = arith.constant 16 : index
        %get3A_126 = tpu.vector_load %arg6[%get3A_124, %get3A_125] {strides = array<i32>} : memref<384x144xf32, #tpu.memory_space<vmem>>, vector<1x16xf32>,
        %get3A_127 = vector.shape_cast %get3A_126 : vector<1x16xf32> to vector<16xf32>
        %add3A_128 = arith.addf %add3A_121, %get3A_127 : vector<16xf32>
        %add3A_129 = arith.constant 3 : i32
        %add3A_130 = arith.addi %mul3A_68, %add3A_129 : i32
        %get3A_131 = arith.index_cast %add3A_130 : i32 to index
        %get3A_132 = arith.constant 16 : index
        %get3A_133 = tpu.vector_load %arg6[%get3A_131, %get3A_132] {strides = array<i32>} : memref<384x144xf32, #tpu.memory_space<vmem>>, vector<1x16xf32>,
        %get3A_134 = vector.shape_cast %get3A_133 : vector<1x16xf32> to vector<16xf32>
        %add3A_135 = arith.addf %add3A_128, %get3A_134 : vector<16xf32>
        %add3A_136 = arith.constant 4 : i32
        %add3A_137 = arith.addi %mul3A_68, %add3A_136 : i32
        %get3A_138 = arith.index_cast %add3A_137 : i32 to index
        %get3A_139 = arith.constant 16 : index
        %get3A_140 = tpu.vector_load %arg6[%get3A_138, %get3A_139] {strides = array<i32>} : memref<384x144xf32, #tpu.memory_space<vmem>>, vector<1x16xf32>,
        %get3A_141 = vector.shape_cast %get3A_140 : vector<1x16xf32> to vector<16xf32>
        %add3A_142 = arith.addf %add3A_135, %get3A_141 : vector<16xf32>
        %add3A_143 = arith.constant 5 : i32
        %add3A_144 = arith.addi %mul3A_68, %add3A_143 : i32
        %get3A_145 = arith.index_cast %add3A_144 : i32 to index
        %get3A_146 = arith.constant 16 : index
        %get3A_147 = tpu.vector_load %arg6[%get3A_145, %get3A_146] {strides = array<i32>} : memref<384x144xf32, #tpu.memory_space<vmem>>, vector<1x16xf32>,
        %get3A_148 = vector.shape_cast %get3A_147 : vector<1x16xf32> to vector<16xf32>
        %add3A_149 = arith.addf %add3A_142, %get3A_148 : vector<16xf32>
        %swap3A_150 = arith.index_cast %scan3A_66 : i32 to index
        %swap3A_151 = arith.constant 16 : index
        %swap3A_152 = tpu.vector_load %arg7[%swap3A_150, %swap3A_151] {strides = array<i32>} : memref<64x144xf32, #tpu.memory_space<vmem>>, vector<1x16xf32>,
        %swap3A_153 = vector.shape_cast %swap3A_152 : vector<1x16xf32> to vector<16xf32>
        %swap3A_154 = vector.shape_cast %add3A_149 : vector<16xf32> to vector<1x16xf32>
        tpu.vector_store %arg7[%swap3A_150, %swap3A_151], %swap3A_154 {strides = array<i32>} : memref<64x144xf32, #tpu.memory_space<vmem>>, vector<1x16xf32>,
        %get3A_155 = arith.index_cast %mul3A_68 : i32 to index
        %get3A_156 = arith.constant 32 : index
        %get3A_157 = tpu.vector_load %arg6[%get3A_155, %get3A_156] {strides = array<i32>} : memref<384x144xf32, #tpu.memory_space<vmem>>, vector<1x16xf32>,
        %get3A_158 = vector.shape_cast %get3A_157 : vector<1x16xf32> to vector<16xf32>
        %add3A_159 = arith.constant 1 : i32
        %add3A_160 = arith.addi %mul3A_68, %add3A_159 : i32
        %get3A_161 = arith.index_cast %add3A_160 : i32 to index
        %get3A_162 = arith.constant 32 : index
        %get3A_163 = tpu.vector_load %arg6[%get3A_161, %get3A_162] {strides = array<i32>} : memref<384x144xf32, #tpu.memory_space<vmem>>, vector<1x16xf32>,
        %get3A_164 = vector.shape_cast %get3A_163 : vector<1x16xf32> to vector<16xf32>
        %add3A_165 = arith.addf %get3A_158, %get3A_164 : vector<16xf32>
        %add3A_166 = arith.constant 2 : i32
        %add3A_167 = arith.addi %mul3A_68, %add3A_166 : i32
        %get3A_168 = arith.index_cast %add3A_167 : i32 to index
        %get3A_169 = arith.constant 32 : index
        %get3A_170 = tpu.vector_load %arg6[%get3A_168, %get3A_169] {strides = array<i32>} : memref<384x144xf32, #tpu.memory_space<vmem>>, vector<1x16xf32>,
        %get3A_171 = vector.shape_cast %get3A_170 : vector<1x16xf32> to vector<16xf32>
        %add3A_172 = arith.addf %add3A_165, %get3A_171 : vector<16xf32>
        %add3A_173 = arith.constant 3 : i32
        %add3A_174 = arith.addi %mul3A_68, %add3A_173 : i32
        %get3A_175 = arith.index_cast %add3A_174 : i32 to index
        %get3A_176 = arith.constant 32 : index
        %get3A_177 = tpu.vector_load %arg6[%get3A_175, %get3A_176] {strides = array<i32>} : memref<384x144xf32, #tpu.memory_space<vmem>>, vector<1x16xf32>,
        %get3A_178 = vector.shape_cast %get3A_177 : vector<1x16xf32> to vector<16xf32>
        %add3A_179 = arith.addf %add3A_172, %get3A_178 : vector<16xf32>
        %add3A_180 = arith.constant 4 : i32
        %add3A_181 = arith.addi %mul3A_68, %add3A_180 : i32
        %get3A_182 = arith.index_cast %add3A_181 : i32 to index
        %get3A_183 = arith.constant 32 : index
        %get3A_184 = tpu.vector_load %arg6[%get3A_182, %get3A_183] {strides = array<i32>} : memref<384x144xf32, #tpu.memory_space<vmem>>, vector<1x16xf32>,
        %get3A_185 = vector.shape_cast %get3A_184 : vector<1x16xf32> to vector<16xf32>
        %add3A_186 = arith.addf %add3A_179, %get3A_185 : vector<16xf32>
        %add3A_187 = arith.constant 5 : i32
        %add3A_188 = arith.addi %mul3A_68, %add3A_187 : i32
        %get3A_189 = arith.index_cast %add3A_188 : i32 to index
        %get3A_190 = arith.constant 32 : index
        %get3A_191 = tpu.vector_load %arg6[%get3A_189, %get3A_190] {strides = array<i32>} : memref<384x144xf32, #tpu.memory_space<vmem>>, vector<1x16xf32>,
        %get3A_192 = vector.shape_cast %get3A_191 : vector<1x16xf32> to vector<16xf32>
        %add3A_193 = arith.addf %add3A_186, %get3A_192 : vector<16xf32>
        %swap3A_194 = arith.index_cast %scan3A_66 : i32 to index
        %swap3A_195 = arith.constant 32 : index
        %swap3A_196 = tpu.vector_load %arg7[%swap3A_194, %swap3A_195] {strides = array<i32>} : memref<64x144xf32, #tpu.memory_space<vmem>>, vector<1x16xf32>,
        %swap3A_197 = vector.shape_cast %swap3A_196 : vector<1x16xf32> to vector<16xf32>
        %swap3A_198 = vector.shape_cast %add3A_193 : vector<16xf32> to vector<1x16xf32>
        tpu.vector_store %arg7[%swap3A_194, %swap3A_195], %swap3A_198 {strides = array<i32>} : memref<64x144xf32, #tpu.memory_space<vmem>>, vector<1x16xf32>,
        %get3A_199 = arith.index_cast %mul3A_68 : i32 to index
        %get3A_200 = arith.constant 48 : index
        %get3A_201 = tpu.vector_load %arg6[%get3A_199, %get3A_200] {strides = array<i32>} : memref<384x144xf32, #tpu.memory_space<vmem>>, vector<1x16xf32>,
        %get3A_202 = vector.shape_cast %get3A_201 : vector<1x16xf32> to vector<16xf32>
        %add3A_203 = arith.constant 1 : i32
        %add3A_204 = arith.addi %mul3A_68, %add3A_203 : i32
        %get3A_205 = arith.index_cast %add3A_204 : i32 to index
        %get3A_206 = arith.constant 48 : index
        %get3A_207 = tpu.vector_load %arg6[%get3A_205, %get3A_206] {strides = array<i32>} : memref<384x144xf32, #tpu.memory_space<vmem>>, vector<1x16xf32>,
        %get3A_208 = vector.shape_cast %get3A_207 : vector<1x16xf32> to vector<16xf32>
        %add3A_209 = arith.addf %get3A_202, %get3A_208 : vector<16xf32>
        %add3A_210 = arith.constant 2 : i32
        %add3A_211 = arith.addi %mul3A_68, %add3A_210 : i32
        %get3A_212 = arith.index_cast %add3A_211 : i32 to index
        %get3A_213 = arith.constant 48 : index
        %get3A_214 = tpu.vector_load %arg6[%get3A_212, %get3A_213] {strides = array<i32>} : memref<384x144xf32, #tpu.memory_space<vmem>>, vector<1x16xf32>,
        %get3A_215 = vector.shape_cast %get3A_214 : vector<1x16xf32> to vector<16xf32>
        %add3A_216 = arith.addf %add3A_209, %get3A_215 : vector<16xf32>
        %add3A_217 = arith.constant 3 : i32
        %add3A_218 = arith.addi %mul3A_68, %add3A_217 : i32
        %get3A_219 = arith.index_cast %add3A_218 : i32 to index
        %get3A_220 = arith.constant 48 : index
        %get3A_221 = tpu.vector_load %arg6[%get3A_219, %get3A_220] {strides = array<i32>} : memref<384x144xf32, #tpu.memory_space<vmem>>, vector<1x16xf32>,
        %get3A_222 = vector.shape_cast %get3A_221 : vector<1x16xf32> to vector<16xf32>
        %add3A_223 = arith.addf %add3A_216, %get3A_222 : vector<16xf32>
        %add3A_224 = arith.constant 4 : i32
        %add3A_225 = arith.addi %mul3A_68, %add3A_224 : i32
        %get3A_226 = arith.index_cast %add3A_225 : i32 to index
        %get3A_227 = arith.constant 48 : index
        %get3A_228 = tpu.vector_load %arg6[%get3A_226, %get3A_227] {strides = array<i32>} : memref<384x144xf32, #tpu.memory_space<vmem>>, vector<1x16xf32>,
        %get3A_229 = vector.shape_cast %get3A_228 : vector<1x16xf32> to vector<16xf32>
        %add3A_230 = arith.addf %add3A_223, %get3A_229 : vector<16xf32>
        %add3A_231 = arith.constant 5 : i32
        %add3A_232 = arith.addi %mul3A_68, %add3A_231 : i32
        %get3A_233 = arith.index_cast %add3A_232 : i32 to index
        %get3A_234 = arith.constant 48 : index
        %get3A_235 = tpu.vector_load %arg6[%get3A_233, %get3A_234] {strides = array<i32>} : memref<384x144xf32, #tpu.memory_space<vmem>>, vector<1x16xf32>,
        %get3A_236 = vector.shape_cast %get3A_235 : vector<1x16xf32> to vector<16xf32>
        %add3A_237 = arith.addf %add3A_230, %get3A_236 : vector<16xf32>
        %swap3A_238 = arith.index_cast %scan3A_66 : i32 to index
        %swap3A_239 = arith.constant 48 : index
        %swap3A_240 = tpu.vector_load %arg7[%swap3A_238, %swap3A_239] {strides = array<i32>} : memref<64x144xf32, #tpu.memory_space<vmem>>, vector<1x16xf32>,
        %swap3A_241 = vector.shape_cast %swap3A_240 : vector<1x16xf32> to vector<16xf32>
        %swap3A_242 = vector.shape_cast %add3A_237 : vector<16xf32> to vector<1x16xf32>
        tpu.vector_store %arg7[%swap3A_238, %swap3A_239], %swap3A_242 {strides = array<i32>} : memref<64x144xf32, #tpu.memory_space<vmem>>, vector<1x16xf32>,
        %get3A_243 = arith.index_cast %mul3A_68 : i32 to index
        %get3A_244 = arith.constant 64 : index
        %get3A_245 = tpu.vector_load %arg6[%get3A_243, %get3A_244] {strides = array<i32>} : memref<384x144xf32, #tpu.memory_space<vmem>>, vector<1x16xf32>,
        %get3A_246 = vector.shape_cast %get3A_245 : vector<1x16xf32> to vector<16xf32>
        %add3A_247 = arith.constant 1 : i32
        %add3A_248 = arith.addi %mul3A_68, %add3A_247 : i32
        %get3A_249 = arith.index_cast %add3A_248 : i32 to index
        %get3A_250 = arith.constant 64 : index
        %get3A_251 = tpu.vector_load %arg6[%get3A_249, %get3A_250] {strides = array<i32>} : memref<384x144xf32, #tpu.memory_space<vmem>>, vector<1x16xf32>,
        %get3A_252 = vector.shape_cast %get3A_251 : vector<1x16xf32> to vector<16xf32>
        %add3A_253 = arith.addf %get3A_246, %get3A_252 : vector<16xf32>
        %add3A_254 = arith.constant 2 : i32
        %add3A_255 = arith.addi %mul3A_68, %add3A_254 : i32
        %get3A_256 = arith.index_cast %add3A_255 : i32 to index
        %get3A_257 = arith.constant 64 : index
        %get3A_258 = tpu.vector_load %arg6[%get3A_256, %get3A_257] {strides = array<i32>} : memref<384x144xf32, #tpu.memory_space<vmem>>, vector<1x16xf32>,
        %get3A_259 = vector.shape_cast %get3A_258 : vector<1x16xf32> to vector<16xf32>
        %add3A_260 = arith.addf %add3A_253, %get3A_259 : vector<16xf32>
        %add3A_261 = arith.constant 3 : i32
        %add3A_262 = arith.addi %mul3A_68, %add3A_261 : i32
        %get3A_263 = arith.index_cast %add3A_262 : i32 to index
        %get3A_264 = arith.constant 64 : index
        %get3A_265 = tpu.vector_load %arg6[%get3A_263, %get3A_264] {strides = array<i32>} : memref<384x144xf32, #tpu.memory_space<vmem>>, vector<1x16xf32>,
        %get3A_266 = vector.shape_cast %get3A_265 : vector<1x16xf32> to vector<16xf32>
        %add3A_267 = arith.addf %add3A_260, %get3A_266 : vector<16xf32>
        %add3A_268 = arith.constant 4 : i32
        %add3A_269 = arith.addi %mul3A_68, %add3A_268 : i32
        %get3A_270 = arith.index_cast %add3A_269 : i32 to index
        %get3A_271 = arith.constant 64 : index
        %get3A_272 = tpu.vector_load %arg6[%get3A_270, %get3A_271] {strides = array<i32>} : memref<384x144xf32, #tpu.memory_space<vmem>>, vector<1x16xf32>,
        %get3A_273 = vector.shape_cast %get3A_272 : vector<1x16xf32> to vector<16xf32>
        %add3A_274 = arith.addf %add3A_267, %get3A_273 : vector<16xf32>
        %add3A_275 = arith.constant 5 : i32
        %add3A_276 = arith.addi %mul3A_68, %add3A_275 : i32
        %get3A_277 = arith.index_cast %add3A_276 : i32 to index
        %get3A_278 = arith.constant 64 : index
        %get3A_279 = tpu.vector_load %arg6[%get3A_277, %get3A_278] {strides = array<i32>} : memref<384x144xf32, #tpu.memory_space<vmem>>, vector<1x16xf32>,
        %get3A_280 = vector.shape_cast %get3A_279 : vector<1x16xf32> to vector<16xf32>
        %add3A_281 = arith.addf %add3A_274, %get3A_280 : vector<16xf32>
        %swap3A_282 = arith.index_cast %scan3A_66 : i32 to index
        %swap3A_283 = arith.constant 64 : index
        %swap3A_284 = tpu.vector_load %arg7[%swap3A_282, %swap3A_283] {strides = array<i32>} : memref<64x144xf32, #tpu.memory_space<vmem>>, vector<1x16xf32>,
        %swap3A_285 = vector.shape_cast %swap3A_284 : vector<1x16xf32> to vector<16xf32>
        %swap3A_286 = vector.shape_cast %add3A_281 : vector<16xf32> to vector<1x16xf32>
        tpu.vector_store %arg7[%swap3A_282, %swap3A_283], %swap3A_286 {strides = array<i32>} : memref<64x144xf32, #tpu.memory_space<vmem>>, vector<1x16xf32>,
        %get3A_287 = arith.index_cast %mul3A_68 : i32 to index
        %get3A_288 = arith.constant 80 : index
        %get3A_289 = tpu.vector_load %arg6[%get3A_287, %get3A_288] {strides = array<i32>} : memref<384x144xf32, #tpu.memory_space<vmem>>, vector<1x16xf32>,
        %get3A_290 = vector.shape_cast %get3A_289 : vector<1x16xf32> to vector<16xf32>
        %add3A_291 = arith.constant 1 : i32
        %add3A_292 = arith.addi %mul3A_68, %add3A_291 : i32
        %get3A_293 = arith.index_cast %add3A_292 : i32 to index
        %get3A_294 = arith.constant 80 : index
        %get3A_295 = tpu.vector_load %arg6[%get3A_293, %get3A_294] {strides = array<i32>} : memref<384x144xf32, #tpu.memory_space<vmem>>, vector<1x16xf32>,
        %get3A_296 = vector.shape_cast %get3A_295 : vector<1x16xf32> to vector<16xf32>
        %add3A_297 = arith.addf %get3A_290, %get3A_296 : vector<16xf32>
        %add3A_298 = arith.constant 2 : i32
        %add3A_299 = arith.addi %mul3A_68, %add3A_298 : i32
        %get3A_300 = arith.index_cast %add3A_299 : i32 to index
        %get3A_301 = arith.constant 80 : index
        %get3A_302 = tpu.vector_load %arg6[%get3A_300, %get3A_301] {strides = array<i32>} : memref<384x144xf32, #tpu.memory_space<vmem>>, vector<1x16xf32>,
        %get3A_303 = vector.shape_cast %get3A_302 : vector<1x16xf32> to vector<16xf32>
        %add3A_304 = arith.addf %add3A_297, %get3A_303 : vector<16xf32>
        %add3A_305 = arith.constant 3 : i32
        %add3A_306 = arith.addi %mul3A_68, %add3A_305 : i32
        %get3A_307 = arith.index_cast %add3A_306 : i32 to index
        %get3A_308 = arith.constant 80 : index
        %get3A_309 = tpu.vector_load %arg6[%get3A_307, %get3A_308] {strides = array<i32>} : memref<384x144xf32, #tpu.memory_space<vmem>>, vector<1x16xf32>,
        %get3A_310 = vector.shape_cast %get3A_309 : vector<1x16xf32> to vector<16xf32>
        %add3A_311 = arith.addf %add3A_304, %get3A_310 : vector<16xf32>
        %add3A_312 = arith.constant 4 : i32
        %add3A_313 = arith.addi %mul3A_68, %add3A_312 : i32
        %get3A_314 = arith.index_cast %add3A_313 : i32 to index
        %get3A_315 = arith.constant 80 : index
        %get3A_316 = tpu.vector_load %arg6[%get3A_314, %get3A_315] {strides = array<i32>} : memref<384x144xf32, #tpu.memory_space<vmem>>, vector<1x16xf32>,
        %get3A_317 = vector.shape_cast %get3A_316 : vector<1x16xf32> to vector<16xf32>
        %add3A_318 = arith.addf %add3A_311, %get3A_317 : vector<16xf32>
        %add3A_319 = arith.constant 5 : i32
        %add3A_320 = arith.addi %mul3A_68, %add3A_319 : i32
        %get3A_321 = arith.index_cast %add3A_320 : i32 to index
        %get3A_322 = arith.constant 80 : index
        %get3A_323 = tpu.vector_load %arg6[%get3A_321, %get3A_322] {strides = array<i32>} : memref<384x144xf32, #tpu.memory_space<vmem>>, vector<1x16xf32>,
        %get3A_324 = vector.shape_cast %get3A_323 : vector<1x16xf32> to vector<16xf32>
        %add3A_325 = arith.addf %add3A_318, %get3A_324 : vector<16xf32>
        %swap3A_326 = arith.index_cast %scan3A_66 : i32 to index
        %swap3A_327 = arith.constant 80 : index
        %swap3A_328 = tpu.vector_load %arg7[%swap3A_326, %swap3A_327] {strides = array<i32>} : memref<64x144xf32, #tpu.memory_space<vmem>>, vector<1x16xf32>,
        %swap3A_329 = vector.shape_cast %swap3A_328 : vector<1x16xf32> to vector<16xf32>
        %swap3A_330 = vector.shape_cast %add3A_325 : vector<16xf32> to vector<1x16xf32>
        tpu.vector_store %arg7[%swap3A_326, %swap3A_327], %swap3A_330 {strides = array<i32>} : memref<64x144xf32, #tpu.memory_space<vmem>>, vector<1x16xf32>,
        %get3A_331 = arith.index_cast %mul3A_68 : i32 to index
        %get3A_332 = arith.constant 96 : index
        %get3A_333 = tpu.vector_load %arg6[%get3A_331, %get3A_332] {strides = array<i32>} : memref<384x144xf32, #tpu.memory_space<vmem>>, vector<1x16xf32>,
        %get3A_334 = vector.shape_cast %get3A_333 : vector<1x16xf32> to vector<16xf32>
        %add3A_335 = arith.constant 1 : i32
        %add3A_336 = arith.addi %mul3A_68, %add3A_335 : i32
        %get3A_337 = arith.index_cast %add3A_336 : i32 to index
        %get3A_338 = arith.constant 96 : index
        %get3A_339 = tpu.vector_load %arg6[%get3A_337, %get3A_338] {strides = array<i32>} : memref<384x144xf32, #tpu.memory_space<vmem>>, vector<1x16xf32>,
        %get3A_340 = vector.shape_cast %get3A_339 : vector<1x16xf32> to vector<16xf32>
        %add3A_341 = arith.addf %get3A_334, %get3A_340 : vector<16xf32>
        %add3A_342 = arith.constant 2 : i32
        %add3A_343 = arith.addi %mul3A_68, %add3A_342 : i32
        %get3A_344 = arith.index_cast %add3A_343 : i32 to index
        %get3A_345 = arith.constant 96 : index
        %get3A_346 = tpu.vector_load %arg6[%get3A_344, %get3A_345] {strides = array<i32>} : memref<384x144xf32, #tpu.memory_space<vmem>>, vector<1x16xf32>,
        %get3A_347 = vector.shape_cast %get3A_346 : vector<1x16xf32> to vector<16xf32>
        %add3A_348 = arith.addf %add3A_341, %get3A_347 : vector<16xf32>
        %add3A_349 = arith.constant 3 : i32
        %add3A_350 = arith.addi %mul3A_68, %add3A_349 : i32
        %get3A_351 = arith.index_cast %add3A_350 : i32 to index
        %get3A_352 = arith.constant 96 : index
        %get3A_353 = tpu.vector_load %arg6[%get3A_351, %get3A_352] {strides = array<i32>} : memref<384x144xf32, #tpu.memory_space<vmem>>, vector<1x16xf32>,
        %get3A_354 = vector.shape_cast %get3A_353 : vector<1x16xf32> to vector<16xf32>
        %add3A_355 = arith.addf %add3A_348, %get3A_354 : vector<16xf32>
        %add3A_356 = arith.constant 4 : i32
        %add3A_357 = arith.addi %mul3A_68, %add3A_356 : i32
        %get3A_358 = arith.index_cast %add3A_357 : i32 to index
        %get3A_359 = arith.constant 96 : index
        %get3A_360 = tpu.vector_load %arg6[%get3A_358, %get3A_359] {strides = array<i32>} : memref<384x144xf32, #tpu.memory_space<vmem>>, vector<1x16xf32>,
        %get3A_361 = vector.shape_cast %get3A_360 : vector<1x16xf32> to vector<16xf32>
        %add3A_362 = arith.addf %add3A_355, %get3A_361 : vector<16xf32>
        %add3A_363 = arith.constant 5 : i32
        %add3A_364 = arith.addi %mul3A_68, %add3A_363 : i32
        %get3A_365 = arith.index_cast %add3A_364 : i32 to index
        %get3A_366 = arith.constant 96 : index
        %get3A_367 = tpu.vector_load %arg6[%get3A_365, %get3A_366] {strides = array<i32>} : memref<384x144xf32, #tpu.memory_space<vmem>>, vector<1x16xf32>,
        %get3A_368 = vector.shape_cast %get3A_367 : vector<1x16xf32> to vector<16xf32>
        %add3A_369 = arith.addf %add3A_362, %get3A_368 : vector<16xf32>
        %swap3A_370 = arith.index_cast %scan3A_66 : i32 to index
        %swap3A_371 = arith.constant 96 : index
        %swap3A_372 = tpu.vector_load %arg7[%swap3A_370, %swap3A_371] {strides = array<i32>} : memref<64x144xf32, #tpu.memory_space<vmem>>, vector<1x16xf32>,
        %swap3A_373 = vector.shape_cast %swap3A_372 : vector<1x16xf32> to vector<16xf32>
        %swap3A_374 = vector.shape_cast %add3A_369 : vector<16xf32> to vector<1x16xf32>
        tpu.vector_store %arg7[%swap3A_370, %swap3A_371], %swap3A_374 {strides = array<i32>} : memref<64x144xf32, #tpu.memory_space<vmem>>, vector<1x16xf32>,
        %get3A_375 = arith.index_cast %mul3A_68 : i32 to index
        %get3A_376 = arith.constant 112 : index
        %get3A_377 = tpu.vector_load %arg6[%get3A_375, %get3A_376] {strides = array<i32>} : memref<384x144xf32, #tpu.memory_space<vmem>>, vector<1x16xf32>,
        %get3A_378 = vector.shape_cast %get3A_377 : vector<1x16xf32> to vector<16xf32>
        %add3A_379 = arith.constant 1 : i32
        %add3A_380 = arith.addi %mul3A_68, %add3A_379 : i32
        %get3A_381 = arith.index_cast %add3A_380 : i32 to index
        %get3A_382 = arith.constant 112 : index
        %get3A_383 = tpu.vector_load %arg6[%get3A_381, %get3A_382] {strides = array<i32>} : memref<384x144xf32, #tpu.memory_space<vmem>>, vector<1x16xf32>,
        %get3A_384 = vector.shape_cast %get3A_383 : vector<1x16xf32> to vector<16xf32>
        %add3A_385 = arith.addf %get3A_378, %get3A_384 : vector<16xf32>
        %add3A_386 = arith.constant 2 : i32
        %add3A_387 = arith.addi %mul3A_68, %add3A_386 : i32
        %get3A_388 = arith.index_cast %add3A_387 : i32 to index
        %get3A_389 = arith.constant 112 : index
        %get3A_390 = tpu.vector_load %arg6[%get3A_388, %get3A_389] {strides = array<i32>} : memref<384x144xf32, #tpu.memory_space<vmem>>, vector<1x16xf32>,
        %get3A_391 = vector.shape_cast %get3A_390 : vector<1x16xf32> to vector<16xf32>
        %add3A_392 = arith.addf %add3A_385, %get3A_391 : vector<16xf32>
        %add3A_393 = arith.constant 3 : i32
        %add3A_394 = arith.addi %mul3A_68, %add3A_393 : i32
        %get3A_395 = arith.index_cast %add3A_394 : i32 to index
        %get3A_396 = arith.constant 112 : index
        %get3A_397 = tpu.vector_load %arg6[%get3A_395, %get3A_396] {strides = array<i32>} : memref<384x144xf32, #tpu.memory_space<vmem>>, vector<1x16xf32>,
        %get3A_398 = vector.shape_cast %get3A_397 : vector<1x16xf32> to vector<16xf32>
        %add3A_399 = arith.addf %add3A_392, %get3A_398 : vector<16xf32>
        %add3A_400 = arith.constant 4 : i32
        %add3A_401 = arith.addi %mul3A_68, %add3A_400 : i32
        %get3A_402 = arith.index_cast %add3A_401 : i32 to index
        %get3A_403 = arith.constant 112 : index
        %get3A_404 = tpu.vector_load %arg6[%get3A_402, %get3A_403] {strides = array<i32>} : memref<384x144xf32, #tpu.memory_space<vmem>>, vector<1x16xf32>,
        %get3A_405 = vector.shape_cast %get3A_404 : vector<1x16xf32> to vector<16xf32>
        %add3A_406 = arith.addf %add3A_399, %get3A_405 : vector<16xf32>
        %add3A_407 = arith.constant 5 : i32
        %add3A_408 = arith.addi %mul3A_68, %add3A_407 : i32
        %get3A_409 = arith.index_cast %add3A_408 : i32 to index
        %get3A_410 = arith.constant 112 : index
        %get3A_411 = tpu.vector_load %arg6[%get3A_409, %get3A_410] {strides = array<i32>} : memref<384x144xf32, #tpu.memory_space<vmem>>, vector<1x16xf32>,
        %get3A_412 = vector.shape_cast %get3A_411 : vector<1x16xf32> to vector<16xf32>
        %add3A_413 = arith.addf %add3A_406, %get3A_412 : vector<16xf32>
        %swap3A_414 = arith.index_cast %scan3A_66 : i32 to index
        %swap3A_415 = arith.constant 112 : index
        %swap3A_416 = tpu.vector_load %arg7[%swap3A_414, %swap3A_415] {strides = array<i32>} : memref<64x144xf32, #tpu.memory_space<vmem>>, vector<1x16xf32>,
        %swap3A_417 = vector.shape_cast %swap3A_416 : vector<1x16xf32> to vector<16xf32>
        %swap3A_418 = vector.shape_cast %add3A_413 : vector<16xf32> to vector<1x16xf32>
        tpu.vector_store %arg7[%swap3A_414, %swap3A_415], %swap3A_418 {strides = array<i32>} : memref<64x144xf32, #tpu.memory_space<vmem>>, vector<1x16xf32>,
        %get3A_419 = arith.index_cast %mul3A_68 : i32 to index
        %get3A_420 = arith.constant 128 : index
        %get3A_421 = tpu.vector_load %arg6[%get3A_419, %get3A_420] {strides = array<i32>} : memref<384x144xf32, #tpu.memory_space<vmem>>, vector<1x16xf32>,
        %get3A_422 = vector.shape_cast %get3A_421 : vector<1x16xf32> to vector<16xf32>
        %add3A_423 = arith.constant 1 : i32
        %add3A_424 = arith.addi %mul3A_68, %add3A_423 : i32
        %get3A_425 = arith.index_cast %add3A_424 : i32 to index
        %get3A_426 = arith.constant 128 : index
        %get3A_427 = tpu.vector_load %arg6[%get3A_425, %get3A_426] {strides = array<i32>} : memref<384x144xf32, #tpu.memory_space<vmem>>, vector<1x16xf32>,
        %get3A_428 = vector.shape_cast %get3A_427 : vector<1x16xf32> to vector<16xf32>
        %add3A_429 = arith.addf %get3A_422, %get3A_428 : vector<16xf32>
        %add3A_430 = arith.constant 2 : i32
        %add3A_431 = arith.addi %mul3A_68, %add3A_430 : i32
        %get3A_432 = arith.index_cast %add3A_431 : i32 to index
        %get3A_433 = arith.constant 128 : index
        %get3A_434 = tpu.vector_load %arg6[%get3A_432, %get3A_433] {strides = array<i32>} : memref<384x144xf32, #tpu.memory_space<vmem>>, vector<1x16xf32>,
        %get3A_435 = vector.shape_cast %get3A_434 : vector<1x16xf32> to vector<16xf32>
        %add3A_436 = arith.addf %add3A_429, %get3A_435 : vector<16xf32>
        %add3A_437 = arith.constant 3 : i32
        %add3A_438 = arith.addi %mul3A_68, %add3A_437 : i32
        %get3A_439 = arith.index_cast %add3A_438 : i32 to index
        %get3A_440 = arith.constant 128 : index
        %get3A_441 = tpu.vector_load %arg6[%get3A_439, %get3A_440] {strides = array<i32>} : memref<384x144xf32, #tpu.memory_space<vmem>>, vector<1x16xf32>,
        %get3A_442 = vector.shape_cast %get3A_441 : vector<1x16xf32> to vector<16xf32>
        %add3A_443 = arith.addf %add3A_436, %get3A_442 : vector<16xf32>
        %add3A_444 = arith.constant 4 : i32
        %add3A_445 = arith.addi %mul3A_68, %add3A_444 : i32
        %get3A_446 = arith.index_cast %add3A_445 : i32 to index
        %get3A_447 = arith.constant 128 : index
        %get3A_448 = tpu.vector_load %arg6[%get3A_446, %get3A_447] {strides = array<i32>} : memref<384x144xf32, #tpu.memory_space<vmem>>, vector<1x16xf32>,
        %get3A_449 = vector.shape_cast %get3A_448 : vector<1x16xf32> to vector<16xf32>
        %add3A_450 = arith.addf %add3A_443, %get3A_449 : vector<16xf32>
        %add3A_451 = arith.constant 5 : i32
        %add3A_452 = arith.addi %mul3A_68, %add3A_451 : i32
        %get3A_453 = arith.index_cast %add3A_452 : i32 to index
        %get3A_454 = arith.constant 128 : index
        %get3A_455 = tpu.vector_load %arg6[%get3A_453, %get3A_454] {strides = array<i32>} : memref<384x144xf32, #tpu.memory_space<vmem>>, vector<1x16xf32>,
        %get3A_456 = vector.shape_cast %get3A_455 : vector<1x16xf32> to vector<16xf32>
        %add3A_457 = arith.addf %add3A_450, %get3A_456 : vector<16xf32>
        %swap3A_458 = arith.index_cast %scan3A_66 : i32 to index
        %swap3A_459 = arith.constant 128 : index
        %swap3A_460 = tpu.vector_load %arg7[%swap3A_458, %swap3A_459] {strides = array<i32>} : memref<64x144xf32, #tpu.memory_space<vmem>>, vector<1x16xf32>,
        %swap3A_461 = vector.shape_cast %swap3A_460 : vector<1x16xf32> to vector<16xf32>
        %swap3A_462 = vector.shape_cast %add3A_457 : vector<16xf32> to vector<1x16xf32>
        tpu.vector_store %arg7[%swap3A_458, %swap3A_459], %swap3A_462 {strides = array<i32>} : memref<64x144xf32, #tpu.memory_space<vmem>>, vector<1x16xf32>,
      }
      %scan3A_65 = arith.constant 64 : i32
      "tpu.region"() ({
        %run_scoped3A = tpu.sem_alloc : memref<!tpu.dma_semaphore, #tpu.memory_space<semaphore_mem>>
        %dma_start3A_66 = arith.constant 0 : i32
        %dma_start3A_67 = tpu.memref_slice %arg4[%add3A_11, %dma_start3A_66] : memref<10240x144xf32, #tpu.memory_space<hbm>> -> memref<64x144xf32, #tpu.memory_space<hbm>>
        %dma_start3A_68 = arith.constant 0 : i32
        %dma_start3A_69 = tpu.memref_slice %arg4[%add3A_11, %dma_start3A_68] : memref<10240x144xf32, #tpu.memory_space<hbm>> -> memref<64x144xf32, #tpu.memory_space<hbm>>
        tpu.enqueue_dma source(%arg7 : memref<64x144xf32, #tpu.memory_space<vmem>>) target(%dma_start3A_69 : memref<64x144xf32, #tpu.memory_space<hbm>>) target_semaphore(%run_scoped3A : memref<!tpu.dma_semaphore, #tpu.memory_space<semaphore_mem>>)
        %dma_wait3A_70 = arith.constant 0 : i32
        %dma_wait3A_71 = tpu.memref_slice %arg4[%add3A_11, %dma_wait3A_70] : memref<10240x144xf32, #tpu.memory_space<hbm>> -> memref<64x144xf32, #tpu.memory_space<hbm>>
        %dma_wait3A_72 = arith.constant 0 : i32
        %dma_wait3A_73 = tpu.memref_slice %arg4[%add3A_11, %dma_wait3A_72] : memref<10240x144xf32, #tpu.memory_space<hbm>> -> memref<64x144xf32, #tpu.memory_space<hbm>>
        tpu.wait_dma2 semaphore(%run_scoped3A : memref<!tpu.dma_semaphore, #tpu.memory_space<semaphore_mem>>) src(%arg7 : memref<64x144xf32, #tpu.memory_space<vmem>>) dst(%dma_wait3A_73 : memref<64x144xf32, #tpu.memory_space<hbm>>)
        tpu.yield
      }) : () -> ()
    }
    %scan3A_5 = arith.constant 5 : i32
    return
  }
}

#map = affine_map<(d0, d1) -> (0, 0)>
#map1 = affine_map<(d0, d1) -> (0)>
module attributes {stable_mosaic.version = 14 : i64} {
  func.func @_segsum_body(%arg0: i32, %arg1: i32, %arg2: memref<10240x144xf32, #tpu.memory_space<hbm>>, %arg3: memref<61440xi32, #tpu.memory_space<hbm>>, %arg4: memref<10240x144xf32, #tpu.memory_space<hbm>>, %arg5: memref<384xi32, #tpu.memory_space<vmem>>, %arg6: memref<384x144xf32, #tpu.memory_space<vmem>>, %arg7: memref<64x144xf32, #tpu.memory_space<vmem>>, %arg8: memref<!tpu.dma_semaphore, #tpu.memory_space<semaphore_mem>>) attributes {dimension_semantics = [#tpu.dimension_semantics<core_parallel>, #tpu.dimension_semantics<subcore_parallel>], iteration_bounds = array<i64: 2, 16>, scalar_prefetch = 0 : i64, scratch_operands = 4 : i64, tpu.core_type = #tpu.core_type<sc_vector_subcore>, window_params = [{transform_indices = #map}, {transform_indices = #map1}, {transform_indices = #map}]} {
    %mul3A = arith.constant 2 : i32
    %mul3A_0 = arith.muli %arg1, %mul3A : i32
    %add3A = arith.addi %mul3A_0, %arg0 : i32
    %scan3A = arith.constant 0 : i32
    %scan3A_1 = arith.constant 0 : i32
    %scan3A_2 = arith.constant 5 : i32
    %scan3A_3 = arith.addi %scan3A_1, %scan3A_2 : i32
    %scan3A_4 = arith.constant 1 : i32
    scf.for %scan3A_6 = %scan3A_1 to %scan3A_3 step %scan3A_4  : i32 {
      %mul3A_7 = arith.constant 320 : i32
      %mul3A_8 = arith.muli %add3A, %mul3A_7 : i32
      %mul3A_9 = arith.constant 64 : i32
      %mul3A_10 = arith.muli %scan3A_6, %mul3A_9 : i32
      %add3A_11 = arith.addi %mul3A_8, %mul3A_10 : i32
      %mul3A_12 = arith.constant 6 : i32
      %mul3A_13 = arith.muli %add3A_11, %mul3A_12 : i32
      "tpu.region"() ({
        %run_scoped3A = tpu.sem_alloc : memref<!tpu.dma_semaphore, #tpu.memory_space<semaphore_mem>>
        %dma_start3A_66 = tpu.memref_slice %arg3[%mul3A_13] : memref<61440xi32, #tpu.memory_space<hbm>> -> memref<384xi32, #tpu.memory_space<hbm>>
        %dma_start3A_67 = tpu.memref_slice %arg3[%mul3A_13] : memref<61440xi32, #tpu.memory_space<hbm>> -> memref<384xi32, #tpu.memory_space<hbm>>
        tpu.enqueue_dma source(%dma_start3A_67 : memref<384xi32, #tpu.memory_space<hbm>>) target(%arg5 : memref<384xi32, #tpu.memory_space<vmem>>) target_semaphore(%run_scoped3A : memref<!tpu.dma_semaphore, #tpu.memory_space<semaphore_mem>>)
        %dma_wait3A_68 = tpu.memref_slice %arg3[%mul3A_13] : memref<61440xi32, #tpu.memory_space<hbm>> -> memref<384xi32, #tpu.memory_space<hbm>>
        %dma_wait3A_69 = tpu.memref_slice %arg3[%mul3A_13] : memref<61440xi32, #tpu.memory_space<hbm>> -> memref<384xi32, #tpu.memory_space<hbm>>
        tpu.wait_dma2 semaphore(%run_scoped3A : memref<!tpu.dma_semaphore, #tpu.memory_space<semaphore_mem>>) src(%dma_wait3A_69 : memref<384xi32, #tpu.memory_space<hbm>>) dst(%arg5 : memref<384xi32, #tpu.memory_space<vmem>>)
        tpu.yield
      }) : () -> ()
      %dma_start3A = arith.constant 0 : i32
      %dma_start3A_14 = arith.constant 0 : i32
      %dma_start3A_15 = tpu.memref_slice %arg6[%dma_start3A, %dma_start3A_14] : memref<384x144xf32, #tpu.memory_space<vmem>> -> memref<128x144xf32, #tpu.memory_space<vmem>>
      %dma_start3A_16 = arith.constant 0 : i32
      %dma_start3A_17 = tpu.memref_slice %arg5[%dma_start3A_16] : memref<384xi32, #tpu.memory_space<vmem>> -> memref<128xi32, #tpu.memory_space<vmem>>
      %dma_start3A_18 = arith.constant 0 : i32
      %dma_start3A_19 = arith.constant 0 : i32
      %dma_start3A_20 = tpu.memref_slice %arg2[%dma_start3A_18, %dma_start3A_19] : memref<10240x144xf32, #tpu.memory_space<hbm>> -> memref<10240x144xf32, #tpu.memory_space<hbm>>
      tpu.enqueue_indirect_dma source(%dma_start3A_20 : memref<10240x144xf32, #tpu.memory_space<hbm>>) target(%dma_start3A_15 : memref<128x144xf32, #tpu.memory_space<vmem>>) offsets(%dma_start3A_17 : memref<128xi32, #tpu.memory_space<vmem>>) semaphore(%arg8 : memref<!tpu.dma_semaphore, #tpu.memory_space<semaphore_mem>>)
      %dma_start3A_21 = arith.constant 128 : i32
      %dma_start3A_22 = arith.constant 0 : i32
      %dma_start3A_23 = tpu.memref_slice %arg6[%dma_start3A_21, %dma_start3A_22] : memref<384x144xf32, #tpu.memory_space<vmem>> -> memref<128x144xf32, #tpu.memory_space<vmem>>
      %dma_start3A_24 = arith.constant 128 : i32
      %dma_start3A_25 = tpu.memref_slice %arg5[%dma_start3A_24] : memref<384xi32, #tpu.memory_space<vmem>> -> memref<128xi32, #tpu.memory_space<vmem>>
      %dma_start3A_26 = arith.constant 0 : i32
      %dma_start3A_27 = arith.constant 0 : i32
      %dma_start3A_28 = tpu.memref_slice %arg2[%dma_start3A_26, %dma_start3A_27] : memref<10240x144xf32, #tpu.memory_space<hbm>> -> memref<10240x144xf32, #tpu.memory_space<hbm>>
      tpu.enqueue_indirect_dma source(%dma_start3A_28 : memref<10240x144xf32, #tpu.memory_space<hbm>>) target(%dma_start3A_23 : memref<128x144xf32, #tpu.memory_space<vmem>>) offsets(%dma_start3A_25 : memref<128xi32, #tpu.memory_space<vmem>>) semaphore(%arg8 : memref<!tpu.dma_semaphore, #tpu.memory_space<semaphore_mem>>)
      %dma_start3A_29 = arith.constant 256 : i32
      %dma_start3A_30 = arith.constant 0 : i32
      %dma_start3A_31 = tpu.memref_slice %arg6[%dma_start3A_29, %dma_start3A_30] : memref<384x144xf32, #tpu.memory_space<vmem>> -> memref<128x144xf32, #tpu.memory_space<vmem>>
      %dma_start3A_32 = arith.constant 256 : i32
      %dma_start3A_33 = tpu.memref_slice %arg5[%dma_start3A_32] : memref<384xi32, #tpu.memory_space<vmem>> -> memref<128xi32, #tpu.memory_space<vmem>>
      %dma_start3A_34 = arith.constant 0 : i32
      %dma_start3A_35 = arith.constant 0 : i32
      %dma_start3A_36 = tpu.memref_slice %arg2[%dma_start3A_34, %dma_start3A_35] : memref<10240x144xf32, #tpu.memory_space<hbm>> -> memref<10240x144xf32, #tpu.memory_space<hbm>>
      tpu.enqueue_indirect_dma source(%dma_start3A_36 : memref<10240x144xf32, #tpu.memory_space<hbm>>) target(%dma_start3A_31 : memref<128x144xf32, #tpu.memory_space<vmem>>) offsets(%dma_start3A_33 : memref<128xi32, #tpu.memory_space<vmem>>) semaphore(%arg8 : memref<!tpu.dma_semaphore, #tpu.memory_space<semaphore_mem>>)
      %dma_wait3A = arith.constant 0 : i32
      %dma_wait3A_37 = arith.constant 0 : i32
      %dma_wait3A_38 = tpu.memref_slice %arg6[%dma_wait3A, %dma_wait3A_37] : memref<384x144xf32, #tpu.memory_space<vmem>> -> memref<128x144xf32, #tpu.memory_space<vmem>>
      %dma_wait3A_39 = arith.constant 0 : i32
      %dma_wait3A_40 = tpu.memref_slice %arg5[%dma_wait3A_39] : memref<384xi32, #tpu.memory_space<vmem>> -> memref<128xi32, #tpu.memory_space<vmem>>
      %dma_wait3A_41 = arith.constant 0 : i32
      %dma_wait3A_42 = arith.constant 0 : i32
      %dma_wait3A_43 = tpu.memref_slice %arg2[%dma_wait3A_41, %dma_wait3A_42] : memref<10240x144xf32, #tpu.memory_space<hbm>> -> memref<10240x144xf32, #tpu.memory_space<hbm>>
      tpu.wait_indirect_dma semaphore(%arg8 : memref<!tpu.dma_semaphore, #tpu.memory_space<semaphore_mem>>) src(%dma_wait3A_43 : memref<10240x144xf32, #tpu.memory_space<hbm>>) dst(%dma_wait3A_38 : memref<128x144xf32, #tpu.memory_space<vmem>>)
      %dma_wait3A_44 = arith.constant 128 : i32
      %dma_wait3A_45 = arith.constant 0 : i32
      %dma_wait3A_46 = tpu.memref_slice %arg6[%dma_wait3A_44, %dma_wait3A_45] : memref<384x144xf32, #tpu.memory_space<vmem>> -> memref<128x144xf32, #tpu.memory_space<vmem>>
      %dma_wait3A_47 = arith.constant 128 : i32
      %dma_wait3A_48 = tpu.memref_slice %arg5[%dma_wait3A_47] : memref<384xi32, #tpu.memory_space<vmem>> -> memref<128xi32, #tpu.memory_space<vmem>>
      %dma_wait3A_49 = arith.constant 0 : i32
      %dma_wait3A_50 = arith.constant 0 : i32
      %dma_wait3A_51 = tpu.memref_slice %arg2[%dma_wait3A_49, %dma_wait3A_50] : memref<10240x144xf32, #tpu.memory_space<hbm>> -> memref<10240x144xf32, #tpu.memory_space<hbm>>
      tpu.wait_indirect_dma semaphore(%arg8 : memref<!tpu.dma_semaphore, #tpu.memory_space<semaphore_mem>>) src(%dma_wait3A_51 : memref<10240x144xf32, #tpu.memory_space<hbm>>) dst(%dma_wait3A_46 : memref<128x144xf32, #tpu.memory_space<vmem>>)
      %dma_wait3A_52 = arith.constant 256 : i32
      %dma_wait3A_53 = arith.constant 0 : i32
      %dma_wait3A_54 = tpu.memref_slice %arg6[%dma_wait3A_52, %dma_wait3A_53] : memref<384x144xf32, #tpu.memory_space<vmem>> -> memref<128x144xf32, #tpu.memory_space<vmem>>
      %dma_wait3A_55 = arith.constant 256 : i32
      %dma_wait3A_56 = tpu.memref_slice %arg5[%dma_wait3A_55] : memref<384xi32, #tpu.memory_space<vmem>> -> memref<128xi32, #tpu.memory_space<vmem>>
      %dma_wait3A_57 = arith.constant 0 : i32
      %dma_wait3A_58 = arith.constant 0 : i32
      %dma_wait3A_59 = tpu.memref_slice %arg2[%dma_wait3A_57, %dma_wait3A_58] : memref<10240x144xf32, #tpu.memory_space<hbm>> -> memref<10240x144xf32, #tpu.memory_space<hbm>>
      tpu.wait_indirect_dma semaphore(%arg8 : memref<!tpu.dma_semaphore, #tpu.memory_space<semaphore_mem>>) src(%dma_wait3A_59 : memref<10240x144xf32, #tpu.memory_space<hbm>>) dst(%dma_wait3A_54 : memref<128x144xf32, #tpu.memory_space<vmem>>)
      %scan3A_60 = arith.constant 0 : i32
      %scan3A_61 = arith.constant 0 : i32
      %scan3A_62 = arith.constant 64 : i32
      %scan3A_63 = arith.addi %scan3A_61, %scan3A_62 : i32
      %scan3A_64 = arith.constant 1 : i32
      scf.for %scan3A_66 = %scan3A_61 to %scan3A_63 step %scan3A_64  : i32 {
        %mul3A_67 = arith.constant 6 : i32
        %mul3A_68 = arith.muli %scan3A_66, %mul3A_67 : i32
        %get3A = arith.index_cast %mul3A_68 : i32 to index
        %get3A_69 = arith.constant 0 : index
        %get3A_70 = tpu.vector_load %arg6[%get3A, %get3A_69] {strides = array<i32>} : memref<384x144xf32, #tpu.memory_space<vmem>>, vector<1x16xf32>,
        %get3A_71 = vector.shape_cast %get3A_70 : vector<1x16xf32> to vector<16xf32>
        %add3A_72 = arith.constant 1 : i32
        %add3A_73 = arith.addi %mul3A_68, %add3A_72 : i32
        %get3A_74 = arith.index_cast %add3A_73 : i32 to index
        %get3A_75 = arith.constant 0 : index
        %get3A_76 = tpu.vector_load %arg6[%get3A_74, %get3A_75] {strides = array<i32>} : memref<384x144xf32, #tpu.memory_space<vmem>>, vector<1x16xf32>,
        %get3A_77 = vector.shape_cast %get3A_76 : vector<1x16xf32> to vector<16xf32>
        %add3A_78 = arith.addf %get3A_71, %get3A_77 : vector<16xf32>
        %add3A_79 = arith.constant 2 : i32
        %add3A_80 = arith.addi %mul3A_68, %add3A_79 : i32
        %get3A_81 = arith.index_cast %add3A_80 : i32 to index
        %get3A_82 = arith.constant 0 : index
        %get3A_83 = tpu.vector_load %arg6[%get3A_81, %get3A_82] {strides = array<i32>} : memref<384x144xf32, #tpu.memory_space<vmem>>, vector<1x16xf32>,
        %get3A_84 = vector.shape_cast %get3A_83 : vector<1x16xf32> to vector<16xf32>
        %add3A_85 = arith.addf %add3A_78, %get3A_84 : vector<16xf32>
        %add3A_86 = arith.constant 3 : i32
        %add3A_87 = arith.addi %mul3A_68, %add3A_86 : i32
        %get3A_88 = arith.index_cast %add3A_87 : i32 to index
        %get3A_89 = arith.constant 0 : index
        %get3A_90 = tpu.vector_load %arg6[%get3A_88, %get3A_89] {strides = array<i32>} : memref<384x144xf32, #tpu.memory_space<vmem>>, vector<1x16xf32>,
        %get3A_91 = vector.shape_cast %get3A_90 : vector<1x16xf32> to vector<16xf32>
        %add3A_92 = arith.addf %add3A_85, %get3A_91 : vector<16xf32>
        %add3A_93 = arith.constant 4 : i32
        %add3A_94 = arith.addi %mul3A_68, %add3A_93 : i32
        %get3A_95 = arith.index_cast %add3A_94 : i32 to index
        %get3A_96 = arith.constant 0 : index
        %get3A_97 = tpu.vector_load %arg6[%get3A_95, %get3A_96] {strides = array<i32>} : memref<384x144xf32, #tpu.memory_space<vmem>>, vector<1x16xf32>,
        %get3A_98 = vector.shape_cast %get3A_97 : vector<1x16xf32> to vector<16xf32>
        %add3A_99 = arith.addf %add3A_92, %get3A_98 : vector<16xf32>
        %add3A_100 = arith.constant 5 : i32
        %add3A_101 = arith.addi %mul3A_68, %add3A_100 : i32
        %get3A_102 = arith.index_cast %add3A_101 : i32 to index
        %get3A_103 = arith.constant 0 : index
        %get3A_104 = tpu.vector_load %arg6[%get3A_102, %get3A_103] {strides = array<i32>} : memref<384x144xf32, #tpu.memory_space<vmem>>, vector<1x16xf32>,
        %get3A_105 = vector.shape_cast %get3A_104 : vector<1x16xf32> to vector<16xf32>
        %add3A_106 = arith.addf %add3A_99, %get3A_105 : vector<16xf32>
        %swap3A = arith.index_cast %scan3A_66 : i32 to index
        %swap3A_107 = arith.constant 0 : index
        %swap3A_108 = tpu.vector_load %arg7[%swap3A, %swap3A_107] {strides = array<i32>} : memref<64x144xf32, #tpu.memory_space<vmem>>, vector<1x16xf32>,
        %swap3A_109 = vector.shape_cast %swap3A_108 : vector<1x16xf32> to vector<16xf32>
        %swap3A_110 = vector.shape_cast %add3A_106 : vector<16xf32> to vector<1x16xf32>
        tpu.vector_store %arg7[%swap3A, %swap3A_107], %swap3A_110 {strides = array<i32>} : memref<64x144xf32, #tpu.memory_space<vmem>>, vector<1x16xf32>,
        %get3A_111 = arith.index_cast %mul3A_68 : i32 to index
        %get3A_112 = arith.constant 16 : index
        %get3A_113 = tpu.vector_load %arg6[%get3A_111, %get3A_112] {strides = array<i32>} : memref<384x144xf32, #tpu.memory_space<vmem>>, vector<1x16xf32>,
        %get3A_114 = vector.shape_cast %get3A_113 : vector<1x16xf32> to vector<16xf32>
        %add3A_115 = arith.constant 1 : i32
        %add3A_116 = arith.addi %mul3A_68, %add3A_115 : i32
        %get3A_117 = arith.index_cast %add3A_116 : i32 to index
        %get3A_118 = arith.constant 16 : index
        %get3A_119 = tpu.vector_load %arg6[%get3A_117, %get3A_118] {strides = array<i32>} : memref<384x144xf32, #tpu.memory_space<vmem>>, vector<1x16xf32>,
        %get3A_120 = vector.shape_cast %get3A_119 : vector<1x16xf32> to vector<16xf32>
        %add3A_121 = arith.addf %get3A_114, %get3A_120 : vector<16xf32>
        %add3A_122 = arith.constant 2 : i32
        %add3A_123 = arith.addi %mul3A_68, %add3A_122 : i32
        %get3A_124 = arith.index_cast %add3A_123 : i32 to index
        %get3A_125 = arith.constant 16 : index
        %get3A_126 = tpu.vector_load %arg6[%get3A_124, %get3A_125] {strides = array<i32>} : memref<384x144xf32, #tpu.memory_space<vmem>>, vector<1x16xf32>,
        %get3A_127 = vector.shape_cast %get3A_126 : vector<1x16xf32> to vector<16xf32>
        %add3A_128 = arith.addf %add3A_121, %get3A_127 : vector<16xf32>
        %add3A_129 = arith.constant 3 : i32
        %add3A_130 = arith.addi %mul3A_68, %add3A_129 : i32
        %get3A_131 = arith.index_cast %add3A_130 : i32 to index
        %get3A_132 = arith.constant 16 : index
        %get3A_133 = tpu.vector_load %arg6[%get3A_131, %get3A_132] {strides = array<i32>} : memref<384x144xf32, #tpu.memory_space<vmem>>, vector<1x16xf32>,
        %get3A_134 = vector.shape_cast %get3A_133 : vector<1x16xf32> to vector<16xf32>
        %add3A_135 = arith.addf %add3A_128, %get3A_134 : vector<16xf32>
        %add3A_136 = arith.constant 4 : i32
        %add3A_137 = arith.addi %mul3A_68, %add3A_136 : i32
        %get3A_138 = arith.index_cast %add3A_137 : i32 to index
        %get3A_139 = arith.constant 16 : index
        %get3A_140 = tpu.vector_load %arg6[%get3A_138, %get3A_139] {strides = array<i32>} : memref<384x144xf32, #tpu.memory_space<vmem>>, vector<1x16xf32>,
        %get3A_141 = vector.shape_cast %get3A_140 : vector<1x16xf32> to vector<16xf32>
        %add3A_142 = arith.addf %add3A_135, %get3A_141 : vector<16xf32>
        %add3A_143 = arith.constant 5 : i32
        %add3A_144 = arith.addi %mul3A_68, %add3A_143 : i32
        %get3A_145 = arith.index_cast %add3A_144 : i32 to index
        %get3A_146 = arith.constant 16 : index
        %get3A_147 = tpu.vector_load %arg6[%get3A_145, %get3A_146] {strides = array<i32>} : memref<384x144xf32, #tpu.memory_space<vmem>>, vector<1x16xf32>,
        %get3A_148 = vector.shape_cast %get3A_147 : vector<1x16xf32> to vector<16xf32>
        %add3A_149 = arith.addf %add3A_142, %get3A_148 : vector<16xf32>
        %swap3A_150 = arith.index_cast %scan3A_66 : i32 to index
        %swap3A_151 = arith.constant 16 : index
        %swap3A_152 = tpu.vector_load %arg7[%swap3A_150, %swap3A_151] {strides = array<i32>} : memref<64x144xf32, #tpu.memory_space<vmem>>, vector<1x16xf32>,
        %swap3A_153 = vector.shape_cast %swap3A_152 : vector<1x16xf32> to vector<16xf32>
        %swap3A_154 = vector.shape_cast %add3A_149 : vector<16xf32> to vector<1x16xf32>
        tpu.vector_store %arg7[%swap3A_150, %swap3A_151], %swap3A_154 {strides = array<i32>} : memref<64x144xf32, #tpu.memory_space<vmem>>, vector<1x16xf32>,
        %get3A_155 = arith.index_cast %mul3A_68 : i32 to index
        %get3A_156 = arith.constant 32 : index
        %get3A_157 = tpu.vector_load %arg6[%get3A_155, %get3A_156] {strides = array<i32>} : memref<384x144xf32, #tpu.memory_space<vmem>>, vector<1x16xf32>,
        %get3A_158 = vector.shape_cast %get3A_157 : vector<1x16xf32> to vector<16xf32>
        %add3A_159 = arith.constant 1 : i32
        %add3A_160 = arith.addi %mul3A_68, %add3A_159 : i32
        %get3A_161 = arith.index_cast %add3A_160 : i32 to index
        %get3A_162 = arith.constant 32 : index
        %get3A_163 = tpu.vector_load %arg6[%get3A_161, %get3A_162] {strides = array<i32>} : memref<384x144xf32, #tpu.memory_space<vmem>>, vector<1x16xf32>,
        %get3A_164 = vector.shape_cast %get3A_163 : vector<1x16xf32> to vector<16xf32>
        %add3A_165 = arith.addf %get3A_158, %get3A_164 : vector<16xf32>
        %add3A_166 = arith.constant 2 : i32
        %add3A_167 = arith.addi %mul3A_68, %add3A_166 : i32
        %get3A_168 = arith.index_cast %add3A_167 : i32 to index
        %get3A_169 = arith.constant 32 : index
        %get3A_170 = tpu.vector_load %arg6[%get3A_168, %get3A_169] {strides = array<i32>} : memref<384x144xf32, #tpu.memory_space<vmem>>, vector<1x16xf32>,
        %get3A_171 = vector.shape_cast %get3A_170 : vector<1x16xf32> to vector<16xf32>
        %add3A_172 = arith.addf %add3A_165, %get3A_171 : vector<16xf32>
        %add3A_173 = arith.constant 3 : i32
        %add3A_174 = arith.addi %mul3A_68, %add3A_173 : i32
        %get3A_175 = arith.index_cast %add3A_174 : i32 to index
        %get3A_176 = arith.constant 32 : index
        %get3A_177 = tpu.vector_load %arg6[%get3A_175, %get3A_176] {strides = array<i32>} : memref<384x144xf32, #tpu.memory_space<vmem>>, vector<1x16xf32>,
        %get3A_178 = vector.shape_cast %get3A_177 : vector<1x16xf32> to vector<16xf32>
        %add3A_179 = arith.addf %add3A_172, %get3A_178 : vector<16xf32>
        %add3A_180 = arith.constant 4 : i32
        %add3A_181 = arith.addi %mul3A_68, %add3A_180 : i32
        %get3A_182 = arith.index_cast %add3A_181 : i32 to index
        %get3A_183 = arith.constant 32 : index
        %get3A_184 = tpu.vector_load %arg6[%get3A_182, %get3A_183] {strides = array<i32>} : memref<384x144xf32, #tpu.memory_space<vmem>>, vector<1x16xf32>,
        %get3A_185 = vector.shape_cast %get3A_184 : vector<1x16xf32> to vector<16xf32>
        %add3A_186 = arith.addf %add3A_179, %get3A_185 : vector<16xf32>
        %add3A_187 = arith.constant 5 : i32
        %add3A_188 = arith.addi %mul3A_68, %add3A_187 : i32
        %get3A_189 = arith.index_cast %add3A_188 : i32 to index
        %get3A_190 = arith.constant 32 : index
        %get3A_191 = tpu.vector_load %arg6[%get3A_189, %get3A_190] {strides = array<i32>} : memref<384x144xf32, #tpu.memory_space<vmem>>, vector<1x16xf32>,
        %get3A_192 = vector.shape_cast %get3A_191 : vector<1x16xf32> to vector<16xf32>
        %add3A_193 = arith.addf %add3A_186, %get3A_192 : vector<16xf32>
        %swap3A_194 = arith.index_cast %scan3A_66 : i32 to index
        %swap3A_195 = arith.constant 32 : index
        %swap3A_196 = tpu.vector_load %arg7[%swap3A_194, %swap3A_195] {strides = array<i32>} : memref<64x144xf32, #tpu.memory_space<vmem>>, vector<1x16xf32>,
        %swap3A_197 = vector.shape_cast %swap3A_196 : vector<1x16xf32> to vector<16xf32>
        %swap3A_198 = vector.shape_cast %add3A_193 : vector<16xf32> to vector<1x16xf32>
        tpu.vector_store %arg7[%swap3A_194, %swap3A_195], %swap3A_198 {strides = array<i32>} : memref<64x144xf32, #tpu.memory_space<vmem>>, vector<1x16xf32>,
        %get3A_199 = arith.index_cast %mul3A_68 : i32 to index
        %get3A_200 = arith.constant 48 : index
        %get3A_201 = tpu.vector_load %arg6[%get3A_199, %get3A_200] {strides = array<i32>} : memref<384x144xf32, #tpu.memory_space<vmem>>, vector<1x16xf32>,
        %get3A_202 = vector.shape_cast %get3A_201 : vector<1x16xf32> to vector<16xf32>
        %add3A_203 = arith.constant 1 : i32
        %add3A_204 = arith.addi %mul3A_68, %add3A_203 : i32
        %get3A_205 = arith.index_cast %add3A_204 : i32 to index
        %get3A_206 = arith.constant 48 : index
        %get3A_207 = tpu.vector_load %arg6[%get3A_205, %get3A_206] {strides = array<i32>} : memref<384x144xf32, #tpu.memory_space<vmem>>, vector<1x16xf32>,
        %get3A_208 = vector.shape_cast %get3A_207 : vector<1x16xf32> to vector<16xf32>
        %add3A_209 = arith.addf %get3A_202, %get3A_208 : vector<16xf32>
        %add3A_210 = arith.constant 2 : i32
        %add3A_211 = arith.addi %mul3A_68, %add3A_210 : i32
        %get3A_212 = arith.index_cast %add3A_211 : i32 to index
        %get3A_213 = arith.constant 48 : index
        %get3A_214 = tpu.vector_load %arg6[%get3A_212, %get3A_213] {strides = array<i32>} : memref<384x144xf32, #tpu.memory_space<vmem>>, vector<1x16xf32>,
        %get3A_215 = vector.shape_cast %get3A_214 : vector<1x16xf32> to vector<16xf32>
        %add3A_216 = arith.addf %add3A_209, %get3A_215 : vector<16xf32>
        %add3A_217 = arith.constant 3 : i32
        %add3A_218 = arith.addi %mul3A_68, %add3A_217 : i32
        %get3A_219 = arith.index_cast %add3A_218 : i32 to index
        %get3A_220 = arith.constant 48 : index
        %get3A_221 = tpu.vector_load %arg6[%get3A_219, %get3A_220] {strides = array<i32>} : memref<384x144xf32, #tpu.memory_space<vmem>>, vector<1x16xf32>,
        %get3A_222 = vector.shape_cast %get3A_221 : vector<1x16xf32> to vector<16xf32>
        %add3A_223 = arith.addf %add3A_216, %get3A_222 : vector<16xf32>
        %add3A_224 = arith.constant 4 : i32
        %add3A_225 = arith.addi %mul3A_68, %add3A_224 : i32
        %get3A_226 = arith.index_cast %add3A_225 : i32 to index
        %get3A_227 = arith.constant 48 : index
        %get3A_228 = tpu.vector_load %arg6[%get3A_226, %get3A_227] {strides = array<i32>} : memref<384x144xf32, #tpu.memory_space<vmem>>, vector<1x16xf32>,
        %get3A_229 = vector.shape_cast %get3A_228 : vector<1x16xf32> to vector<16xf32>
        %add3A_230 = arith.addf %add3A_223, %get3A_229 : vector<16xf32>
        %add3A_231 = arith.constant 5 : i32
        %add3A_232 = arith.addi %mul3A_68, %add3A_231 : i32
        %get3A_233 = arith.index_cast %add3A_232 : i32 to index
        %get3A_234 = arith.constant 48 : index
        %get3A_235 = tpu.vector_load %arg6[%get3A_233, %get3A_234] {strides = array<i32>} : memref<384x144xf32, #tpu.memory_space<vmem>>, vector<1x16xf32>,
        %get3A_236 = vector.shape_cast %get3A_235 : vector<1x16xf32> to vector<16xf32>
        %add3A_237 = arith.addf %add3A_230, %get3A_236 : vector<16xf32>
        %swap3A_238 = arith.index_cast %scan3A_66 : i32 to index
        %swap3A_239 = arith.constant 48 : index
        %swap3A_240 = tpu.vector_load %arg7[%swap3A_238, %swap3A_239] {strides = array<i32>} : memref<64x144xf32, #tpu.memory_space<vmem>>, vector<1x16xf32>,
        %swap3A_241 = vector.shape_cast %swap3A_240 : vector<1x16xf32> to vector<16xf32>
        %swap3A_242 = vector.shape_cast %add3A_237 : vector<16xf32> to vector<1x16xf32>
        tpu.vector_store %arg7[%swap3A_238, %swap3A_239], %swap3A_242 {strides = array<i32>} : memref<64x144xf32, #tpu.memory_space<vmem>>, vector<1x16xf32>,
        %get3A_243 = arith.index_cast %mul3A_68 : i32 to index
        %get3A_244 = arith.constant 64 : index
        %get3A_245 = tpu.vector_load %arg6[%get3A_243, %get3A_244] {strides = array<i32>} : memref<384x144xf32, #tpu.memory_space<vmem>>, vector<1x16xf32>,
        %get3A_246 = vector.shape_cast %get3A_245 : vector<1x16xf32> to vector<16xf32>
        %add3A_247 = arith.constant 1 : i32
        %add3A_248 = arith.addi %mul3A_68, %add3A_247 : i32
        %get3A_249 = arith.index_cast %add3A_248 : i32 to index
        %get3A_250 = arith.constant 64 : index
        %get3A_251 = tpu.vector_load %arg6[%get3A_249, %get3A_250] {strides = array<i32>} : memref<384x144xf32, #tpu.memory_space<vmem>>, vector<1x16xf32>,
        %get3A_252 = vector.shape_cast %get3A_251 : vector<1x16xf32> to vector<16xf32>
        %add3A_253 = arith.addf %get3A_246, %get3A_252 : vector<16xf32>
        %add3A_254 = arith.constant 2 : i32
        %add3A_255 = arith.addi %mul3A_68, %add3A_254 : i32
        %get3A_256 = arith.index_cast %add3A_255 : i32 to index
        %get3A_257 = arith.constant 64 : index
        %get3A_258 = tpu.vector_load %arg6[%get3A_256, %get3A_257] {strides = array<i32>} : memref<384x144xf32, #tpu.memory_space<vmem>>, vector<1x16xf32>,
        %get3A_259 = vector.shape_cast %get3A_258 : vector<1x16xf32> to vector<16xf32>
        %add3A_260 = arith.addf %add3A_253, %get3A_259 : vector<16xf32>
        %add3A_261 = arith.constant 3 : i32
        %add3A_262 = arith.addi %mul3A_68, %add3A_261 : i32
        %get3A_263 = arith.index_cast %add3A_262 : i32 to index
        %get3A_264 = arith.constant 64 : index
        %get3A_265 = tpu.vector_load %arg6[%get3A_263, %get3A_264] {strides = array<i32>} : memref<384x144xf32, #tpu.memory_space<vmem>>, vector<1x16xf32>,
        %get3A_266 = vector.shape_cast %get3A_265 : vector<1x16xf32> to vector<16xf32>
        %add3A_267 = arith.addf %add3A_260, %get3A_266 : vector<16xf32>
        %add3A_268 = arith.constant 4 : i32
        %add3A_269 = arith.addi %mul3A_68, %add3A_268 : i32
        %get3A_270 = arith.index_cast %add3A_269 : i32 to index
        %get3A_271 = arith.constant 64 : index
        %get3A_272 = tpu.vector_load %arg6[%get3A_270, %get3A_271] {strides = array<i32>} : memref<384x144xf32, #tpu.memory_space<vmem>>, vector<1x16xf32>,
        %get3A_273 = vector.shape_cast %get3A_272 : vector<1x16xf32> to vector<16xf32>
        %add3A_274 = arith.addf %add3A_267, %get3A_273 : vector<16xf32>
        %add3A_275 = arith.constant 5 : i32
        %add3A_276 = arith.addi %mul3A_68, %add3A_275 : i32
        %get3A_277 = arith.index_cast %add3A_276 : i32 to index
        %get3A_278 = arith.constant 64 : index
        %get3A_279 = tpu.vector_load %arg6[%get3A_277, %get3A_278] {strides = array<i32>} : memref<384x144xf32, #tpu.memory_space<vmem>>, vector<1x16xf32>,
        %get3A_280 = vector.shape_cast %get3A_279 : vector<1x16xf32> to vector<16xf32>
        %add3A_281 = arith.addf %add3A_274, %get3A_280 : vector<16xf32>
        %swap3A_282 = arith.index_cast %scan3A_66 : i32 to index
        %swap3A_283 = arith.constant 64 : index
        %swap3A_284 = tpu.vector_load %arg7[%swap3A_282, %swap3A_283] {strides = array<i32>} : memref<64x144xf32, #tpu.memory_space<vmem>>, vector<1x16xf32>,
        %swap3A_285 = vector.shape_cast %swap3A_284 : vector<1x16xf32> to vector<16xf32>
        %swap3A_286 = vector.shape_cast %add3A_281 : vector<16xf32> to vector<1x16xf32>
        tpu.vector_store %arg7[%swap3A_282, %swap3A_283], %swap3A_286 {strides = array<i32>} : memref<64x144xf32, #tpu.memory_space<vmem>>, vector<1x16xf32>,
        %get3A_287 = arith.index_cast %mul3A_68 : i32 to index
        %get3A_288 = arith.constant 80 : index
        %get3A_289 = tpu.vector_load %arg6[%get3A_287, %get3A_288] {strides = array<i32>} : memref<384x144xf32, #tpu.memory_space<vmem>>, vector<1x16xf32>,
        %get3A_290 = vector.shape_cast %get3A_289 : vector<1x16xf32> to vector<16xf32>
        %add3A_291 = arith.constant 1 : i32
        %add3A_292 = arith.addi %mul3A_68, %add3A_291 : i32
        %get3A_293 = arith.index_cast %add3A_292 : i32 to index
        %get3A_294 = arith.constant 80 : index
        %get3A_295 = tpu.vector_load %arg6[%get3A_293, %get3A_294] {strides = array<i32>} : memref<384x144xf32, #tpu.memory_space<vmem>>, vector<1x16xf32>,
        %get3A_296 = vector.shape_cast %get3A_295 : vector<1x16xf32> to vector<16xf32>
        %add3A_297 = arith.addf %get3A_290, %get3A_296 : vector<16xf32>
        %add3A_298 = arith.constant 2 : i32
        %add3A_299 = arith.addi %mul3A_68, %add3A_298 : i32
        %get3A_300 = arith.index_cast %add3A_299 : i32 to index
        %get3A_301 = arith.constant 80 : index
        %get3A_302 = tpu.vector_load %arg6[%get3A_300, %get3A_301] {strides = array<i32>} : memref<384x144xf32, #tpu.memory_space<vmem>>, vector<1x16xf32>,
        %get3A_303 = vector.shape_cast %get3A_302 : vector<1x16xf32> to vector<16xf32>
        %add3A_304 = arith.addf %add3A_297, %get3A_303 : vector<16xf32>
        %add3A_305 = arith.constant 3 : i32
        %add3A_306 = arith.addi %mul3A_68, %add3A_305 : i32
        %get3A_307 = arith.index_cast %add3A_306 : i32 to index
        %get3A_308 = arith.constant 80 : index
        %get3A_309 = tpu.vector_load %arg6[%get3A_307, %get3A_308] {strides = array<i32>} : memref<384x144xf32, #tpu.memory_space<vmem>>, vector<1x16xf32>,
        %get3A_310 = vector.shape_cast %get3A_309 : vector<1x16xf32> to vector<16xf32>
        %add3A_311 = arith.addf %add3A_304, %get3A_310 : vector<16xf32>
        %add3A_312 = arith.constant 4 : i32
        %add3A_313 = arith.addi %mul3A_68, %add3A_312 : i32
        %get3A_314 = arith.index_cast %add3A_313 : i32 to index
        %get3A_315 = arith.constant 80 : index
        %get3A_316 = tpu.vector_load %arg6[%get3A_314, %get3A_315] {strides = array<i32>} : memref<384x144xf32, #tpu.memory_space<vmem>>, vector<1x16xf32>,
        %get3A_317 = vector.shape_cast %get3A_316 : vector<1x16xf32> to vector<16xf32>
        %add3A_318 = arith.addf %add3A_311, %get3A_317 : vector<16xf32>
        %add3A_319 = arith.constant 5 : i32
        %add3A_320 = arith.addi %mul3A_68, %add3A_319 : i32
        %get3A_321 = arith.index_cast %add3A_320 : i32 to index
        %get3A_322 = arith.constant 80 : index
        %get3A_323 = tpu.vector_load %arg6[%get3A_321, %get3A_322] {strides = array<i32>} : memref<384x144xf32, #tpu.memory_space<vmem>>, vector<1x16xf32>,
        %get3A_324 = vector.shape_cast %get3A_323 : vector<1x16xf32> to vector<16xf32>
        %add3A_325 = arith.addf %add3A_318, %get3A_324 : vector<16xf32>
        %swap3A_326 = arith.index_cast %scan3A_66 : i32 to index
        %swap3A_327 = arith.constant 80 : index
        %swap3A_328 = tpu.vector_load %arg7[%swap3A_326, %swap3A_327] {strides = array<i32>} : memref<64x144xf32, #tpu.memory_space<vmem>>, vector<1x16xf32>,
        %swap3A_329 = vector.shape_cast %swap3A_328 : vector<1x16xf32> to vector<16xf32>
        %swap3A_330 = vector.shape_cast %add3A_325 : vector<16xf32> to vector<1x16xf32>
        tpu.vector_store %arg7[%swap3A_326, %swap3A_327], %swap3A_330 {strides = array<i32>} : memref<64x144xf32, #tpu.memory_space<vmem>>, vector<1x16xf32>,
        %get3A_331 = arith.index_cast %mul3A_68 : i32 to index
        %get3A_332 = arith.constant 96 : index
        %get3A_333 = tpu.vector_load %arg6[%get3A_331, %get3A_332] {strides = array<i32>} : memref<384x144xf32, #tpu.memory_space<vmem>>, vector<1x16xf32>,
        %get3A_334 = vector.shape_cast %get3A_333 : vector<1x16xf32> to vector<16xf32>
        %add3A_335 = arith.constant 1 : i32
        %add3A_336 = arith.addi %mul3A_68, %add3A_335 : i32
        %get3A_337 = arith.index_cast %add3A_336 : i32 to index
        %get3A_338 = arith.constant 96 : index
        %get3A_339 = tpu.vector_load %arg6[%get3A_337, %get3A_338] {strides = array<i32>} : memref<384x144xf32, #tpu.memory_space<vmem>>, vector<1x16xf32>,
        %get3A_340 = vector.shape_cast %get3A_339 : vector<1x16xf32> to vector<16xf32>
        %add3A_341 = arith.addf %get3A_334, %get3A_340 : vector<16xf32>
        %add3A_342 = arith.constant 2 : i32
        %add3A_343 = arith.addi %mul3A_68, %add3A_342 : i32
        %get3A_344 = arith.index_cast %add3A_343 : i32 to index
        %get3A_345 = arith.constant 96 : index
        %get3A_346 = tpu.vector_load %arg6[%get3A_344, %get3A_345] {strides = array<i32>} : memref<384x144xf32, #tpu.memory_space<vmem>>, vector<1x16xf32>,
        %get3A_347 = vector.shape_cast %get3A_346 : vector<1x16xf32> to vector<16xf32>
        %add3A_348 = arith.addf %add3A_341, %get3A_347 : vector<16xf32>
        %add3A_349 = arith.constant 3 : i32
        %add3A_350 = arith.addi %mul3A_68, %add3A_349 : i32
        %get3A_351 = arith.index_cast %add3A_350 : i32 to index
        %get3A_352 = arith.constant 96 : index
        %get3A_353 = tpu.vector_load %arg6[%get3A_351, %get3A_352] {strides = array<i32>} : memref<384x144xf32, #tpu.memory_space<vmem>>, vector<1x16xf32>,
        %get3A_354 = vector.shape_cast %get3A_353 : vector<1x16xf32> to vector<16xf32>
        %add3A_355 = arith.addf %add3A_348, %get3A_354 : vector<16xf32>
        %add3A_356 = arith.constant 4 : i32
        %add3A_357 = arith.addi %mul3A_68, %add3A_356 : i32
        %get3A_358 = arith.index_cast %add3A_357 : i32 to index
        %get3A_359 = arith.constant 96 : index
        %get3A_360 = tpu.vector_load %arg6[%get3A_358, %get3A_359] {strides = array<i32>} : memref<384x144xf32, #tpu.memory_space<vmem>>, vector<1x16xf32>,
        %get3A_361 = vector.shape_cast %get3A_360 : vector<1x16xf32> to vector<16xf32>
        %add3A_362 = arith.addf %add3A_355, %get3A_361 : vector<16xf32>
        %add3A_363 = arith.constant 5 : i32
        %add3A_364 = arith.addi %mul3A_68, %add3A_363 : i32
        %get3A_365 = arith.index_cast %add3A_364 : i32 to index
        %get3A_366 = arith.constant 96 : index
        %get3A_367 = tpu.vector_load %arg6[%get3A_365, %get3A_366] {strides = array<i32>} : memref<384x144xf32, #tpu.memory_space<vmem>>, vector<1x16xf32>,
        %get3A_368 = vector.shape_cast %get3A_367 : vector<1x16xf32> to vector<16xf32>
        %add3A_369 = arith.addf %add3A_362, %get3A_368 : vector<16xf32>
        %swap3A_370 = arith.index_cast %scan3A_66 : i32 to index
        %swap3A_371 = arith.constant 96 : index
        %swap3A_372 = tpu.vector_load %arg7[%swap3A_370, %swap3A_371] {strides = array<i32>} : memref<64x144xf32, #tpu.memory_space<vmem>>, vector<1x16xf32>,
        %swap3A_373 = vector.shape_cast %swap3A_372 : vector<1x16xf32> to vector<16xf32>
        %swap3A_374 = vector.shape_cast %add3A_369 : vector<16xf32> to vector<1x16xf32>
        tpu.vector_store %arg7[%swap3A_370, %swap3A_371], %swap3A_374 {strides = array<i32>} : memref<64x144xf32, #tpu.memory_space<vmem>>, vector<1x16xf32>,
        %get3A_375 = arith.index_cast %mul3A_68 : i32 to index
        %get3A_376 = arith.constant 112 : index
        %get3A_377 = tpu.vector_load %arg6[%get3A_375, %get3A_376] {strides = array<i32>} : memref<384x144xf32, #tpu.memory_space<vmem>>, vector<1x16xf32>,
        %get3A_378 = vector.shape_cast %get3A_377 : vector<1x16xf32> to vector<16xf32>
        %add3A_379 = arith.constant 1 : i32
        %add3A_380 = arith.addi %mul3A_68, %add3A_379 : i32
        %get3A_381 = arith.index_cast %add3A_380 : i32 to index
        %get3A_382 = arith.constant 112 : index
        %get3A_383 = tpu.vector_load %arg6[%get3A_381, %get3A_382] {strides = array<i32>} : memref<384x144xf32, #tpu.memory_space<vmem>>, vector<1x16xf32>,
        %get3A_384 = vector.shape_cast %get3A_383 : vector<1x16xf32> to vector<16xf32>
        %add3A_385 = arith.addf %get3A_378, %get3A_384 : vector<16xf32>
        %add3A_386 = arith.constant 2 : i32
        %add3A_387 = arith.addi %mul3A_68, %add3A_386 : i32
        %get3A_388 = arith.index_cast %add3A_387 : i32 to index
        %get3A_389 = arith.constant 112 : index
        %get3A_390 = tpu.vector_load %arg6[%get3A_388, %get3A_389] {strides = array<i32>} : memref<384x144xf32, #tpu.memory_space<vmem>>, vector<1x16xf32>,
        %get3A_391 = vector.shape_cast %get3A_390 : vector<1x16xf32> to vector<16xf32>
        %add3A_392 = arith.addf %add3A_385, %get3A_391 : vector<16xf32>
        %add3A_393 = arith.constant 3 : i32
        %add3A_394 = arith.addi %mul3A_68, %add3A_393 : i32
        %get3A_395 = arith.index_cast %add3A_394 : i32 to index
        %get3A_396 = arith.constant 112 : index
        %get3A_397 = tpu.vector_load %arg6[%get3A_395, %get3A_396] {strides = array<i32>} : memref<384x144xf32, #tpu.memory_space<vmem>>, vector<1x16xf32>,
        %get3A_398 = vector.shape_cast %get3A_397 : vector<1x16xf32> to vector<16xf32>
        %add3A_399 = arith.addf %add3A_392, %get3A_398 : vector<16xf32>
        %add3A_400 = arith.constant 4 : i32
        %add3A_401 = arith.addi %mul3A_68, %add3A_400 : i32
        %get3A_402 = arith.index_cast %add3A_401 : i32 to index
        %get3A_403 = arith.constant 112 : index
        %get3A_404 = tpu.vector_load %arg6[%get3A_402, %get3A_403] {strides = array<i32>} : memref<384x144xf32, #tpu.memory_space<vmem>>, vector<1x16xf32>,
        %get3A_405 = vector.shape_cast %get3A_404 : vector<1x16xf32> to vector<16xf32>
        %add3A_406 = arith.addf %add3A_399, %get3A_405 : vector<16xf32>
        %add3A_407 = arith.constant 5 : i32
        %add3A_408 = arith.addi %mul3A_68, %add3A_407 : i32
        %get3A_409 = arith.index_cast %add3A_408 : i32 to index
        %get3A_410 = arith.constant 112 : index
        %get3A_411 = tpu.vector_load %arg6[%get3A_409, %get3A_410] {strides = array<i32>} : memref<384x144xf32, #tpu.memory_space<vmem>>, vector<1x16xf32>,
        %get3A_412 = vector.shape_cast %get3A_411 : vector<1x16xf32> to vector<16xf32>
        %add3A_413 = arith.addf %add3A_406, %get3A_412 : vector<16xf32>
        %swap3A_414 = arith.index_cast %scan3A_66 : i32 to index
        %swap3A_415 = arith.constant 112 : index
        %swap3A_416 = tpu.vector_load %arg7[%swap3A_414, %swap3A_415] {strides = array<i32>} : memref<64x144xf32, #tpu.memory_space<vmem>>, vector<1x16xf32>,
        %swap3A_417 = vector.shape_cast %swap3A_416 : vector<1x16xf32> to vector<16xf32>
        %swap3A_418 = vector.shape_cast %add3A_413 : vector<16xf32> to vector<1x16xf32>
        tpu.vector_store %arg7[%swap3A_414, %swap3A_415], %swap3A_418 {strides = array<i32>} : memref<64x144xf32, #tpu.memory_space<vmem>>, vector<1x16xf32>,
        %get3A_419 = arith.index_cast %mul3A_68 : i32 to index
        %get3A_420 = arith.constant 128 : index
        %get3A_421 = tpu.vector_load %arg6[%get3A_419, %get3A_420] {strides = array<i32>} : memref<384x144xf32, #tpu.memory_space<vmem>>, vector<1x16xf32>,
        %get3A_422 = vector.shape_cast %get3A_421 : vector<1x16xf32> to vector<16xf32>
        %add3A_423 = arith.constant 1 : i32
        %add3A_424 = arith.addi %mul3A_68, %add3A_423 : i32
        %get3A_425 = arith.index_cast %add3A_424 : i32 to index
        %get3A_426 = arith.constant 128 : index
        %get3A_427 = tpu.vector_load %arg6[%get3A_425, %get3A_426] {strides = array<i32>} : memref<384x144xf32, #tpu.memory_space<vmem>>, vector<1x16xf32>,
        %get3A_428 = vector.shape_cast %get3A_427 : vector<1x16xf32> to vector<16xf32>
        %add3A_429 = arith.addf %get3A_422, %get3A_428 : vector<16xf32>
        %add3A_430 = arith.constant 2 : i32
        %add3A_431 = arith.addi %mul3A_68, %add3A_430 : i32
        %get3A_432 = arith.index_cast %add3A_431 : i32 to index
        %get3A_433 = arith.constant 128 : index
        %get3A_434 = tpu.vector_load %arg6[%get3A_432, %get3A_433] {strides = array<i32>} : memref<384x144xf32, #tpu.memory_space<vmem>>, vector<1x16xf32>,
        %get3A_435 = vector.shape_cast %get3A_434 : vector<1x16xf32> to vector<16xf32>
        %add3A_436 = arith.addf %add3A_429, %get3A_435 : vector<16xf32>
        %add3A_437 = arith.constant 3 : i32
        %add3A_438 = arith.addi %mul3A_68, %add3A_437 : i32
        %get3A_439 = arith.index_cast %add3A_438 : i32 to index
        %get3A_440 = arith.constant 128 : index
        %get3A_441 = tpu.vector_load %arg6[%get3A_439, %get3A_440] {strides = array<i32>} : memref<384x144xf32, #tpu.memory_space<vmem>>, vector<1x16xf32>,
        %get3A_442 = vector.shape_cast %get3A_441 : vector<1x16xf32> to vector<16xf32>
        %add3A_443 = arith.addf %add3A_436, %get3A_442 : vector<16xf32>
        %add3A_444 = arith.constant 4 : i32
        %add3A_445 = arith.addi %mul3A_68, %add3A_444 : i32
        %get3A_446 = arith.index_cast %add3A_445 : i32 to index
        %get3A_447 = arith.constant 128 : index
        %get3A_448 = tpu.vector_load %arg6[%get3A_446, %get3A_447] {strides = array<i32>} : memref<384x144xf32, #tpu.memory_space<vmem>>, vector<1x16xf32>,
        %get3A_449 = vector.shape_cast %get3A_448 : vector<1x16xf32> to vector<16xf32>
        %add3A_450 = arith.addf %add3A_443, %get3A_449 : vector<16xf32>
        %add3A_451 = arith.constant 5 : i32
        %add3A_452 = arith.addi %mul3A_68, %add3A_451 : i32
        %get3A_453 = arith.index_cast %add3A_452 : i32 to index
        %get3A_454 = arith.constant 128 : index
        %get3A_455 = tpu.vector_load %arg6[%get3A_453, %get3A_454] {strides = array<i32>} : memref<384x144xf32, #tpu.memory_space<vmem>>, vector<1x16xf32>,
        %get3A_456 = vector.shape_cast %get3A_455 : vector<1x16xf32> to vector<16xf32>
        %add3A_457 = arith.addf %add3A_450, %get3A_456 : vector<16xf32>
        %swap3A_458 = arith.index_cast %scan3A_66 : i32 to index
        %swap3A_459 = arith.constant 128 : index
        %swap3A_460 = tpu.vector_load %arg7[%swap3A_458, %swap3A_459] {strides = array<i32>} : memref<64x144xf32, #tpu.memory_space<vmem>>, vector<1x16xf32>,
        %swap3A_461 = vector.shape_cast %swap3A_460 : vector<1x16xf32> to vector<16xf32>
        %swap3A_462 = vector.shape_cast %add3A_457 : vector<16xf32> to vector<1x16xf32>
        tpu.vector_store %arg7[%swap3A_458, %swap3A_459], %swap3A_462 {strides = array<i32>} : memref<64x144xf32, #tpu.memory_space<vmem>>, vector<1x16xf32>,
      }
      %scan3A_65 = arith.constant 64 : i32
      "tpu.region"() ({
        %run_scoped3A = tpu.sem_alloc : memref<!tpu.dma_semaphore, #tpu.memory_space<semaphore_mem>>
        %dma_start3A_66 = arith.constant 0 : i32
        %dma_start3A_67 = tpu.memref_slice %arg4[%add3A_11, %dma_start3A_66] : memref<10240x144xf32, #tpu.memory_space<hbm>> -> memref<64x144xf32, #tpu.memory_space<hbm>>
        %dma_start3A_68 = arith.constant 0 : i32
        %dma_start3A_69 = tpu.memref_slice %arg4[%add3A_11, %dma_start3A_68] : memref<10240x144xf32, #tpu.memory_space<hbm>> -> memref<64x144xf32, #tpu.memory_space<hbm>>
        tpu.enqueue_dma source(%arg7 : memref<64x144xf32, #tpu.memory_space<vmem>>) target(%dma_start3A_69 : memref<64x144xf32, #tpu.memory_space<hbm>>) target_semaphore(%run_scoped3A : memref<!tpu.dma_semaphore, #tpu.memory_space<semaphore_mem>>)
        %dma_wait3A_70 = arith.constant 0 : i32
        %dma_wait3A_71 = tpu.memref_slice %arg4[%add3A_11, %dma_wait3A_70] : memref<10240x144xf32, #tpu.memory_space<hbm>> -> memref<64x144xf32, #tpu.memory_space<hbm>>
        %dma_wait3A_72 = arith.constant 0 : i32
        %dma_wait3A_73 = tpu.memref_slice %arg4[%add3A_11, %dma_wait3A_72] : memref<10240x144xf32, #tpu.memory_space<hbm>> -> memref<64x144xf32, #tpu.memory_space<hbm>>
        tpu.wait_dma2 semaphore(%run_scoped3A : memref<!tpu.dma_semaphore, #tpu.memory_space<semaphore_mem>>) src(%arg7 : memref<64x144xf32, #tpu.memory_space<vmem>>) dst(%dma_wait3A_73 : memref<64x144xf32, #tpu.memory_space<hbm>>)
        tpu.yield
      }) : () -> ()
    }
    %scan3A_5 = arith.constant 5 : i32
    return
  }
}

#map = affine_map<(d0, d1) -> (0, 0)>
#map1 = affine_map<(d0, d1) -> (0)>
module attributes {stable_mosaic.version = 14 : i64} {
  func.func @_segsum_body(%arg0: i32, %arg1: i32, %arg2: memref<10240x144xf32, #tpu.memory_space<hbm>>, %arg3: memref<61440xi32, #tpu.memory_space<hbm>>, %arg4: memref<10240x144xf32, #tpu.memory_space<hbm>>, %arg5: memref<384xi32, #tpu.memory_space<vmem>>, %arg6: memref<384x144xf32, #tpu.memory_space<vmem>>, %arg7: memref<64x144xf32, #tpu.memory_space<vmem>>, %arg8: memref<!tpu.dma_semaphore, #tpu.memory_space<semaphore_mem>>) attributes {dimension_semantics = [#tpu.dimension_semantics<core_parallel>, #tpu.dimension_semantics<subcore_parallel>], iteration_bounds = array<i64: 2, 16>, scalar_prefetch = 0 : i64, scratch_operands = 4 : i64, tpu.core_type = #tpu.core_type<sc_vector_subcore>, window_params = [{transform_indices = #map}, {transform_indices = #map1}, {transform_indices = #map}]} {
    %mul3A = arith.constant 2 : i32
    %mul3A_0 = arith.muli %arg1, %mul3A : i32
    %add3A = arith.addi %mul3A_0, %arg0 : i32
    %scan3A = arith.constant 0 : i32
    %scan3A_1 = arith.constant 0 : i32
    %scan3A_2 = arith.constant 5 : i32
    %scan3A_3 = arith.addi %scan3A_1, %scan3A_2 : i32
    %scan3A_4 = arith.constant 1 : i32
    scf.for %scan3A_6 = %scan3A_1 to %scan3A_3 step %scan3A_4  : i32 {
      %mul3A_7 = arith.constant 320 : i32
      %mul3A_8 = arith.muli %add3A, %mul3A_7 : i32
      %mul3A_9 = arith.constant 64 : i32
      %mul3A_10 = arith.muli %scan3A_6, %mul3A_9 : i32
      %add3A_11 = arith.addi %mul3A_8, %mul3A_10 : i32
      %mul3A_12 = arith.constant 6 : i32
      %mul3A_13 = arith.muli %add3A_11, %mul3A_12 : i32
      "tpu.region"() ({
        %run_scoped3A = tpu.sem_alloc : memref<!tpu.dma_semaphore, #tpu.memory_space<semaphore_mem>>
        %dma_start3A_66 = tpu.memref_slice %arg3[%mul3A_13] : memref<61440xi32, #tpu.memory_space<hbm>> -> memref<384xi32, #tpu.memory_space<hbm>>
        %dma_start3A_67 = tpu.memref_slice %arg3[%mul3A_13] : memref<61440xi32, #tpu.memory_space<hbm>> -> memref<384xi32, #tpu.memory_space<hbm>>
        tpu.enqueue_dma source(%dma_start3A_67 : memref<384xi32, #tpu.memory_space<hbm>>) target(%arg5 : memref<384xi32, #tpu.memory_space<vmem>>) target_semaphore(%run_scoped3A : memref<!tpu.dma_semaphore, #tpu.memory_space<semaphore_mem>>)
        %dma_wait3A_68 = tpu.memref_slice %arg3[%mul3A_13] : memref<61440xi32, #tpu.memory_space<hbm>> -> memref<384xi32, #tpu.memory_space<hbm>>
        %dma_wait3A_69 = tpu.memref_slice %arg3[%mul3A_13] : memref<61440xi32, #tpu.memory_space<hbm>> -> memref<384xi32, #tpu.memory_space<hbm>>
        tpu.wait_dma2 semaphore(%run_scoped3A : memref<!tpu.dma_semaphore, #tpu.memory_space<semaphore_mem>>) src(%dma_wait3A_69 : memref<384xi32, #tpu.memory_space<hbm>>) dst(%arg5 : memref<384xi32, #tpu.memory_space<vmem>>)
        tpu.yield
      }) : () -> ()
      %dma_start3A = arith.constant 0 : i32
      %dma_start3A_14 = arith.constant 0 : i32
      %dma_start3A_15 = tpu.memref_slice %arg6[%dma_start3A, %dma_start3A_14] : memref<384x144xf32, #tpu.memory_space<vmem>> -> memref<128x144xf32, #tpu.memory_space<vmem>>
      %dma_start3A_16 = arith.constant 0 : i32
      %dma_start3A_17 = tpu.memref_slice %arg5[%dma_start3A_16] : memref<384xi32, #tpu.memory_space<vmem>> -> memref<128xi32, #tpu.memory_space<vmem>>
      %dma_start3A_18 = arith.constant 0 : i32
      %dma_start3A_19 = arith.constant 0 : i32
      %dma_start3A_20 = tpu.memref_slice %arg2[%dma_start3A_18, %dma_start3A_19] : memref<10240x144xf32, #tpu.memory_space<hbm>> -> memref<10240x144xf32, #tpu.memory_space<hbm>>
      tpu.enqueue_indirect_dma source(%dma_start3A_20 : memref<10240x144xf32, #tpu.memory_space<hbm>>) target(%dma_start3A_15 : memref<128x144xf32, #tpu.memory_space<vmem>>) offsets(%dma_start3A_17 : memref<128xi32, #tpu.memory_space<vmem>>) semaphore(%arg8 : memref<!tpu.dma_semaphore, #tpu.memory_space<semaphore_mem>>)
      %dma_start3A_21 = arith.constant 128 : i32
      %dma_start3A_22 = arith.constant 0 : i32
      %dma_start3A_23 = tpu.memref_slice %arg6[%dma_start3A_21, %dma_start3A_22] : memref<384x144xf32, #tpu.memory_space<vmem>> -> memref<128x144xf32, #tpu.memory_space<vmem>>
      %dma_start3A_24 = arith.constant 128 : i32
      %dma_start3A_25 = tpu.memref_slice %arg5[%dma_start3A_24] : memref<384xi32, #tpu.memory_space<vmem>> -> memref<128xi32, #tpu.memory_space<vmem>>
      %dma_start3A_26 = arith.constant 0 : i32
      %dma_start3A_27 = arith.constant 0 : i32
      %dma_start3A_28 = tpu.memref_slice %arg2[%dma_start3A_26, %dma_start3A_27] : memref<10240x144xf32, #tpu.memory_space<hbm>> -> memref<10240x144xf32, #tpu.memory_space<hbm>>
      tpu.enqueue_indirect_dma source(%dma_start3A_28 : memref<10240x144xf32, #tpu.memory_space<hbm>>) target(%dma_start3A_23 : memref<128x144xf32, #tpu.memory_space<vmem>>) offsets(%dma_start3A_25 : memref<128xi32, #tpu.memory_space<vmem>>) semaphore(%arg8 : memref<!tpu.dma_semaphore, #tpu.memory_space<semaphore_mem>>)
      %dma_start3A_29 = arith.constant 256 : i32
      %dma_start3A_30 = arith.constant 0 : i32
      %dma_start3A_31 = tpu.memref_slice %arg6[%dma_start3A_29, %dma_start3A_30] : memref<384x144xf32, #tpu.memory_space<vmem>> -> memref<128x144xf32, #tpu.memory_space<vmem>>
      %dma_start3A_32 = arith.constant 256 : i32
      %dma_start3A_33 = tpu.memref_slice %arg5[%dma_start3A_32] : memref<384xi32, #tpu.memory_space<vmem>> -> memref<128xi32, #tpu.memory_space<vmem>>
      %dma_start3A_34 = arith.constant 0 : i32
      %dma_start3A_35 = arith.constant 0 : i32
      %dma_start3A_36 = tpu.memref_slice %arg2[%dma_start3A_34, %dma_start3A_35] : memref<10240x144xf32, #tpu.memory_space<hbm>> -> memref<10240x144xf32, #tpu.memory_space<hbm>>
      tpu.enqueue_indirect_dma source(%dma_start3A_36 : memref<10240x144xf32, #tpu.memory_space<hbm>>) target(%dma_start3A_31 : memref<128x144xf32, #tpu.memory_space<vmem>>) offsets(%dma_start3A_33 : memref<128xi32, #tpu.memory_space<vmem>>) semaphore(%arg8 : memref<!tpu.dma_semaphore, #tpu.memory_space<semaphore_mem>>)
      %dma_wait3A = arith.constant 0 : i32
      %dma_wait3A_37 = arith.constant 0 : i32
      %dma_wait3A_38 = tpu.memref_slice %arg6[%dma_wait3A, %dma_wait3A_37] : memref<384x144xf32, #tpu.memory_space<vmem>> -> memref<128x144xf32, #tpu.memory_space<vmem>>
      %dma_wait3A_39 = arith.constant 0 : i32
      %dma_wait3A_40 = tpu.memref_slice %arg5[%dma_wait3A_39] : memref<384xi32, #tpu.memory_space<vmem>> -> memref<128xi32, #tpu.memory_space<vmem>>
      %dma_wait3A_41 = arith.constant 0 : i32
      %dma_wait3A_42 = arith.constant 0 : i32
      %dma_wait3A_43 = tpu.memref_slice %arg2[%dma_wait3A_41, %dma_wait3A_42] : memref<10240x144xf32, #tpu.memory_space<hbm>> -> memref<10240x144xf32, #tpu.memory_space<hbm>>
      tpu.wait_indirect_dma semaphore(%arg8 : memref<!tpu.dma_semaphore, #tpu.memory_space<semaphore_mem>>) src(%dma_wait3A_43 : memref<10240x144xf32, #tpu.memory_space<hbm>>) dst(%dma_wait3A_38 : memref<128x144xf32, #tpu.memory_space<vmem>>)
      %dma_wait3A_44 = arith.constant 128 : i32
      %dma_wait3A_45 = arith.constant 0 : i32
      %dma_wait3A_46 = tpu.memref_slice %arg6[%dma_wait3A_44, %dma_wait3A_45] : memref<384x144xf32, #tpu.memory_space<vmem>> -> memref<128x144xf32, #tpu.memory_space<vmem>>
      %dma_wait3A_47 = arith.constant 128 : i32
      %dma_wait3A_48 = tpu.memref_slice %arg5[%dma_wait3A_47] : memref<384xi32, #tpu.memory_space<vmem>> -> memref<128xi32, #tpu.memory_space<vmem>>
      %dma_wait3A_49 = arith.constant 0 : i32
      %dma_wait3A_50 = arith.constant 0 : i32
      %dma_wait3A_51 = tpu.memref_slice %arg2[%dma_wait3A_49, %dma_wait3A_50] : memref<10240x144xf32, #tpu.memory_space<hbm>> -> memref<10240x144xf32, #tpu.memory_space<hbm>>
      tpu.wait_indirect_dma semaphore(%arg8 : memref<!tpu.dma_semaphore, #tpu.memory_space<semaphore_mem>>) src(%dma_wait3A_51 : memref<10240x144xf32, #tpu.memory_space<hbm>>) dst(%dma_wait3A_46 : memref<128x144xf32, #tpu.memory_space<vmem>>)
      %dma_wait3A_52 = arith.constant 256 : i32
      %dma_wait3A_53 = arith.constant 0 : i32
      %dma_wait3A_54 = tpu.memref_slice %arg6[%dma_wait3A_52, %dma_wait3A_53] : memref<384x144xf32, #tpu.memory_space<vmem>> -> memref<128x144xf32, #tpu.memory_space<vmem>>
      %dma_wait3A_55 = arith.constant 256 : i32
      %dma_wait3A_56 = tpu.memref_slice %arg5[%dma_wait3A_55] : memref<384xi32, #tpu.memory_space<vmem>> -> memref<128xi32, #tpu.memory_space<vmem>>
      %dma_wait3A_57 = arith.constant 0 : i32
      %dma_wait3A_58 = arith.constant 0 : i32
      %dma_wait3A_59 = tpu.memref_slice %arg2[%dma_wait3A_57, %dma_wait3A_58] : memref<10240x144xf32, #tpu.memory_space<hbm>> -> memref<10240x144xf32, #tpu.memory_space<hbm>>
      tpu.wait_indirect_dma semaphore(%arg8 : memref<!tpu.dma_semaphore, #tpu.memory_space<semaphore_mem>>) src(%dma_wait3A_59 : memref<10240x144xf32, #tpu.memory_space<hbm>>) dst(%dma_wait3A_54 : memref<128x144xf32, #tpu.memory_space<vmem>>)
      %scan3A_60 = arith.constant 0 : i32
      %scan3A_61 = arith.constant 0 : i32
      %scan3A_62 = arith.constant 64 : i32
      %scan3A_63 = arith.addi %scan3A_61, %scan3A_62 : i32
      %scan3A_64 = arith.constant 1 : i32
      scf.for %scan3A_66 = %scan3A_61 to %scan3A_63 step %scan3A_64  : i32 {
        %mul3A_67 = arith.constant 6 : i32
        %mul3A_68 = arith.muli %scan3A_66, %mul3A_67 : i32
        %get3A = arith.index_cast %mul3A_68 : i32 to index
        %get3A_69 = arith.constant 0 : index
        %get3A_70 = tpu.vector_load %arg6[%get3A, %get3A_69] {strides = array<i32>} : memref<384x144xf32, #tpu.memory_space<vmem>>, vector<1x16xf32>,
        %get3A_71 = vector.shape_cast %get3A_70 : vector<1x16xf32> to vector<16xf32>
        %add3A_72 = arith.constant 1 : i32
        %add3A_73 = arith.addi %mul3A_68, %add3A_72 : i32
        %get3A_74 = arith.index_cast %add3A_73 : i32 to index
        %get3A_75 = arith.constant 0 : index
        %get3A_76 = tpu.vector_load %arg6[%get3A_74, %get3A_75] {strides = array<i32>} : memref<384x144xf32, #tpu.memory_space<vmem>>, vector<1x16xf32>,
        %get3A_77 = vector.shape_cast %get3A_76 : vector<1x16xf32> to vector<16xf32>
        %add3A_78 = arith.addf %get3A_71, %get3A_77 : vector<16xf32>
        %add3A_79 = arith.constant 2 : i32
        %add3A_80 = arith.addi %mul3A_68, %add3A_79 : i32
        %get3A_81 = arith.index_cast %add3A_80 : i32 to index
        %get3A_82 = arith.constant 0 : index
        %get3A_83 = tpu.vector_load %arg6[%get3A_81, %get3A_82] {strides = array<i32>} : memref<384x144xf32, #tpu.memory_space<vmem>>, vector<1x16xf32>,
        %get3A_84 = vector.shape_cast %get3A_83 : vector<1x16xf32> to vector<16xf32>
        %add3A_85 = arith.addf %add3A_78, %get3A_84 : vector<16xf32>
        %add3A_86 = arith.constant 3 : i32
        %add3A_87 = arith.addi %mul3A_68, %add3A_86 : i32
        %get3A_88 = arith.index_cast %add3A_87 : i32 to index
        %get3A_89 = arith.constant 0 : index
        %get3A_90 = tpu.vector_load %arg6[%get3A_88, %get3A_89] {strides = array<i32>} : memref<384x144xf32, #tpu.memory_space<vmem>>, vector<1x16xf32>,
        %get3A_91 = vector.shape_cast %get3A_90 : vector<1x16xf32> to vector<16xf32>
        %add3A_92 = arith.addf %add3A_85, %get3A_91 : vector<16xf32>
        %add3A_93 = arith.constant 4 : i32
        %add3A_94 = arith.addi %mul3A_68, %add3A_93 : i32
        %get3A_95 = arith.index_cast %add3A_94 : i32 to index
        %get3A_96 = arith.constant 0 : index
        %get3A_97 = tpu.vector_load %arg6[%get3A_95, %get3A_96] {strides = array<i32>} : memref<384x144xf32, #tpu.memory_space<vmem>>, vector<1x16xf32>,
        %get3A_98 = vector.shape_cast %get3A_97 : vector<1x16xf32> to vector<16xf32>
        %add3A_99 = arith.addf %add3A_92, %get3A_98 : vector<16xf32>
        %add3A_100 = arith.constant 5 : i32
        %add3A_101 = arith.addi %mul3A_68, %add3A_100 : i32
        %get3A_102 = arith.index_cast %add3A_101 : i32 to index
        %get3A_103 = arith.constant 0 : index
        %get3A_104 = tpu.vector_load %arg6[%get3A_102, %get3A_103] {strides = array<i32>} : memref<384x144xf32, #tpu.memory_space<vmem>>, vector<1x16xf32>,
        %get3A_105 = vector.shape_cast %get3A_104 : vector<1x16xf32> to vector<16xf32>
        %add3A_106 = arith.addf %add3A_99, %get3A_105 : vector<16xf32>
        %swap3A = arith.index_cast %scan3A_66 : i32 to index
        %swap3A_107 = arith.constant 0 : index
        %swap3A_108 = tpu.vector_load %arg7[%swap3A, %swap3A_107] {strides = array<i32>} : memref<64x144xf32, #tpu.memory_space<vmem>>, vector<1x16xf32>,
        %swap3A_109 = vector.shape_cast %swap3A_108 : vector<1x16xf32> to vector<16xf32>
        %swap3A_110 = vector.shape_cast %add3A_106 : vector<16xf32> to vector<1x16xf32>
        tpu.vector_store %arg7[%swap3A, %swap3A_107], %swap3A_110 {strides = array<i32>} : memref<64x144xf32, #tpu.memory_space<vmem>>, vector<1x16xf32>,
        %get3A_111 = arith.index_cast %mul3A_68 : i32 to index
        %get3A_112 = arith.constant 16 : index
        %get3A_113 = tpu.vector_load %arg6[%get3A_111, %get3A_112] {strides = array<i32>} : memref<384x144xf32, #tpu.memory_space<vmem>>, vector<1x16xf32>,
        %get3A_114 = vector.shape_cast %get3A_113 : vector<1x16xf32> to vector<16xf32>
        %add3A_115 = arith.constant 1 : i32
        %add3A_116 = arith.addi %mul3A_68, %add3A_115 : i32
        %get3A_117 = arith.index_cast %add3A_116 : i32 to index
        %get3A_118 = arith.constant 16 : index
        %get3A_119 = tpu.vector_load %arg6[%get3A_117, %get3A_118] {strides = array<i32>} : memref<384x144xf32, #tpu.memory_space<vmem>>, vector<1x16xf32>,
        %get3A_120 = vector.shape_cast %get3A_119 : vector<1x16xf32> to vector<16xf32>
        %add3A_121 = arith.addf %get3A_114, %get3A_120 : vector<16xf32>
        %add3A_122 = arith.constant 2 : i32
        %add3A_123 = arith.addi %mul3A_68, %add3A_122 : i32
        %get3A_124 = arith.index_cast %add3A_123 : i32 to index
        %get3A_125 = arith.constant 16 : index
        %get3A_126 = tpu.vector_load %arg6[%get3A_124, %get3A_125] {strides = array<i32>} : memref<384x144xf32, #tpu.memory_space<vmem>>, vector<1x16xf32>,
        %get3A_127 = vector.shape_cast %get3A_126 : vector<1x16xf32> to vector<16xf32>
        %add3A_128 = arith.addf %add3A_121, %get3A_127 : vector<16xf32>
        %add3A_129 = arith.constant 3 : i32
        %add3A_130 = arith.addi %mul3A_68, %add3A_129 : i32
        %get3A_131 = arith.index_cast %add3A_130 : i32 to index
        %get3A_132 = arith.constant 16 : index
        %get3A_133 = tpu.vector_load %arg6[%get3A_131, %get3A_132] {strides = array<i32>} : memref<384x144xf32, #tpu.memory_space<vmem>>, vector<1x16xf32>,
        %get3A_134 = vector.shape_cast %get3A_133 : vector<1x16xf32> to vector<16xf32>
        %add3A_135 = arith.addf %add3A_128, %get3A_134 : vector<16xf32>
        %add3A_136 = arith.constant 4 : i32
        %add3A_137 = arith.addi %mul3A_68, %add3A_136 : i32
        %get3A_138 = arith.index_cast %add3A_137 : i32 to index
        %get3A_139 = arith.constant 16 : index
        %get3A_140 = tpu.vector_load %arg6[%get3A_138, %get3A_139] {strides = array<i32>} : memref<384x144xf32, #tpu.memory_space<vmem>>, vector<1x16xf32>,
        %get3A_141 = vector.shape_cast %get3A_140 : vector<1x16xf32> to vector<16xf32>
        %add3A_142 = arith.addf %add3A_135, %get3A_141 : vector<16xf32>
        %add3A_143 = arith.constant 5 : i32
        %add3A_144 = arith.addi %mul3A_68, %add3A_143 : i32
        %get3A_145 = arith.index_cast %add3A_144 : i32 to index
        %get3A_146 = arith.constant 16 : index
        %get3A_147 = tpu.vector_load %arg6[%get3A_145, %get3A_146] {strides = array<i32>} : memref<384x144xf32, #tpu.memory_space<vmem>>, vector<1x16xf32>,
        %get3A_148 = vector.shape_cast %get3A_147 : vector<1x16xf32> to vector<16xf32>
        %add3A_149 = arith.addf %add3A_142, %get3A_148 : vector<16xf32>
        %swap3A_150 = arith.index_cast %scan3A_66 : i32 to index
        %swap3A_151 = arith.constant 16 : index
        %swap3A_152 = tpu.vector_load %arg7[%swap3A_150, %swap3A_151] {strides = array<i32>} : memref<64x144xf32, #tpu.memory_space<vmem>>, vector<1x16xf32>,
        %swap3A_153 = vector.shape_cast %swap3A_152 : vector<1x16xf32> to vector<16xf32>
        %swap3A_154 = vector.shape_cast %add3A_149 : vector<16xf32> to vector<1x16xf32>
        tpu.vector_store %arg7[%swap3A_150, %swap3A_151], %swap3A_154 {strides = array<i32>} : memref<64x144xf32, #tpu.memory_space<vmem>>, vector<1x16xf32>,
        %get3A_155 = arith.index_cast %mul3A_68 : i32 to index
        %get3A_156 = arith.constant 32 : index
        %get3A_157 = tpu.vector_load %arg6[%get3A_155, %get3A_156] {strides = array<i32>} : memref<384x144xf32, #tpu.memory_space<vmem>>, vector<1x16xf32>,
        %get3A_158 = vector.shape_cast %get3A_157 : vector<1x16xf32> to vector<16xf32>
        %add3A_159 = arith.constant 1 : i32
        %add3A_160 = arith.addi %mul3A_68, %add3A_159 : i32
        %get3A_161 = arith.index_cast %add3A_160 : i32 to index
        %get3A_162 = arith.constant 32 : index
        %get3A_163 = tpu.vector_load %arg6[%get3A_161, %get3A_162] {strides = array<i32>} : memref<384x144xf32, #tpu.memory_space<vmem>>, vector<1x16xf32>,
        %get3A_164 = vector.shape_cast %get3A_163 : vector<1x16xf32> to vector<16xf32>
        %add3A_165 = arith.addf %get3A_158, %get3A_164 : vector<16xf32>
        %add3A_166 = arith.constant 2 : i32
        %add3A_167 = arith.addi %mul3A_68, %add3A_166 : i32
        %get3A_168 = arith.index_cast %add3A_167 : i32 to index
        %get3A_169 = arith.constant 32 : index
        %get3A_170 = tpu.vector_load %arg6[%get3A_168, %get3A_169] {strides = array<i32>} : memref<384x144xf32, #tpu.memory_space<vmem>>, vector<1x16xf32>,
        %get3A_171 = vector.shape_cast %get3A_170 : vector<1x16xf32> to vector<16xf32>
        %add3A_172 = arith.addf %add3A_165, %get3A_171 : vector<16xf32>
        %add3A_173 = arith.constant 3 : i32
        %add3A_174 = arith.addi %mul3A_68, %add3A_173 : i32
        %get3A_175 = arith.index_cast %add3A_174 : i32 to index
        %get3A_176 = arith.constant 32 : index
        %get3A_177 = tpu.vector_load %arg6[%get3A_175, %get3A_176] {strides = array<i32>} : memref<384x144xf32, #tpu.memory_space<vmem>>, vector<1x16xf32>,
        %get3A_178 = vector.shape_cast %get3A_177 : vector<1x16xf32> to vector<16xf32>
        %add3A_179 = arith.addf %add3A_172, %get3A_178 : vector<16xf32>
        %add3A_180 = arith.constant 4 : i32
        %add3A_181 = arith.addi %mul3A_68, %add3A_180 : i32
        %get3A_182 = arith.index_cast %add3A_181 : i32 to index
        %get3A_183 = arith.constant 32 : index
        %get3A_184 = tpu.vector_load %arg6[%get3A_182, %get3A_183] {strides = array<i32>} : memref<384x144xf32, #tpu.memory_space<vmem>>, vector<1x16xf32>,
        %get3A_185 = vector.shape_cast %get3A_184 : vector<1x16xf32> to vector<16xf32>
        %add3A_186 = arith.addf %add3A_179, %get3A_185 : vector<16xf32>
        %add3A_187 = arith.constant 5 : i32
        %add3A_188 = arith.addi %mul3A_68, %add3A_187 : i32
        %get3A_189 = arith.index_cast %add3A_188 : i32 to index
        %get3A_190 = arith.constant 32 : index
        %get3A_191 = tpu.vector_load %arg6[%get3A_189, %get3A_190] {strides = array<i32>} : memref<384x144xf32, #tpu.memory_space<vmem>>, vector<1x16xf32>,
        %get3A_192 = vector.shape_cast %get3A_191 : vector<1x16xf32> to vector<16xf32>
        %add3A_193 = arith.addf %add3A_186, %get3A_192 : vector<16xf32>
        %swap3A_194 = arith.index_cast %scan3A_66 : i32 to index
        %swap3A_195 = arith.constant 32 : index
        %swap3A_196 = tpu.vector_load %arg7[%swap3A_194, %swap3A_195] {strides = array<i32>} : memref<64x144xf32, #tpu.memory_space<vmem>>, vector<1x16xf32>,
        %swap3A_197 = vector.shape_cast %swap3A_196 : vector<1x16xf32> to vector<16xf32>
        %swap3A_198 = vector.shape_cast %add3A_193 : vector<16xf32> to vector<1x16xf32>
        tpu.vector_store %arg7[%swap3A_194, %swap3A_195], %swap3A_198 {strides = array<i32>} : memref<64x144xf32, #tpu.memory_space<vmem>>, vector<1x16xf32>,
        %get3A_199 = arith.index_cast %mul3A_68 : i32 to index
        %get3A_200 = arith.constant 48 : index
        %get3A_201 = tpu.vector_load %arg6[%get3A_199, %get3A_200] {strides = array<i32>} : memref<384x144xf32, #tpu.memory_space<vmem>>, vector<1x16xf32>,
        %get3A_202 = vector.shape_cast %get3A_201 : vector<1x16xf32> to vector<16xf32>
        %add3A_203 = arith.constant 1 : i32
        %add3A_204 = arith.addi %mul3A_68, %add3A_203 : i32
        %get3A_205 = arith.index_cast %add3A_204 : i32 to index
        %get3A_206 = arith.constant 48 : index
        %get3A_207 = tpu.vector_load %arg6[%get3A_205, %get3A_206] {strides = array<i32>} : memref<384x144xf32, #tpu.memory_space<vmem>>, vector<1x16xf32>,
        %get3A_208 = vector.shape_cast %get3A_207 : vector<1x16xf32> to vector<16xf32>
        %add3A_209 = arith.addf %get3A_202, %get3A_208 : vector<16xf32>
        %add3A_210 = arith.constant 2 : i32
        %add3A_211 = arith.addi %mul3A_68, %add3A_210 : i32
        %get3A_212 = arith.index_cast %add3A_211 : i32 to index
        %get3A_213 = arith.constant 48 : index
        %get3A_214 = tpu.vector_load %arg6[%get3A_212, %get3A_213] {strides = array<i32>} : memref<384x144xf32, #tpu.memory_space<vmem>>, vector<1x16xf32>,
        %get3A_215 = vector.shape_cast %get3A_214 : vector<1x16xf32> to vector<16xf32>
        %add3A_216 = arith.addf %add3A_209, %get3A_215 : vector<16xf32>
        %add3A_217 = arith.constant 3 : i32
        %add3A_218 = arith.addi %mul3A_68, %add3A_217 : i32
        %get3A_219 = arith.index_cast %add3A_218 : i32 to index
        %get3A_220 = arith.constant 48 : index
        %get3A_221 = tpu.vector_load %arg6[%get3A_219, %get3A_220] {strides = array<i32>} : memref<384x144xf32, #tpu.memory_space<vmem>>, vector<1x16xf32>,
        %get3A_222 = vector.shape_cast %get3A_221 : vector<1x16xf32> to vector<16xf32>
        %add3A_223 = arith.addf %add3A_216, %get3A_222 : vector<16xf32>
        %add3A_224 = arith.constant 4 : i32
        %add3A_225 = arith.addi %mul3A_68, %add3A_224 : i32
        %get3A_226 = arith.index_cast %add3A_225 : i32 to index
        %get3A_227 = arith.constant 48 : index
        %get3A_228 = tpu.vector_load %arg6[%get3A_226, %get3A_227] {strides = array<i32>} : memref<384x144xf32, #tpu.memory_space<vmem>>, vector<1x16xf32>,
        %get3A_229 = vector.shape_cast %get3A_228 : vector<1x16xf32> to vector<16xf32>
        %add3A_230 = arith.addf %add3A_223, %get3A_229 : vector<16xf32>
        %add3A_231 = arith.constant 5 : i32
        %add3A_232 = arith.addi %mul3A_68, %add3A_231 : i32
        %get3A_233 = arith.index_cast %add3A_232 : i32 to index
        %get3A_234 = arith.constant 48 : index
        %get3A_235 = tpu.vector_load %arg6[%get3A_233, %get3A_234] {strides = array<i32>} : memref<384x144xf32, #tpu.memory_space<vmem>>, vector<1x16xf32>,
        %get3A_236 = vector.shape_cast %get3A_235 : vector<1x16xf32> to vector<16xf32>
        %add3A_237 = arith.addf %add3A_230, %get3A_236 : vector<16xf32>
        %swap3A_238 = arith.index_cast %scan3A_66 : i32 to index
        %swap3A_239 = arith.constant 48 : index
        %swap3A_240 = tpu.vector_load %arg7[%swap3A_238, %swap3A_239] {strides = array<i32>} : memref<64x144xf32, #tpu.memory_space<vmem>>, vector<1x16xf32>,
        %swap3A_241 = vector.shape_cast %swap3A_240 : vector<1x16xf32> to vector<16xf32>
        %swap3A_242 = vector.shape_cast %add3A_237 : vector<16xf32> to vector<1x16xf32>
        tpu.vector_store %arg7[%swap3A_238, %swap3A_239], %swap3A_242 {strides = array<i32>} : memref<64x144xf32, #tpu.memory_space<vmem>>, vector<1x16xf32>,
        %get3A_243 = arith.index_cast %mul3A_68 : i32 to index
        %get3A_244 = arith.constant 64 : index
        %get3A_245 = tpu.vector_load %arg6[%get3A_243, %get3A_244] {strides = array<i32>} : memref<384x144xf32, #tpu.memory_space<vmem>>, vector<1x16xf32>,
        %get3A_246 = vector.shape_cast %get3A_245 : vector<1x16xf32> to vector<16xf32>
        %add3A_247 = arith.constant 1 : i32
        %add3A_248 = arith.addi %mul3A_68, %add3A_247 : i32
        %get3A_249 = arith.index_cast %add3A_248 : i32 to index
        %get3A_250 = arith.constant 64 : index
        %get3A_251 = tpu.vector_load %arg6[%get3A_249, %get3A_250] {strides = array<i32>} : memref<384x144xf32, #tpu.memory_space<vmem>>, vector<1x16xf32>,
        %get3A_252 = vector.shape_cast %get3A_251 : vector<1x16xf32> to vector<16xf32>
        %add3A_253 = arith.addf %get3A_246, %get3A_252 : vector<16xf32>
        %add3A_254 = arith.constant 2 : i32
        %add3A_255 = arith.addi %mul3A_68, %add3A_254 : i32
        %get3A_256 = arith.index_cast %add3A_255 : i32 to index
        %get3A_257 = arith.constant 64 : index
        %get3A_258 = tpu.vector_load %arg6[%get3A_256, %get3A_257] {strides = array<i32>} : memref<384x144xf32, #tpu.memory_space<vmem>>, vector<1x16xf32>,
        %get3A_259 = vector.shape_cast %get3A_258 : vector<1x16xf32> to vector<16xf32>
        %add3A_260 = arith.addf %add3A_253, %get3A_259 : vector<16xf32>
        %add3A_261 = arith.constant 3 : i32
        %add3A_262 = arith.addi %mul3A_68, %add3A_261 : i32
        %get3A_263 = arith.index_cast %add3A_262 : i32 to index
        %get3A_264 = arith.constant 64 : index
        %get3A_265 = tpu.vector_load %arg6[%get3A_263, %get3A_264] {strides = array<i32>} : memref<384x144xf32, #tpu.memory_space<vmem>>, vector<1x16xf32>,
        %get3A_266 = vector.shape_cast %get3A_265 : vector<1x16xf32> to vector<16xf32>
        %add3A_267 = arith.addf %add3A_260, %get3A_266 : vector<16xf32>
        %add3A_268 = arith.constant 4 : i32
        %add3A_269 = arith.addi %mul3A_68, %add3A_268 : i32
        %get3A_270 = arith.index_cast %add3A_269 : i32 to index
        %get3A_271 = arith.constant 64 : index
        %get3A_272 = tpu.vector_load %arg6[%get3A_270, %get3A_271] {strides = array<i32>} : memref<384x144xf32, #tpu.memory_space<vmem>>, vector<1x16xf32>,
        %get3A_273 = vector.shape_cast %get3A_272 : vector<1x16xf32> to vector<16xf32>
        %add3A_274 = arith.addf %add3A_267, %get3A_273 : vector<16xf32>
        %add3A_275 = arith.constant 5 : i32
        %add3A_276 = arith.addi %mul3A_68, %add3A_275 : i32
        %get3A_277 = arith.index_cast %add3A_276 : i32 to index
        %get3A_278 = arith.constant 64 : index
        %get3A_279 = tpu.vector_load %arg6[%get3A_277, %get3A_278] {strides = array<i32>} : memref<384x144xf32, #tpu.memory_space<vmem>>, vector<1x16xf32>,
        %get3A_280 = vector.shape_cast %get3A_279 : vector<1x16xf32> to vector<16xf32>
        %add3A_281 = arith.addf %add3A_274, %get3A_280 : vector<16xf32>
        %swap3A_282 = arith.index_cast %scan3A_66 : i32 to index
        %swap3A_283 = arith.constant 64 : index
        %swap3A_284 = tpu.vector_load %arg7[%swap3A_282, %swap3A_283] {strides = array<i32>} : memref<64x144xf32, #tpu.memory_space<vmem>>, vector<1x16xf32>,
        %swap3A_285 = vector.shape_cast %swap3A_284 : vector<1x16xf32> to vector<16xf32>
        %swap3A_286 = vector.shape_cast %add3A_281 : vector<16xf32> to vector<1x16xf32>
        tpu.vector_store %arg7[%swap3A_282, %swap3A_283], %swap3A_286 {strides = array<i32>} : memref<64x144xf32, #tpu.memory_space<vmem>>, vector<1x16xf32>,
        %get3A_287 = arith.index_cast %mul3A_68 : i32 to index
        %get3A_288 = arith.constant 80 : index
        %get3A_289 = tpu.vector_load %arg6[%get3A_287, %get3A_288] {strides = array<i32>} : memref<384x144xf32, #tpu.memory_space<vmem>>, vector<1x16xf32>,
        %get3A_290 = vector.shape_cast %get3A_289 : vector<1x16xf32> to vector<16xf32>
        %add3A_291 = arith.constant 1 : i32
        %add3A_292 = arith.addi %mul3A_68, %add3A_291 : i32
        %get3A_293 = arith.index_cast %add3A_292 : i32 to index
        %get3A_294 = arith.constant 80 : index
        %get3A_295 = tpu.vector_load %arg6[%get3A_293, %get3A_294] {strides = array<i32>} : memref<384x144xf32, #tpu.memory_space<vmem>>, vector<1x16xf32>,
        %get3A_296 = vector.shape_cast %get3A_295 : vector<1x16xf32> to vector<16xf32>
        %add3A_297 = arith.addf %get3A_290, %get3A_296 : vector<16xf32>
        %add3A_298 = arith.constant 2 : i32
        %add3A_299 = arith.addi %mul3A_68, %add3A_298 : i32
        %get3A_300 = arith.index_cast %add3A_299 : i32 to index
        %get3A_301 = arith.constant 80 : index
        %get3A_302 = tpu.vector_load %arg6[%get3A_300, %get3A_301] {strides = array<i32>} : memref<384x144xf32, #tpu.memory_space<vmem>>, vector<1x16xf32>,
        %get3A_303 = vector.shape_cast %get3A_302 : vector<1x16xf32> to vector<16xf32>
        %add3A_304 = arith.addf %add3A_297, %get3A_303 : vector<16xf32>
        %add3A_305 = arith.constant 3 : i32
        %add3A_306 = arith.addi %mul3A_68, %add3A_305 : i32
        %get3A_307 = arith.index_cast %add3A_306 : i32 to index
        %get3A_308 = arith.constant 80 : index
        %get3A_309 = tpu.vector_load %arg6[%get3A_307, %get3A_308] {strides = array<i32>} : memref<384x144xf32, #tpu.memory_space<vmem>>, vector<1x16xf32>,
        %get3A_310 = vector.shape_cast %get3A_309 : vector<1x16xf32> to vector<16xf32>
        %add3A_311 = arith.addf %add3A_304, %get3A_310 : vector<16xf32>
        %add3A_312 = arith.constant 4 : i32
        %add3A_313 = arith.addi %mul3A_68, %add3A_312 : i32
        %get3A_314 = arith.index_cast %add3A_313 : i32 to index
        %get3A_315 = arith.constant 80 : index
        %get3A_316 = tpu.vector_load %arg6[%get3A_314, %get3A_315] {strides = array<i32>} : memref<384x144xf32, #tpu.memory_space<vmem>>, vector<1x16xf32>,
        %get3A_317 = vector.shape_cast %get3A_316 : vector<1x16xf32> to vector<16xf32>
        %add3A_318 = arith.addf %add3A_311, %get3A_317 : vector<16xf32>
        %add3A_319 = arith.constant 5 : i32
        %add3A_320 = arith.addi %mul3A_68, %add3A_319 : i32
        %get3A_321 = arith.index_cast %add3A_320 : i32 to index
        %get3A_322 = arith.constant 80 : index
        %get3A_323 = tpu.vector_load %arg6[%get3A_321, %get3A_322] {strides = array<i32>} : memref<384x144xf32, #tpu.memory_space<vmem>>, vector<1x16xf32>,
        %get3A_324 = vector.shape_cast %get3A_323 : vector<1x16xf32> to vector<16xf32>
        %add3A_325 = arith.addf %add3A_318, %get3A_324 : vector<16xf32>
        %swap3A_326 = arith.index_cast %scan3A_66 : i32 to index
        %swap3A_327 = arith.constant 80 : index
        %swap3A_328 = tpu.vector_load %arg7[%swap3A_326, %swap3A_327] {strides = array<i32>} : memref<64x144xf32, #tpu.memory_space<vmem>>, vector<1x16xf32>,
        %swap3A_329 = vector.shape_cast %swap3A_328 : vector<1x16xf32> to vector<16xf32>
        %swap3A_330 = vector.shape_cast %add3A_325 : vector<16xf32> to vector<1x16xf32>
        tpu.vector_store %arg7[%swap3A_326, %swap3A_327], %swap3A_330 {strides = array<i32>} : memref<64x144xf32, #tpu.memory_space<vmem>>, vector<1x16xf32>,
        %get3A_331 = arith.index_cast %mul3A_68 : i32 to index
        %get3A_332 = arith.constant 96 : index
        %get3A_333 = tpu.vector_load %arg6[%get3A_331, %get3A_332] {strides = array<i32>} : memref<384x144xf32, #tpu.memory_space<vmem>>, vector<1x16xf32>,
        %get3A_334 = vector.shape_cast %get3A_333 : vector<1x16xf32> to vector<16xf32>
        %add3A_335 = arith.constant 1 : i32
        %add3A_336 = arith.addi %mul3A_68, %add3A_335 : i32
        %get3A_337 = arith.index_cast %add3A_336 : i32 to index
        %get3A_338 = arith.constant 96 : index
        %get3A_339 = tpu.vector_load %arg6[%get3A_337, %get3A_338] {strides = array<i32>} : memref<384x144xf32, #tpu.memory_space<vmem>>, vector<1x16xf32>,
        %get3A_340 = vector.shape_cast %get3A_339 : vector<1x16xf32> to vector<16xf32>
        %add3A_341 = arith.addf %get3A_334, %get3A_340 : vector<16xf32>
        %add3A_342 = arith.constant 2 : i32
        %add3A_343 = arith.addi %mul3A_68, %add3A_342 : i32
        %get3A_344 = arith.index_cast %add3A_343 : i32 to index
        %get3A_345 = arith.constant 96 : index
        %get3A_346 = tpu.vector_load %arg6[%get3A_344, %get3A_345] {strides = array<i32>} : memref<384x144xf32, #tpu.memory_space<vmem>>, vector<1x16xf32>,
        %get3A_347 = vector.shape_cast %get3A_346 : vector<1x16xf32> to vector<16xf32>
        %add3A_348 = arith.addf %add3A_341, %get3A_347 : vector<16xf32>
        %add3A_349 = arith.constant 3 : i32
        %add3A_350 = arith.addi %mul3A_68, %add3A_349 : i32
        %get3A_351 = arith.index_cast %add3A_350 : i32 to index
        %get3A_352 = arith.constant 96 : index
        %get3A_353 = tpu.vector_load %arg6[%get3A_351, %get3A_352] {strides = array<i32>} : memref<384x144xf32, #tpu.memory_space<vmem>>, vector<1x16xf32>,
        %get3A_354 = vector.shape_cast %get3A_353 : vector<1x16xf32> to vector<16xf32>
        %add3A_355 = arith.addf %add3A_348, %get3A_354 : vector<16xf32>
        %add3A_356 = arith.constant 4 : i32
        %add3A_357 = arith.addi %mul3A_68, %add3A_356 : i32
        %get3A_358 = arith.index_cast %add3A_357 : i32 to index
        %get3A_359 = arith.constant 96 : index
        %get3A_360 = tpu.vector_load %arg6[%get3A_358, %get3A_359] {strides = array<i32>} : memref<384x144xf32, #tpu.memory_space<vmem>>, vector<1x16xf32>,
        %get3A_361 = vector.shape_cast %get3A_360 : vector<1x16xf32> to vector<16xf32>
        %add3A_362 = arith.addf %add3A_355, %get3A_361 : vector<16xf32>
        %add3A_363 = arith.constant 5 : i32
        %add3A_364 = arith.addi %mul3A_68, %add3A_363 : i32
        %get3A_365 = arith.index_cast %add3A_364 : i32 to index
        %get3A_366 = arith.constant 96 : index
        %get3A_367 = tpu.vector_load %arg6[%get3A_365, %get3A_366] {strides = array<i32>} : memref<384x144xf32, #tpu.memory_space<vmem>>, vector<1x16xf32>,
        %get3A_368 = vector.shape_cast %get3A_367 : vector<1x16xf32> to vector<16xf32>
        %add3A_369 = arith.addf %add3A_362, %get3A_368 : vector<16xf32>
        %swap3A_370 = arith.index_cast %scan3A_66 : i32 to index
        %swap3A_371 = arith.constant 96 : index
        %swap3A_372 = tpu.vector_load %arg7[%swap3A_370, %swap3A_371] {strides = array<i32>} : memref<64x144xf32, #tpu.memory_space<vmem>>, vector<1x16xf32>,
        %swap3A_373 = vector.shape_cast %swap3A_372 : vector<1x16xf32> to vector<16xf32>
        %swap3A_374 = vector.shape_cast %add3A_369 : vector<16xf32> to vector<1x16xf32>
        tpu.vector_store %arg7[%swap3A_370, %swap3A_371], %swap3A_374 {strides = array<i32>} : memref<64x144xf32, #tpu.memory_space<vmem>>, vector<1x16xf32>,
        %get3A_375 = arith.index_cast %mul3A_68 : i32 to index
        %get3A_376 = arith.constant 112 : index
        %get3A_377 = tpu.vector_load %arg6[%get3A_375, %get3A_376] {strides = array<i32>} : memref<384x144xf32, #tpu.memory_space<vmem>>, vector<1x16xf32>,
        %get3A_378 = vector.shape_cast %get3A_377 : vector<1x16xf32> to vector<16xf32>
        %add3A_379 = arith.constant 1 : i32
        %add3A_380 = arith.addi %mul3A_68, %add3A_379 : i32
        %get3A_381 = arith.index_cast %add3A_380 : i32 to index
        %get3A_382 = arith.constant 112 : index
        %get3A_383 = tpu.vector_load %arg6[%get3A_381, %get3A_382] {strides = array<i32>} : memref<384x144xf32, #tpu.memory_space<vmem>>, vector<1x16xf32>,
        %get3A_384 = vector.shape_cast %get3A_383 : vector<1x16xf32> to vector<16xf32>
        %add3A_385 = arith.addf %get3A_378, %get3A_384 : vector<16xf32>
        %add3A_386 = arith.constant 2 : i32
        %add3A_387 = arith.addi %mul3A_68, %add3A_386 : i32
        %get3A_388 = arith.index_cast %add3A_387 : i32 to index
        %get3A_389 = arith.constant 112 : index
        %get3A_390 = tpu.vector_load %arg6[%get3A_388, %get3A_389] {strides = array<i32>} : memref<384x144xf32, #tpu.memory_space<vmem>>, vector<1x16xf32>,
        %get3A_391 = vector.shape_cast %get3A_390 : vector<1x16xf32> to vector<16xf32>
        %add3A_392 = arith.addf %add3A_385, %get3A_391 : vector<16xf32>
        %add3A_393 = arith.constant 3 : i32
        %add3A_394 = arith.addi %mul3A_68, %add3A_393 : i32
        %get3A_395 = arith.index_cast %add3A_394 : i32 to index
        %get3A_396 = arith.constant 112 : index
        %get3A_397 = tpu.vector_load %arg6[%get3A_395, %get3A_396] {strides = array<i32>} : memref<384x144xf32, #tpu.memory_space<vmem>>, vector<1x16xf32>,
        %get3A_398 = vector.shape_cast %get3A_397 : vector<1x16xf32> to vector<16xf32>
        %add3A_399 = arith.addf %add3A_392, %get3A_398 : vector<16xf32>
        %add3A_400 = arith.constant 4 : i32
        %add3A_401 = arith.addi %mul3A_68, %add3A_400 : i32
        %get3A_402 = arith.index_cast %add3A_401 : i32 to index
        %get3A_403 = arith.constant 112 : index
        %get3A_404 = tpu.vector_load %arg6[%get3A_402, %get3A_403] {strides = array<i32>} : memref<384x144xf32, #tpu.memory_space<vmem>>, vector<1x16xf32>,
        %get3A_405 = vector.shape_cast %get3A_404 : vector<1x16xf32> to vector<16xf32>
        %add3A_406 = arith.addf %add3A_399, %get3A_405 : vector<16xf32>
        %add3A_407 = arith.constant 5 : i32
        %add3A_408 = arith.addi %mul3A_68, %add3A_407 : i32
        %get3A_409 = arith.index_cast %add3A_408 : i32 to index
        %get3A_410 = arith.constant 112 : index
        %get3A_411 = tpu.vector_load %arg6[%get3A_409, %get3A_410] {strides = array<i32>} : memref<384x144xf32, #tpu.memory_space<vmem>>, vector<1x16xf32>,
        %get3A_412 = vector.shape_cast %get3A_411 : vector<1x16xf32> to vector<16xf32>
        %add3A_413 = arith.addf %add3A_406, %get3A_412 : vector<16xf32>
        %swap3A_414 = arith.index_cast %scan3A_66 : i32 to index
        %swap3A_415 = arith.constant 112 : index
        %swap3A_416 = tpu.vector_load %arg7[%swap3A_414, %swap3A_415] {strides = array<i32>} : memref<64x144xf32, #tpu.memory_space<vmem>>, vector<1x16xf32>,
        %swap3A_417 = vector.shape_cast %swap3A_416 : vector<1x16xf32> to vector<16xf32>
        %swap3A_418 = vector.shape_cast %add3A_413 : vector<16xf32> to vector<1x16xf32>
        tpu.vector_store %arg7[%swap3A_414, %swap3A_415], %swap3A_418 {strides = array<i32>} : memref<64x144xf32, #tpu.memory_space<vmem>>, vector<1x16xf32>,
        %get3A_419 = arith.index_cast %mul3A_68 : i32 to index
        %get3A_420 = arith.constant 128 : index
        %get3A_421 = tpu.vector_load %arg6[%get3A_419, %get3A_420] {strides = array<i32>} : memref<384x144xf32, #tpu.memory_space<vmem>>, vector<1x16xf32>,
        %get3A_422 = vector.shape_cast %get3A_421 : vector<1x16xf32> to vector<16xf32>
        %add3A_423 = arith.constant 1 : i32
        %add3A_424 = arith.addi %mul3A_68, %add3A_423 : i32
        %get3A_425 = arith.index_cast %add3A_424 : i32 to index
        %get3A_426 = arith.constant 128 : index
        %get3A_427 = tpu.vector_load %arg6[%get3A_425, %get3A_426] {strides = array<i32>} : memref<384x144xf32, #tpu.memory_space<vmem>>, vector<1x16xf32>,
        %get3A_428 = vector.shape_cast %get3A_427 : vector<1x16xf32> to vector<16xf32>
        %add3A_429 = arith.addf %get3A_422, %get3A_428 : vector<16xf32>
        %add3A_430 = arith.constant 2 : i32
        %add3A_431 = arith.addi %mul3A_68, %add3A_430 : i32
        %get3A_432 = arith.index_cast %add3A_431 : i32 to index
        %get3A_433 = arith.constant 128 : index
        %get3A_434 = tpu.vector_load %arg6[%get3A_432, %get3A_433] {strides = array<i32>} : memref<384x144xf32, #tpu.memory_space<vmem>>, vector<1x16xf32>,
        %get3A_435 = vector.shape_cast %get3A_434 : vector<1x16xf32> to vector<16xf32>
        %add3A_436 = arith.addf %add3A_429, %get3A_435 : vector<16xf32>
        %add3A_437 = arith.constant 3 : i32
        %add3A_438 = arith.addi %mul3A_68, %add3A_437 : i32
        %get3A_439 = arith.index_cast %add3A_438 : i32 to index
        %get3A_440 = arith.constant 128 : index
        %get3A_441 = tpu.vector_load %arg6[%get3A_439, %get3A_440] {strides = array<i32>} : memref<384x144xf32, #tpu.memory_space<vmem>>, vector<1x16xf32>,
        %get3A_442 = vector.shape_cast %get3A_441 : vector<1x16xf32> to vector<16xf32>
        %add3A_443 = arith.addf %add3A_436, %get3A_442 : vector<16xf32>
        %add3A_444 = arith.constant 4 : i32
        %add3A_445 = arith.addi %mul3A_68, %add3A_444 : i32
        %get3A_446 = arith.index_cast %add3A_445 : i32 to index
        %get3A_447 = arith.constant 128 : index
        %get3A_448 = tpu.vector_load %arg6[%get3A_446, %get3A_447] {strides = array<i32>} : memref<384x144xf32, #tpu.memory_space<vmem>>, vector<1x16xf32>,
        %get3A_449 = vector.shape_cast %get3A_448 : vector<1x16xf32> to vector<16xf32>
        %add3A_450 = arith.addf %add3A_443, %get3A_449 : vector<16xf32>
        %add3A_451 = arith.constant 5 : i32
        %add3A_452 = arith.addi %mul3A_68, %add3A_451 : i32
        %get3A_453 = arith.index_cast %add3A_452 : i32 to index
        %get3A_454 = arith.constant 128 : index
        %get3A_455 = tpu.vector_load %arg6[%get3A_453, %get3A_454] {strides = array<i32>} : memref<384x144xf32, #tpu.memory_space<vmem>>, vector<1x16xf32>,
        %get3A_456 = vector.shape_cast %get3A_455 : vector<1x16xf32> to vector<16xf32>
        %add3A_457 = arith.addf %add3A_450, %get3A_456 : vector<16xf32>
        %swap3A_458 = arith.index_cast %scan3A_66 : i32 to index
        %swap3A_459 = arith.constant 128 : index
        %swap3A_460 = tpu.vector_load %arg7[%swap3A_458, %swap3A_459] {strides = array<i32>} : memref<64x144xf32, #tpu.memory_space<vmem>>, vector<1x16xf32>,
        %swap3A_461 = vector.shape_cast %swap3A_460 : vector<1x16xf32> to vector<16xf32>
        %swap3A_462 = vector.shape_cast %add3A_457 : vector<16xf32> to vector<1x16xf32>
        tpu.vector_store %arg7[%swap3A_458, %swap3A_459], %swap3A_462 {strides = array<i32>} : memref<64x144xf32, #tpu.memory_space<vmem>>, vector<1x16xf32>,
      }
      %scan3A_65 = arith.constant 64 : i32
      "tpu.region"() ({
        %run_scoped3A = tpu.sem_alloc : memref<!tpu.dma_semaphore, #tpu.memory_space<semaphore_mem>>
        %dma_start3A_66 = arith.constant 0 : i32
        %dma_start3A_67 = tpu.memref_slice %arg4[%add3A_11, %dma_start3A_66] : memref<10240x144xf32, #tpu.memory_space<hbm>> -> memref<64x144xf32, #tpu.memory_space<hbm>>
        %dma_start3A_68 = arith.constant 0 : i32
        %dma_start3A_69 = tpu.memref_slice %arg4[%add3A_11, %dma_start3A_68] : memref<10240x144xf32, #tpu.memory_space<hbm>> -> memref<64x144xf32, #tpu.memory_space<hbm>>
        tpu.enqueue_dma source(%arg7 : memref<64x144xf32, #tpu.memory_space<vmem>>) target(%dma_start3A_69 : memref<64x144xf32, #tpu.memory_space<hbm>>) target_semaphore(%run_scoped3A : memref<!tpu.dma_semaphore, #tpu.memory_space<semaphore_mem>>)
        %dma_wait3A_70 = arith.constant 0 : i32
        %dma_wait3A_71 = tpu.memref_slice %arg4[%add3A_11, %dma_wait3A_70] : memref<10240x144xf32, #tpu.memory_space<hbm>> -> memref<64x144xf32, #tpu.memory_space<hbm>>
        %dma_wait3A_72 = arith.constant 0 : i32
        %dma_wait3A_73 = tpu.memref_slice %arg4[%add3A_11, %dma_wait3A_72] : memref<10240x144xf32, #tpu.memory_space<hbm>> -> memref<64x144xf32, #tpu.memory_space<hbm>>
        tpu.wait_dma2 semaphore(%run_scoped3A : memref<!tpu.dma_semaphore, #tpu.memory_space<semaphore_mem>>) src(%arg7 : memref<64x144xf32, #tpu.memory_space<vmem>>) dst(%dma_wait3A_73 : memref<64x144xf32, #tpu.memory_space<hbm>>)
        tpu.yield
      }) : () -> ()
    }
    %scan3A_5 = arith.constant 5 : i32
    return
  }
}

module attributes {stable_mosaic.version = 14 : i64} {
  func.func @_layer_body(%arg0: i32, %arg1: memref<512x128xf32, #tpu.memory_space<vmem>>, %arg2: memref<512x4xf32, #tpu.memory_space<vmem>>, %arg3: memref<512x144xf32, #tpu.memory_space<vmem>>, %arg4: memref<128x128xf32, #tpu.memory_space<vmem>>, %arg5: memref<1x128xf32, #tpu.memory_space<vmem>>, %arg6: memref<128x1xf32, #tpu.memory_space<vmem>>, %arg7: memref<1x1xf32, #tpu.memory_space<vmem>>, %arg8: memref<512x144xf32, #tpu.memory_space<vmem>>, %arg9: memref<512x128xf32, #tpu.memory_space<vmem>>, %arg10: memref<512x4xf32, #tpu.memory_space<vmem>>) attributes {dimension_semantics = [#tpu.dimension_semantics<arbitrary>], iteration_bounds = array<i64: 20>, scalar_prefetch = 0 : i64, scratch_operands = 0 : i64, tpu.core_type = #tpu.core_type<tc>, window_params = [{transform_indices = @transform_0, window_bounds = array<i64: 512, 128>}, {transform_indices = @transform_1, window_bounds = array<i64: 512, 4>}, {transform_indices = @transform_2, window_bounds = array<i64: 512, 144>}, {pipeline_mode = #tpu.pipeline_mode<synchronous>, transform_indices = @transform_3, window_bounds = array<i64: 128, 128>}, {pipeline_mode = #tpu.pipeline_mode<synchronous>, transform_indices = @transform_4, window_bounds = array<i64: 1, 128>}, {pipeline_mode = #tpu.pipeline_mode<synchronous>, transform_indices = @transform_5, window_bounds = array<i64: 128, 1>}, {pipeline_mode = #tpu.pipeline_mode<synchronous>, transform_indices = @transform_6, window_bounds = array<i64: 1, 1>}, {transform_indices = @transform_7, window_bounds = array<i64: 512, 144>}, {transform_indices = @transform_8, window_bounds = array<i64: 512, 128>}, {transform_indices = @transform_9, window_bounds = array<i64: 512, 4>}]} {
    %get3A = arith.constant 0 : index
    %get3A_0 = arith.constant 0 : index
    %get3A_1 = vector.load %arg1[%get3A, %get3A_0] : memref<512x128xf32, #tpu.memory_space<vmem>>, vector<512x128xf32>
    %get3A_2 = arith.constant 0 : index
    %get3A_3 = arith.constant 0 : index
    %get3A_4 = vector.load %arg3[%get3A_2, %get3A_3] : memref<512x144xf32, #tpu.memory_space<vmem>>, vector<512x128xf32>
    %add3A = arith.addf %get3A_1, %get3A_4 : vector<512x128xf32>
    %get3A_5 = arith.constant 0 : index
    %get3A_6 = arith.constant 131 : index
    %get3A_7 = vector.load %arg3[%get3A_5, %get3A_6] : memref<512x144xf32, #tpu.memory_space<vmem>>, vector<512x1xf32>
    %get3A_8 = arith.constant 0 : index
    %get3A_9 = arith.constant 128 : index
    %get3A_10 = vector.load %arg3[%get3A_8, %get3A_9] : memref<512x144xf32, #tpu.memory_space<vmem>>, vector<512x3xf32>
    %get3A_11 = arith.constant 0 : index
    %get3A_12 = arith.constant 0 : index
    %get3A_13 = vector.load %arg2[%get3A_11, %get3A_12] : memref<512x4xf32, #tpu.memory_space<vmem>>, vector<512x3xf32>
    %mul3A = vector.broadcast %get3A_7 : vector<512x1xf32> to vector<512x3xf32>
    %mul3A_14 = arith.mulf %get3A_13, %mul3A : vector<512x3xf32>
    %add3A_15 = arith.addf %get3A_13, %mul3A_14 : vector<512x3xf32>
    %sub3A = arith.subf %add3A_15, %get3A_10 : vector<512x3xf32>
    %get3A_16 = arith.constant 0 : index
    %get3A_17 = arith.constant 0 : index
    %get3A_18 = vector.load %arg4[%get3A_16, %get3A_17] : memref<128x128xf32, #tpu.memory_space<vmem>>, vector<128x128xf32>
    %dot_general3A = arith.constant dense<0.000000e+00> : vector<512x128xf32>
    %dot_general3A_19 = tpu.matmul %add3A, %get3A_18, %dot_general3A {dimension_numbers = #tpu.dot_dimension_numbers<[1], [0], [0], [1], [0, 0, 1, 1], [], []>, transpose_lhs_hint = false} : vector<512x128xf32>, vector<128x128xf32>, vector<512x128xf32> -> vector<512x128xf32>
    %get3A_20 = arith.constant 0 : index
    %get3A_21 = arith.constant 0 : index
    %get3A_22 = vector.load %arg5[%get3A_20, %get3A_21] : memref<1x128xf32, #tpu.memory_space<vmem>>, vector<1x128xf32>
    %add3A_23 = vector.broadcast %get3A_22 : vector<1x128xf32> to vector<512x128xf32>
    %add3A_24 = arith.addf %dot_general3A_19, %add3A_23 : vector<512x128xf32>
    %max3A = arith.constant 0.000000e+00 : f32
    %max3A_25 = vector.broadcast %max3A : f32 to vector<512x128xf32>
    %max3A_26 = arith.maximumf %add3A_24, %max3A_25 : vector<512x128xf32>
    %get3A_27 = arith.constant 0 : index
    %get3A_28 = arith.constant 0 : index
    %get3A_29 = vector.load %arg6[%get3A_27, %get3A_28] : memref<128x1xf32, #tpu.memory_space<vmem>>, vector<128x1xf32>
    %dot_general3A_30 = arith.constant dense<0.000000e+00> : vector<512x1xf32>
    %dot_general3A_31 = tpu.matmul %add3A, %get3A_29, %dot_general3A_30 {dimension_numbers = #tpu.dot_dimension_numbers<[1], [0], [0], [1], [0, 0, 1, 1], [], []>, transpose_lhs_hint = false} : vector<512x128xf32>, vector<128x1xf32>, vector<512x1xf32> -> vector<512x1xf32>
    %get3A_32 = arith.constant 0 : index
    %get3A_33 = arith.constant 0 : index
    %get3A_34 = vector.load %arg7[%get3A_32, %get3A_33] : memref<1x1xf32, #tpu.memory_space<vmem>>, vector<1x1xf32>
    %add3A_35 = vector.broadcast %get3A_34 : vector<1x1xf32> to vector<512x1xf32>
    %add3A_36 = arith.addf %dot_general3A_31, %add3A_35 : vector<512x1xf32>
    %max3A_37 = arith.constant 0.000000e+00 : f32
    %max3A_38 = vector.broadcast %max3A_37 : f32 to vector<512x1xf32>
    %max3A_39 = arith.maximumf %add3A_36, %max3A_38 : vector<512x1xf32>
    %swap3A = arith.constant 0 : index
    %swap3A_40 = arith.constant 0 : index
    %swap3A_41 = vector.load %arg8[%swap3A, %swap3A_40] : memref<512x144xf32, #tpu.memory_space<vmem>>, vector<512x128xf32>
    tpu.vector_store %arg8[%swap3A, %swap3A_40], %max3A_26 {strides = array<i32>} : memref<512x144xf32, #tpu.memory_space<vmem>>, vector<512x128xf32>,
    %mul3A_42 = vector.broadcast %max3A_39 : vector<512x1xf32> to vector<512x3xf32>
    %mul3A_43 = arith.mulf %sub3A, %mul3A_42 : vector<512x3xf32>
    %swap3A_44 = arith.constant 0 : index
    %swap3A_45 = arith.constant 128 : index
    %swap3A_46 = vector.load %arg8[%swap3A_44, %swap3A_45] : memref<512x144xf32, #tpu.memory_space<vmem>>, vector<512x3xf32>
    tpu.vector_store %arg8[%swap3A_44, %swap3A_45], %mul3A_43 {strides = array<i32>} : memref<512x144xf32, #tpu.memory_space<vmem>>, vector<512x3xf32>,
    %swap3A_47 = arith.constant 0 : index
    %swap3A_48 = arith.constant 131 : index
    %swap3A_49 = vector.load %arg8[%swap3A_47, %swap3A_48] : memref<512x144xf32, #tpu.memory_space<vmem>>, vector<512x1xf32>
    tpu.vector_store %arg8[%swap3A_47, %swap3A_48], %max3A_39 {strides = array<i32>} : memref<512x144xf32, #tpu.memory_space<vmem>>, vector<512x1xf32>,
    %broadcast_in_dim3A = arith.constant 0.000000e+00 : f32
    %broadcast_in_dim3A_50 = vector.broadcast %broadcast_in_dim3A : f32 to vector<512x12xf32>
    %swap3A_51 = arith.constant 0 : index
    %swap3A_52 = arith.constant 132 : index
    %swap3A_53 = vector.load %arg8[%swap3A_51, %swap3A_52] : memref<512x144xf32, #tpu.memory_space<vmem>>, vector<512x12xf32>
    tpu.vector_store %arg8[%swap3A_51, %swap3A_52], %broadcast_in_dim3A_50 {strides = array<i32>} : memref<512x144xf32, #tpu.memory_space<vmem>>, vector<512x12xf32>,
    %swap3A_54 = arith.constant 0 : index
    %swap3A_55 = arith.constant 0 : index
    %swap3A_56 = vector.load %arg9[%swap3A_54, %swap3A_55] : memref<512x128xf32, #tpu.memory_space<vmem>>, vector<512x128xf32>
    tpu.vector_store %arg9[%swap3A_54, %swap3A_55], %add3A {strides = array<i32>} : memref<512x128xf32, #tpu.memory_space<vmem>>, vector<512x128xf32>,
    %swap3A_57 = arith.constant 0 : index
    %swap3A_58 = arith.constant 0 : index
    %swap3A_59 = vector.load %arg10[%swap3A_57, %swap3A_58] : memref<512x4xf32, #tpu.memory_space<vmem>>, vector<512x3xf32>
    tpu.vector_store %arg10[%swap3A_57, %swap3A_58], %sub3A {strides = array<i32>} : memref<512x4xf32, #tpu.memory_space<vmem>>, vector<512x3xf32>,
    %broadcast_in_dim3A_60 = arith.constant 0.000000e+00 : f32
    %broadcast_in_dim3A_61 = vector.broadcast %broadcast_in_dim3A_60 : f32 to vector<512x1xf32>
    %swap3A_62 = arith.constant 0 : index
    %swap3A_63 = arith.constant 3 : index
    %swap3A_64 = vector.load %arg10[%swap3A_62, %swap3A_63] : memref<512x4xf32, #tpu.memory_space<vmem>>, vector<512x1xf32>
    tpu.vector_store %arg10[%swap3A_62, %swap3A_63], %broadcast_in_dim3A_61 {strides = array<i32>} : memref<512x4xf32, #tpu.memory_space<vmem>>, vector<512x1xf32>,
    return
  }
  func.func @transform_0(%arg0: i32) -> (i32, i32) {
    %c0_i32 = arith.constant 0 : i32
    %c0_i32_0 = arith.constant 0 : i32
    return %arg0, %c0_i32 : i32, i32
  }
  func.func @transform_1(%arg0: i32) -> (i32, i32) {
    %c0_i32 = arith.constant 0 : i32
    %c0_i32_0 = arith.constant 0 : i32
    return %arg0, %c0_i32 : i32, i32
  }
  func.func @transform_2(%arg0: i32) -> (i32, i32) {
    %c0_i32 = arith.constant 0 : i32
    %c0_i32_0 = arith.constant 0 : i32
    return %arg0, %c0_i32 : i32, i32
  }
  func.func @transform_3(%arg0: i32) -> (i32, i32) {
    %c0_i32 = arith.constant 0 : i32
    %c0_i32_0 = arith.constant 0 : i32
    %c0_i32_1 = arith.constant 0 : i32
    return %c0_i32, %c0_i32_0 : i32, i32
  }
  func.func @transform_4(%arg0: i32) -> (i32, i32) {
    %c0_i32 = arith.constant 0 : i32
    %c0_i32_0 = arith.constant 0 : i32
    %c0_i32_1 = arith.constant 0 : i32
    return %c0_i32, %c0_i32_0 : i32, i32
  }
  func.func @transform_5(%arg0: i32) -> (i32, i32) {
    %c0_i32 = arith.constant 0 : i32
    %c0_i32_0 = arith.constant 0 : i32
    %c0_i32_1 = arith.constant 0 : i32
    return %c0_i32, %c0_i32_0 : i32, i32
  }
  func.func @transform_6(%arg0: i32) -> (i32, i32) {
    %c0_i32 = arith.constant 0 : i32
    %c0_i32_0 = arith.constant 0 : i32
    %c0_i32_1 = arith.constant 0 : i32
    return %c0_i32, %c0_i32_0 : i32, i32
  }
  func.func @transform_7(%arg0: i32) -> (i32, i32) {
    %c0_i32 = arith.constant 0 : i32
    %c0_i32_0 = arith.constant 0 : i32
    return %arg0, %c0_i32 : i32, i32
  }
  func.func @transform_8(%arg0: i32) -> (i32, i32) {
    %c0_i32 = arith.constant 0 : i32
    %c0_i32_0 = arith.constant 0 : i32
    return %arg0, %c0_i32 : i32, i32
  }
  func.func @transform_9(%arg0: i32) -> (i32, i32) {
    %c0_i32 = arith.constant 0 : i32
    %c0_i32_0 = arith.constant 0 : i32
    return %arg0, %c0_i32 : i32, i32
  }
}

module attributes {stable_mosaic.version = 14 : i64} {
  func.func @_knn_body(%arg0: i32, %arg1: i32, %arg2: memref<256x3xf32, #tpu.memory_space<vmem>>, %arg3: memref<3x2048xf32, #tpu.memory_space<vmem>>, %arg4: memref<256x6xi32, #tpu.memory_space<vmem>>, %arg5: memref<256x8xf32, #tpu.memory_space<vmem>>, %arg6: memref<256x8xi32, #tpu.memory_space<vmem>>) attributes {dimension_semantics = [#tpu.dimension_semantics<parallel>, #tpu.dimension_semantics<arbitrary>], iteration_bounds = array<i64: 40, 5>, scalar_prefetch = 0 : i64, scratch_operands = 2 : i64, tpu.core_type = #tpu.core_type<tc>, window_params = [{transform_indices = @transform_0, window_bounds = array<i64: 256, 3>}, {transform_indices = @transform_1, window_bounds = array<i64: 3, 2048>}, {transform_indices = @transform_2, window_bounds = array<i64: 256, 6>}]} {
    %eq3A = arith.constant 0 : i32
    %eq3A_0 = arith.cmpi eq, %arg1, %eq3A : i32
    %convert_element_type3A = arith.extui %eq3A_0 : i1 to i32
    %cond3A = arith.constant 0 : i32
    %cond3A_1 = arith.cmpi ne, %convert_element_type3A, %cond3A : i32
    scf.if %cond3A_1 {
      %broadcast_in_dim3A_302 = arith.constant 3.000000e+38 : f32
      %broadcast_in_dim3A_303 = vector.broadcast %broadcast_in_dim3A_302 : f32 to vector<256x8xf32>
      %swap3A_304 = arith.constant 0 : index
      %swap3A_305 = arith.constant 0 : index
      %swap3A_306 = vector.load %arg5[%swap3A_304, %swap3A_305] : memref<256x8xf32, #tpu.memory_space<vmem>>, vector<256x8xf32>
      tpu.vector_store %arg5[%swap3A_304, %swap3A_305], %broadcast_in_dim3A_303 {strides = array<i32>} : memref<256x8xf32, #tpu.memory_space<vmem>>, vector<256x8xf32>,
      %broadcast_in_dim3A_307 = arith.constant 0 : i32
      %broadcast_in_dim3A_308 = vector.broadcast %broadcast_in_dim3A_307 : i32 to vector<256x8xi32>
      %swap3A_309 = arith.constant 0 : index
      %swap3A_310 = arith.constant 0 : index
      %swap3A_311 = vector.load %arg6[%swap3A_309, %swap3A_310] : memref<256x8xi32, #tpu.memory_space<vmem>>, vector<256x8xi32>
      tpu.vector_store %arg6[%swap3A_309, %swap3A_310], %broadcast_in_dim3A_308 {strides = array<i32>} : memref<256x8xi32, #tpu.memory_space<vmem>>, vector<256x8xi32>,
    } else {
    }
    %get3A = arith.constant 0 : index
    %get3A_2 = arith.constant 0 : index
    %get3A_3 = vector.load %arg2[%get3A, %get3A_2] : memref<256x3xf32, #tpu.memory_space<vmem>>, vector<256x3xf32>
    %get3A_4 = arith.constant 0 : index
    %get3A_5 = arith.constant 0 : index
    %get3A_6 = vector.load %arg3[%get3A_4, %get3A_5] : memref<3x2048xf32, #tpu.memory_space<vmem>>, vector<3x2048xf32>
    %dot_general3A = arith.constant dense<0.000000e+00> : vector<256x2048xf32>
    %dot_general3A_7 = tpu.matmul %get3A_3, %get3A_6, %dot_general3A {dimension_numbers = #tpu.dot_dimension_numbers<[1], [0], [0], [1], [0, 0, 1, 1], [], []>, transpose_lhs_hint = false} : vector<256x3xf32>, vector<3x2048xf32>, vector<256x2048xf32> -> vector<256x2048xf32>
    %slice3A = vector.extract_strided_slice %get3A_3 {offsets = [0, 0], sizes = [256, 1], strides = [1, 1]} : vector<256x3xf32> to vector<256x1xf32>
    %slice3A_8 = vector.extract_strided_slice %get3A_3 {offsets = [0, 0], sizes = [256, 1], strides = [1, 1]} : vector<256x3xf32> to vector<256x1xf32>
    %mul3A = arith.mulf %slice3A, %slice3A_8 : vector<256x1xf32>
    %slice3A_9 = vector.extract_strided_slice %get3A_3 {offsets = [0, 1], sizes = [256, 1], strides = [1, 1]} : vector<256x3xf32> to vector<256x1xf32>
    %slice3A_10 = vector.extract_strided_slice %get3A_3 {offsets = [0, 1], sizes = [256, 1], strides = [1, 1]} : vector<256x3xf32> to vector<256x1xf32>
    %mul3A_11 = arith.mulf %slice3A_9, %slice3A_10 : vector<256x1xf32>
    %add3A = arith.addf %mul3A, %mul3A_11 : vector<256x1xf32>
    %slice3A_12 = vector.extract_strided_slice %get3A_3 {offsets = [0, 2], sizes = [256, 1], strides = [1, 1]} : vector<256x3xf32> to vector<256x1xf32>
    %slice3A_13 = vector.extract_strided_slice %get3A_3 {offsets = [0, 2], sizes = [256, 1], strides = [1, 1]} : vector<256x3xf32> to vector<256x1xf32>
    %mul3A_14 = arith.mulf %slice3A_12, %slice3A_13 : vector<256x1xf32>
    %add3A_15 = arith.addf %add3A, %mul3A_14 : vector<256x1xf32>
    %slice3A_16 = vector.extract_strided_slice %get3A_6 {offsets = [0, 0], sizes = [1, 2048], strides = [1, 1]} : vector<3x2048xf32> to vector<1x2048xf32>
    %slice3A_17 = vector.extract_strided_slice %get3A_6 {offsets = [0, 0], sizes = [1, 2048], strides = [1, 1]} : vector<3x2048xf32> to vector<1x2048xf32>
    %mul3A_18 = arith.mulf %slice3A_16, %slice3A_17 : vector<1x2048xf32>
    %slice3A_19 = vector.extract_strided_slice %get3A_6 {offsets = [1, 0], sizes = [1, 2048], strides = [1, 1]} : vector<3x2048xf32> to vector<1x2048xf32>
    %slice3A_20 = vector.extract_strided_slice %get3A_6 {offsets = [1, 0], sizes = [1, 2048], strides = [1, 1]} : vector<3x2048xf32> to vector<1x2048xf32>
    %mul3A_21 = arith.mulf %slice3A_19, %slice3A_20 : vector<1x2048xf32>
    %add3A_22 = arith.addf %mul3A_18, %mul3A_21 : vector<1x2048xf32>
    %slice3A_23 = vector.extract_strided_slice %get3A_6 {offsets = [2, 0], sizes = [1, 2048], strides = [1, 1]} : vector<3x2048xf32> to vector<1x2048xf32>
    %slice3A_24 = vector.extract_strided_slice %get3A_6 {offsets = [2, 0], sizes = [1, 2048], strides = [1, 1]} : vector<3x2048xf32> to vector<1x2048xf32>
    %mul3A_25 = arith.mulf %slice3A_23, %slice3A_24 : vector<1x2048xf32>
    %add3A_26 = arith.addf %add3A_22, %mul3A_25 : vector<1x2048xf32>
    %add3A_27 = vector.broadcast %add3A_15 : vector<256x1xf32> to vector<256x2048xf32>
    %add3A_28 = vector.broadcast %add3A_26 : vector<1x2048xf32> to vector<256x2048xf32>
    %add3A_29 = arith.addf %add3A_27, %add3A_28 : vector<256x2048xf32>
    %mul3A_30 = arith.constant 2.000000e+00 : f32
    %mul3A_31 = vector.broadcast %mul3A_30 : f32 to vector<256x2048xf32>
    %mul3A_32 = arith.mulf %mul3A_31, %dot_general3A_7 : vector<256x2048xf32>
    %sub3A = arith.subf %add3A_29, %mul3A_32 : vector<256x2048xf32>
    %iota3A = tpu.iota {dimensions = array<i32: 1>} : vector<256x2048xi32>
    %mul3A_33 = arith.constant 2048 : i32
    %mul3A_34 = arith.muli %arg1, %mul3A_33 : i32
    %add3A_35 = vector.broadcast %mul3A_34 : i32 to vector<256x2048xi32>
    %add3A_36 = arith.addi %iota3A, %add3A_35 : vector<256x2048xi32>
    %iota3A_37 = tpu.iota {dimensions = array<i32: 0>} : vector<256x1xi32>
    %mul3A_38 = arith.constant 256 : i32
    %mul3A_39 = arith.muli %arg0, %mul3A_38 : i32
    %add3A_40 = vector.broadcast %mul3A_39 : i32 to vector<256x1xi32>
    %add3A_41 = arith.addi %iota3A_37, %add3A_40 : vector<256x1xi32>
    %eq3A_42 = vector.broadcast %add3A_41 : vector<256x1xi32> to vector<256x2048xi32>
    %eq3A_43 = arith.cmpi eq, %add3A_36, %eq3A_42 : vector<256x2048xi32>
    %jit3A = arith.constant 3.000000e+38 : f32
    %broadcast_in_dim3A = vector.broadcast %jit3A : f32 to vector<256x2048xf32>
    %select_n3A = arith.select %eq3A_43, %broadcast_in_dim3A, %sub3A : vector<256x2048xi1>, vector<256x2048xf32>
    %reduce_min3A = arith.constant dense<0x7F800000> : vector<256xf32>
    %reduce_min3A_44 = vector.multi_reduction <minimumf>, %select_n3A, %reduce_min3A [1] : vector<256x2048xf32> to vector<256xf32>
    %broadcast_in_dim3A_45 = vector.shape_cast %reduce_min3A_44 : vector<256xf32> to vector<256x1xf32>
    %eq3A_46 = vector.broadcast %broadcast_in_dim3A_45 : vector<256x1xf32> to vector<256x2048xf32>
    %eq3A_47 = arith.cmpf oeq, %select_n3A, %eq3A_46 : vector<256x2048xf32>
    %jit3A_48 = arith.constant 1073741824 : i32
    %broadcast_in_dim3A_49 = vector.broadcast %jit3A_48 : i32 to vector<256x2048xi32>
    %select_n3A_50 = arith.select %eq3A_47, %add3A_36, %broadcast_in_dim3A_49 : vector<256x2048xi1>, vector<256x2048xi32>
    %reduce_min3A_51 = arith.constant dense<2147483647> : vector<256xi32>
    %reduce_min3A_52 = vector.multi_reduction <minsi>, %select_n3A_50, %reduce_min3A_51 [1] : vector<256x2048xi32> to vector<256xi32>
    %broadcast_in_dim3A_53 = vector.shape_cast %reduce_min3A_52 : vector<256xi32> to vector<256x1xi32>
    %eq3A_54 = vector.broadcast %broadcast_in_dim3A_53 : vector<256x1xi32> to vector<256x2048xi32>
    %eq3A_55 = arith.cmpi eq, %add3A_36, %eq3A_54 : vector<256x2048xi32>
    %jit3A_56 = arith.constant 3.000000e+38 : f32
    %broadcast_in_dim3A_57 = vector.broadcast %jit3A_56 : f32 to vector<256x2048xf32>
    %select_n3A_58 = arith.select %eq3A_55, %broadcast_in_dim3A_57, %select_n3A : vector<256x2048xi1>, vector<256x2048xf32>
    %reduce_min3A_59 = arith.constant dense<0x7F800000> : vector<256xf32>
    %reduce_min3A_60 = vector.multi_reduction <minimumf>, %select_n3A_58, %reduce_min3A_59 [1] : vector<256x2048xf32> to vector<256xf32>
    %broadcast_in_dim3A_61 = vector.shape_cast %reduce_min3A_60 : vector<256xf32> to vector<256x1xf32>
    %eq3A_62 = vector.broadcast %broadcast_in_dim3A_61 : vector<256x1xf32> to vector<256x2048xf32>
    %eq3A_63 = arith.cmpf oeq, %select_n3A_58, %eq3A_62 : vector<256x2048xf32>
    %jit3A_64 = arith.constant 1073741824 : i32
    %broadcast_in_dim3A_65 = vector.broadcast %jit3A_64 : i32 to vector<256x2048xi32>
    %select_n3A_66 = arith.select %eq3A_63, %add3A_36, %broadcast_in_dim3A_65 : vector<256x2048xi1>, vector<256x2048xi32>
    %reduce_min3A_67 = arith.constant dense<2147483647> : vector<256xi32>
    %reduce_min3A_68 = vector.multi_reduction <minsi>, %select_n3A_66, %reduce_min3A_67 [1] : vector<256x2048xi32> to vector<256xi32>
    %broadcast_in_dim3A_69 = vector.shape_cast %reduce_min3A_68 : vector<256xi32> to vector<256x1xi32>
    %eq3A_70 = vector.broadcast %broadcast_in_dim3A_69 : vector<256x1xi32> to vector<256x2048xi32>
    %eq3A_71 = arith.cmpi eq, %add3A_36, %eq3A_70 : vector<256x2048xi32>
    %jit3A_72 = arith.constant 3.000000e+38 : f32
    %broadcast_in_dim3A_73 = vector.broadcast %jit3A_72 : f32 to vector<256x2048xf32>
    %select_n3A_74 = arith.select %eq3A_71, %broadcast_in_dim3A_73, %select_n3A_58 : vector<256x2048xi1>, vector<256x2048xf32>
    %reduce_min3A_75 = arith.constant dense<0x7F800000> : vector<256xf32>
    %reduce_min3A_76 = vector.multi_reduction <minimumf>, %select_n3A_74, %reduce_min3A_75 [1] : vector<256x2048xf32> to vector<256xf32>
    %broadcast_in_dim3A_77 = vector.shape_cast %reduce_min3A_76 : vector<256xf32> to vector<256x1xf32>
    %eq3A_78 = vector.broadcast %broadcast_in_dim3A_77 : vector<256x1xf32> to vector<256x2048xf32>
    %eq3A_79 = arith.cmpf oeq, %select_n3A_74, %eq3A_78 : vector<256x2048xf32>
    %jit3A_80 = arith.constant 1073741824 : i32
    %broadcast_in_dim3A_81 = vector.broadcast %jit3A_80 : i32 to vector<256x2048xi32>
    %select_n3A_82 = arith.select %eq3A_79, %add3A_36, %broadcast_in_dim3A_81 : vector<256x2048xi1>, vector<256x2048xi32>
    %reduce_min3A_83 = arith.constant dense<2147483647> : vector<256xi32>
    %reduce_min3A_84 = vector.multi_reduction <minsi>, %select_n3A_82, %reduce_min3A_83 [1] : vector<256x2048xi32> to vector<256xi32>
    %broadcast_in_dim3A_85 = vector.shape_cast %reduce_min3A_84 : vector<256xi32> to vector<256x1xi32>
    %eq3A_86 = vector.broadcast %broadcast_in_dim3A_85 : vector<256x1xi32> to vector<256x2048xi32>
    %eq3A_87 = arith.cmpi eq, %add3A_36, %eq3A_86 : vector<256x2048xi32>
    %jit3A_88 = arith.constant 3.000000e+38 : f32
    %broadcast_in_dim3A_89 = vector.broadcast %jit3A_88 : f32 to vector<256x2048xf32>
    %select_n3A_90 = arith.select %eq3A_87, %broadcast_in_dim3A_89, %select_n3A_74 : vector<256x2048xi1>, vector<256x2048xf32>
    %reduce_min3A_91 = arith.constant dense<0x7F800000> : vector<256xf32>
    %reduce_min3A_92 = vector.multi_reduction <minimumf>, %select_n3A_90, %reduce_min3A_91 [1] : vector<256x2048xf32> to vector<256xf32>
    %broadcast_in_dim3A_93 = vector.shape_cast %reduce_min3A_92 : vector<256xf32> to vector<256x1xf32>
    %eq3A_94 = vector.broadcast %broadcast_in_dim3A_93 : vector<256x1xf32> to vector<256x2048xf32>
    %eq3A_95 = arith.cmpf oeq, %select_n3A_90, %eq3A_94 : vector<256x2048xf32>
    %jit3A_96 = arith.constant 1073741824 : i32
    %broadcast_in_dim3A_97 = vector.broadcast %jit3A_96 : i32 to vector<256x2048xi32>
    %select_n3A_98 = arith.select %eq3A_95, %add3A_36, %broadcast_in_dim3A_97 : vector<256x2048xi1>, vector<256x2048xi32>
    %reduce_min3A_99 = arith.constant dense<2147483647> : vector<256xi32>
    %reduce_min3A_100 = vector.multi_reduction <minsi>, %select_n3A_98, %reduce_min3A_99 [1] : vector<256x2048xi32> to vector<256xi32>
    %broadcast_in_dim3A_101 = vector.shape_cast %reduce_min3A_100 : vector<256xi32> to vector<256x1xi32>
    %eq3A_102 = vector.broadcast %broadcast_in_dim3A_101 : vector<256x1xi32> to vector<256x2048xi32>
    %eq3A_103 = arith.cmpi eq, %add3A_36, %eq3A_102 : vector<256x2048xi32>
    %jit3A_104 = arith.constant 3.000000e+38 : f32
    %broadcast_in_dim3A_105 = vector.broadcast %jit3A_104 : f32 to vector<256x2048xf32>
    %select_n3A_106 = arith.select %eq3A_103, %broadcast_in_dim3A_105, %select_n3A_90 : vector<256x2048xi1>, vector<256x2048xf32>
    %reduce_min3A_107 = arith.constant dense<0x7F800000> : vector<256xf32>
    %reduce_min3A_108 = vector.multi_reduction <minimumf>, %select_n3A_106, %reduce_min3A_107 [1] : vector<256x2048xf32> to vector<256xf32>
    %broadcast_in_dim3A_109 = vector.shape_cast %reduce_min3A_108 : vector<256xf32> to vector<256x1xf32>
    %eq3A_110 = vector.broadcast %broadcast_in_dim3A_109 : vector<256x1xf32> to vector<256x2048xf32>
    %eq3A_111 = arith.cmpf oeq, %select_n3A_106, %eq3A_110 : vector<256x2048xf32>
    %jit3A_112 = arith.constant 1073741824 : i32
    %broadcast_in_dim3A_113 = vector.broadcast %jit3A_112 : i32 to vector<256x2048xi32>
    %select_n3A_114 = arith.select %eq3A_111, %add3A_36, %broadcast_in_dim3A_113 : vector<256x2048xi1>, vector<256x2048xi32>
    %reduce_min3A_115 = arith.constant dense<2147483647> : vector<256xi32>
    %reduce_min3A_116 = vector.multi_reduction <minsi>, %select_n3A_114, %reduce_min3A_115 [1] : vector<256x2048xi32> to vector<256xi32>
    %broadcast_in_dim3A_117 = vector.shape_cast %reduce_min3A_116 : vector<256xi32> to vector<256x1xi32>
    %eq3A_118 = vector.broadcast %broadcast_in_dim3A_117 : vector<256x1xi32> to vector<256x2048xi32>
    %eq3A_119 = arith.cmpi eq, %add3A_36, %eq3A_118 : vector<256x2048xi32>
    %jit3A_120 = arith.constant 3.000000e+38 : f32
    %broadcast_in_dim3A_121 = vector.broadcast %jit3A_120 : f32 to vector<256x2048xf32>
    %select_n3A_122 = arith.select %eq3A_119, %broadcast_in_dim3A_121, %select_n3A_106 : vector<256x2048xi1>, vector<256x2048xf32>
    %reduce_min3A_123 = arith.constant dense<0x7F800000> : vector<256xf32>
    %reduce_min3A_124 = vector.multi_reduction <minimumf>, %select_n3A_122, %reduce_min3A_123 [1] : vector<256x2048xf32> to vector<256xf32>
    %broadcast_in_dim3A_125 = vector.shape_cast %reduce_min3A_124 : vector<256xf32> to vector<256x1xf32>
    %eq3A_126 = vector.broadcast %broadcast_in_dim3A_125 : vector<256x1xf32> to vector<256x2048xf32>
    %eq3A_127 = arith.cmpf oeq, %select_n3A_122, %eq3A_126 : vector<256x2048xf32>
    %jit3A_128 = arith.constant 1073741824 : i32
    %broadcast_in_dim3A_129 = vector.broadcast %jit3A_128 : i32 to vector<256x2048xi32>
    %select_n3A_130 = arith.select %eq3A_127, %add3A_36, %broadcast_in_dim3A_129 : vector<256x2048xi1>, vector<256x2048xi32>
    %reduce_min3A_131 = arith.constant dense<2147483647> : vector<256xi32>
    %reduce_min3A_132 = vector.multi_reduction <minsi>, %select_n3A_130, %reduce_min3A_131 [1] : vector<256x2048xi32> to vector<256xi32>
    %broadcast_in_dim3A_133 = vector.shape_cast %reduce_min3A_132 : vector<256xi32> to vector<256x1xi32>
    %get3A_134 = arith.constant 0 : index
    %get3A_135 = arith.constant 0 : index
    %get3A_136 = vector.load %arg5[%get3A_134, %get3A_135] : memref<256x8xf32, #tpu.memory_space<vmem>>, vector<256x1xf32>
    %get3A_137 = arith.constant 0 : index
    %get3A_138 = arith.constant 0 : index
    %get3A_139 = vector.load %arg6[%get3A_137, %get3A_138] : memref<256x8xi32, #tpu.memory_space<vmem>>, vector<256x1xi32>
    %le3A = arith.cmpf ole, %get3A_136, %broadcast_in_dim3A_125 : vector<256x1xf32>
    %select_n3A_140 = arith.select %le3A, %get3A_136, %broadcast_in_dim3A_125 : vector<256x1xi1>, vector<256x1xf32>
    %select_n3A_141 = arith.select %le3A, %get3A_139, %broadcast_in_dim3A_133 : vector<256x1xi1>, vector<256x1xi32>
    %get3A_142 = arith.constant 0 : index
    %get3A_143 = arith.constant 1 : index
    %get3A_144 = vector.load %arg5[%get3A_142, %get3A_143] : memref<256x8xf32, #tpu.memory_space<vmem>>, vector<256x1xf32>
    %get3A_145 = arith.constant 0 : index
    %get3A_146 = arith.constant 1 : index
    %get3A_147 = vector.load %arg6[%get3A_145, %get3A_146] : memref<256x8xi32, #tpu.memory_space<vmem>>, vector<256x1xi32>
    %le3A_148 = arith.cmpf ole, %get3A_144, %broadcast_in_dim3A_109 : vector<256x1xf32>
    %select_n3A_149 = arith.select %le3A_148, %get3A_144, %broadcast_in_dim3A_109 : vector<256x1xi1>, vector<256x1xf32>
    %select_n3A_150 = arith.select %le3A_148, %get3A_147, %broadcast_in_dim3A_117 : vector<256x1xi1>, vector<256x1xi32>
    %get3A_151 = arith.constant 0 : index
    %get3A_152 = arith.constant 2 : index
    %get3A_153 = vector.load %arg5[%get3A_151, %get3A_152] : memref<256x8xf32, #tpu.memory_space<vmem>>, vector<256x1xf32>
    %get3A_154 = arith.constant 0 : index
    %get3A_155 = arith.constant 2 : index
    %get3A_156 = vector.load %arg6[%get3A_154, %get3A_155] : memref<256x8xi32, #tpu.memory_space<vmem>>, vector<256x1xi32>
    %le3A_157 = arith.cmpf ole, %get3A_153, %broadcast_in_dim3A_93 : vector<256x1xf32>
    %select_n3A_158 = arith.select %le3A_157, %get3A_153, %broadcast_in_dim3A_93 : vector<256x1xi1>, vector<256x1xf32>
    %select_n3A_159 = arith.select %le3A_157, %get3A_156, %broadcast_in_dim3A_101 : vector<256x1xi1>, vector<256x1xi32>
    %get3A_160 = arith.constant 0 : index
    %get3A_161 = arith.constant 3 : index
    %get3A_162 = vector.load %arg5[%get3A_160, %get3A_161] : memref<256x8xf32, #tpu.memory_space<vmem>>, vector<256x1xf32>
    %get3A_163 = arith.constant 0 : index
    %get3A_164 = arith.constant 3 : index
    %get3A_165 = vector.load %arg6[%get3A_163, %get3A_164] : memref<256x8xi32, #tpu.memory_space<vmem>>, vector<256x1xi32>
    %le3A_166 = arith.cmpf ole, %get3A_162, %broadcast_in_dim3A_77 : vector<256x1xf32>
    %select_n3A_167 = arith.select %le3A_166, %get3A_162, %broadcast_in_dim3A_77 : vector<256x1xi1>, vector<256x1xf32>
    %select_n3A_168 = arith.select %le3A_166, %get3A_165, %broadcast_in_dim3A_85 : vector<256x1xi1>, vector<256x1xi32>
    %get3A_169 = arith.constant 0 : index
    %get3A_170 = arith.constant 4 : index
    %get3A_171 = vector.load %arg5[%get3A_169, %get3A_170] : memref<256x8xf32, #tpu.memory_space<vmem>>, vector<256x1xf32>
    %get3A_172 = arith.constant 0 : index
    %get3A_173 = arith.constant 4 : index
    %get3A_174 = vector.load %arg6[%get3A_172, %get3A_173] : memref<256x8xi32, #tpu.memory_space<vmem>>, vector<256x1xi32>
    %le3A_175 = arith.cmpf ole, %get3A_171, %broadcast_in_dim3A_61 : vector<256x1xf32>
    %select_n3A_176 = arith.select %le3A_175, %get3A_171, %broadcast_in_dim3A_61 : vector<256x1xi1>, vector<256x1xf32>
    %select_n3A_177 = arith.select %le3A_175, %get3A_174, %broadcast_in_dim3A_69 : vector<256x1xi1>, vector<256x1xi32>
    %get3A_178 = arith.constant 0 : index
    %get3A_179 = arith.constant 5 : index
    %get3A_180 = vector.load %arg5[%get3A_178, %get3A_179] : memref<256x8xf32, #tpu.memory_space<vmem>>, vector<256x1xf32>
    %get3A_181 = arith.constant 0 : index
    %get3A_182 = arith.constant 5 : index
    %get3A_183 = vector.load %arg6[%get3A_181, %get3A_182] : memref<256x8xi32, #tpu.memory_space<vmem>>, vector<256x1xi32>
    %le3A_184 = arith.cmpf ole, %get3A_180, %broadcast_in_dim3A_45 : vector<256x1xf32>
    %select_n3A_185 = arith.select %le3A_184, %get3A_180, %broadcast_in_dim3A_45 : vector<256x1xi1>, vector<256x1xf32>
    %select_n3A_186 = arith.select %le3A_184, %get3A_183, %broadcast_in_dim3A_53 : vector<256x1xi1>, vector<256x1xi32>
    %le3A_187 = arith.cmpf ole, %select_n3A_140, %select_n3A_149 : vector<256x1xf32>
    %select_n3A_188 = arith.select %le3A_187, %select_n3A_140, %select_n3A_149 : vector<256x1xi1>, vector<256x1xf32>
    %select_n3A_189 = arith.select %le3A_187, %select_n3A_149, %select_n3A_140 : vector<256x1xi1>, vector<256x1xf32>
    %select_n3A_190 = arith.select %le3A_187, %select_n3A_141, %select_n3A_150 : vector<256x1xi1>, vector<256x1xi32>
    %select_n3A_191 = arith.select %le3A_187, %select_n3A_150, %select_n3A_141 : vector<256x1xi1>, vector<256x1xi32>
    %le3A_192 = arith.cmpf ole, %select_n3A_158, %select_n3A_167 : vector<256x1xf32>
    %select_n3A_193 = arith.select %le3A_192, %select_n3A_158, %select_n3A_167 : vector<256x1xi1>, vector<256x1xf32>
    %select_n3A_194 = arith.select %le3A_192, %select_n3A_167, %select_n3A_158 : vector<256x1xi1>, vector<256x1xf32>
    %select_n3A_195 = arith.select %le3A_192, %select_n3A_159, %select_n3A_168 : vector<256x1xi1>, vector<256x1xi32>
    %select_n3A_196 = arith.select %le3A_192, %select_n3A_168, %select_n3A_159 : vector<256x1xi1>, vector<256x1xi32>
    %le3A_197 = arith.cmpf ole, %select_n3A_176, %select_n3A_185 : vector<256x1xf32>
    %select_n3A_198 = arith.select %le3A_197, %select_n3A_176, %select_n3A_185 : vector<256x1xi1>, vector<256x1xf32>
    %select_n3A_199 = arith.select %le3A_197, %select_n3A_185, %select_n3A_176 : vector<256x1xi1>, vector<256x1xf32>
    %select_n3A_200 = arith.select %le3A_197, %select_n3A_177, %select_n3A_186 : vector<256x1xi1>, vector<256x1xi32>
    %select_n3A_201 = arith.select %le3A_197, %select_n3A_186, %select_n3A_177 : vector<256x1xi1>, vector<256x1xi32>
    %le3A_202 = arith.cmpf ole, %select_n3A_189, %select_n3A_193 : vector<256x1xf32>
    %select_n3A_203 = arith.select %le3A_202, %select_n3A_189, %select_n3A_193 : vector<256x1xi1>, vector<256x1xf32>
    %select_n3A_204 = arith.select %le3A_202, %select_n3A_193, %select_n3A_189 : vector<256x1xi1>, vector<256x1xf32>
    %select_n3A_205 = arith.select %le3A_202, %select_n3A_191, %select_n3A_195 : vector<256x1xi1>, vector<256x1xi32>
    %select_n3A_206 = arith.select %le3A_202, %select_n3A_195, %select_n3A_191 : vector<256x1xi1>, vector<256x1xi32>
    %le3A_207 = arith.cmpf ole, %select_n3A_194, %select_n3A_198 : vector<256x1xf32>
    %select_n3A_208 = arith.select %le3A_207, %select_n3A_194, %select_n3A_198 : vector<256x1xi1>, vector<256x1xf32>
    %select_n3A_209 = arith.select %le3A_207, %select_n3A_198, %select_n3A_194 : vector<256x1xi1>, vector<256x1xf32>
    %select_n3A_210 = arith.select %le3A_207, %select_n3A_196, %select_n3A_200 : vector<256x1xi1>, vector<256x1xi32>
    %select_n3A_211 = arith.select %le3A_207, %select_n3A_200, %select_n3A_196 : vector<256x1xi1>, vector<256x1xi32>
    %le3A_212 = arith.cmpf ole, %select_n3A_188, %select_n3A_203 : vector<256x1xf32>
    %select_n3A_213 = arith.select %le3A_212, %select_n3A_188, %select_n3A_203 : vector<256x1xi1>, vector<256x1xf32>
    %select_n3A_214 = arith.select %le3A_212, %select_n3A_203, %select_n3A_188 : vector<256x1xi1>, vector<256x1xf32>
    %select_n3A_215 = arith.select %le3A_212, %select_n3A_190, %select_n3A_205 : vector<256x1xi1>, vector<256x1xi32>
    %select_n3A_216 = arith.select %le3A_212, %select_n3A_205, %select_n3A_190 : vector<256x1xi1>, vector<256x1xi32>
    %le3A_217 = arith.cmpf ole, %select_n3A_204, %select_n3A_208 : vector<256x1xf32>
    %select_n3A_218 = arith.select %le3A_217, %select_n3A_204, %select_n3A_208 : vector<256x1xi1>, vector<256x1xf32>
    %select_n3A_219 = arith.select %le3A_217, %select_n3A_208, %select_n3A_204 : vector<256x1xi1>, vector<256x1xf32>
    %select_n3A_220 = arith.select %le3A_217, %select_n3A_206, %select_n3A_210 : vector<256x1xi1>, vector<256x1xi32>
    %select_n3A_221 = arith.select %le3A_217, %select_n3A_210, %select_n3A_206 : vector<256x1xi1>, vector<256x1xi32>
    %le3A_222 = arith.cmpf ole, %select_n3A_209, %select_n3A_199 : vector<256x1xf32>
    %select_n3A_223 = arith.select %le3A_222, %select_n3A_209, %select_n3A_199 : vector<256x1xi1>, vector<256x1xf32>
    %select_n3A_224 = arith.select %le3A_222, %select_n3A_199, %select_n3A_209 : vector<256x1xi1>, vector<256x1xf32>
    %select_n3A_225 = arith.select %le3A_222, %select_n3A_211, %select_n3A_201 : vector<256x1xi1>, vector<256x1xi32>
    %select_n3A_226 = arith.select %le3A_222, %select_n3A_201, %select_n3A_211 : vector<256x1xi1>, vector<256x1xi32>
    %le3A_227 = arith.cmpf ole, %select_n3A_214, %select_n3A_218 : vector<256x1xf32>
    %select_n3A_228 = arith.select %le3A_227, %select_n3A_214, %select_n3A_218 : vector<256x1xi1>, vector<256x1xf32>
    %select_n3A_229 = arith.select %le3A_227, %select_n3A_218, %select_n3A_214 : vector<256x1xi1>, vector<256x1xf32>
    %select_n3A_230 = arith.select %le3A_227, %select_n3A_216, %select_n3A_220 : vector<256x1xi1>, vector<256x1xi32>
    %select_n3A_231 = arith.select %le3A_227, %select_n3A_220, %select_n3A_216 : vector<256x1xi1>, vector<256x1xi32>
    %le3A_232 = arith.cmpf ole, %select_n3A_219, %select_n3A_223 : vector<256x1xf32>
    %select_n3A_233 = arith.select %le3A_232, %select_n3A_219, %select_n3A_223 : vector<256x1xi1>, vector<256x1xf32>
    %select_n3A_234 = arith.select %le3A_232, %select_n3A_223, %select_n3A_219 : vector<256x1xi1>, vector<256x1xf32>
    %select_n3A_235 = arith.select %le3A_232, %select_n3A_221, %select_n3A_225 : vector<256x1xi1>, vector<256x1xi32>
    %select_n3A_236 = arith.select %le3A_232, %select_n3A_225, %select_n3A_221 : vector<256x1xi1>, vector<256x1xi32>
    %le3A_237 = arith.cmpf ole, %select_n3A_213, %select_n3A_228 : vector<256x1xf32>
    %select_n3A_238 = arith.select %le3A_237, %select_n3A_213, %select_n3A_228 : vector<256x1xi1>, vector<256x1xf32>
    %select_n3A_239 = arith.select %le3A_237, %select_n3A_228, %select_n3A_213 : vector<256x1xi1>, vector<256x1xf32>
    %select_n3A_240 = arith.select %le3A_237, %select_n3A_215, %select_n3A_230 : vector<256x1xi1>, vector<256x1xi32>
    %select_n3A_241 = arith.select %le3A_237, %select_n3A_230, %select_n3A_215 : vector<256x1xi1>, vector<256x1xi32>
    %le3A_242 = arith.cmpf ole, %select_n3A_229, %select_n3A_233 : vector<256x1xf32>
    %select_n3A_243 = arith.select %le3A_242, %select_n3A_229, %select_n3A_233 : vector<256x1xi1>, vector<256x1xf32>
    %select_n3A_244 = arith.select %le3A_242, %select_n3A_233, %select_n3A_229 : vector<256x1xi1>, vector<256x1xf32>
    %select_n3A_245 = arith.select %le3A_242, %select_n3A_231, %select_n3A_235 : vector<256x1xi1>, vector<256x1xi32>
    %select_n3A_246 = arith.select %le3A_242, %select_n3A_235, %select_n3A_231 : vector<256x1xi1>, vector<256x1xi32>
    %le3A_247 = arith.cmpf ole, %select_n3A_234, %select_n3A_224 : vector<256x1xf32>
    %select_n3A_248 = arith.select %le3A_247, %select_n3A_234, %select_n3A_224 : vector<256x1xi1>, vector<256x1xf32>
    %select_n3A_249 = arith.select %le3A_247, %select_n3A_224, %select_n3A_234 : vector<256x1xi1>, vector<256x1xf32>
    %select_n3A_250 = arith.select %le3A_247, %select_n3A_236, %select_n3A_226 : vector<256x1xi1>, vector<256x1xi32>
    %select_n3A_251 = arith.select %le3A_247, %select_n3A_226, %select_n3A_236 : vector<256x1xi1>, vector<256x1xi32>
    %le3A_252 = arith.cmpf ole, %select_n3A_239, %select_n3A_243 : vector<256x1xf32>
    %select_n3A_253 = arith.select %le3A_252, %select_n3A_239, %select_n3A_243 : vector<256x1xi1>, vector<256x1xf32>
    %select_n3A_254 = arith.select %le3A_252, %select_n3A_243, %select_n3A_239 : vector<256x1xi1>, vector<256x1xf32>
    %select_n3A_255 = arith.select %le3A_252, %select_n3A_241, %select_n3A_245 : vector<256x1xi1>, vector<256x1xi32>
    %select_n3A_256 = arith.select %le3A_252, %select_n3A_245, %select_n3A_241 : vector<256x1xi1>, vector<256x1xi32>
    %le3A_257 = arith.cmpf ole, %select_n3A_244, %select_n3A_248 : vector<256x1xf32>
    %select_n3A_258 = arith.select %le3A_257, %select_n3A_244, %select_n3A_248 : vector<256x1xi1>, vector<256x1xf32>
    %select_n3A_259 = arith.select %le3A_257, %select_n3A_248, %select_n3A_244 : vector<256x1xi1>, vector<256x1xf32>
    %select_n3A_260 = arith.select %le3A_257, %select_n3A_246, %select_n3A_250 : vector<256x1xi1>, vector<256x1xi32>
    %select_n3A_261 = arith.select %le3A_257, %select_n3A_250, %select_n3A_246 : vector<256x1xi1>, vector<256x1xi32>
    %swap3A = arith.constant 0 : index
    %swap3A_262 = arith.constant 0 : index
    %swap3A_263 = vector.load %arg5[%swap3A, %swap3A_262] : memref<256x8xf32, #tpu.memory_space<vmem>>, vector<256x1xf32>
    tpu.vector_store %arg5[%swap3A, %swap3A_262], %select_n3A_238 {strides = array<i32>} : memref<256x8xf32, #tpu.memory_space<vmem>>, vector<256x1xf32>,
    %swap3A_264 = arith.constant 0 : index
    %swap3A_265 = arith.constant 0 : index
    %swap3A_266 = vector.load %arg6[%swap3A_264, %swap3A_265] : memref<256x8xi32, #tpu.memory_space<vmem>>, vector<256x1xi32>
    tpu.vector_store %arg6[%swap3A_264, %swap3A_265], %select_n3A_240 {strides = array<i32>} : memref<256x8xi32, #tpu.memory_space<vmem>>, vector<256x1xi32>,
    %swap3A_267 = arith.constant 0 : index
    %swap3A_268 = arith.constant 1 : index
    %swap3A_269 = vector.load %arg5[%swap3A_267, %swap3A_268] : memref<256x8xf32, #tpu.memory_space<vmem>>, vector<256x1xf32>
    tpu.vector_store %arg5[%swap3A_267, %swap3A_268], %select_n3A_253 {strides = array<i32>} : memref<256x8xf32, #tpu.memory_space<vmem>>, vector<256x1xf32>,
    %swap3A_270 = arith.constant 0 : index
    %swap3A_271 = arith.constant 1 : index
    %swap3A_272 = vector.load %arg6[%swap3A_270, %swap3A_271] : memref<256x8xi32, #tpu.memory_space<vmem>>, vector<256x1xi32>
    tpu.vector_store %arg6[%swap3A_270, %swap3A_271], %select_n3A_255 {strides = array<i32>} : memref<256x8xi32, #tpu.memory_space<vmem>>, vector<256x1xi32>,
    %swap3A_273 = arith.constant 0 : index
    %swap3A_274 = arith.constant 2 : index
    %swap3A_275 = vector.load %arg5[%swap3A_273, %swap3A_274] : memref<256x8xf32, #tpu.memory_space<vmem>>, vector<256x1xf32>
    tpu.vector_store %arg5[%swap3A_273, %swap3A_274], %select_n3A_254 {strides = array<i32>} : memref<256x8xf32, #tpu.memory_space<vmem>>, vector<256x1xf32>,
    %swap3A_276 = arith.constant 0 : index
    %swap3A_277 = arith.constant 2 : index
    %swap3A_278 = vector.load %arg6[%swap3A_276, %swap3A_277] : memref<256x8xi32, #tpu.memory_space<vmem>>, vector<256x1xi32>
    tpu.vector_store %arg6[%swap3A_276, %swap3A_277], %select_n3A_256 {strides = array<i32>} : memref<256x8xi32, #tpu.memory_space<vmem>>, vector<256x1xi32>,
    %swap3A_279 = arith.constant 0 : index
    %swap3A_280 = arith.constant 3 : index
    %swap3A_281 = vector.load %arg5[%swap3A_279, %swap3A_280] : memref<256x8xf32, #tpu.memory_space<vmem>>, vector<256x1xf32>
    tpu.vector_store %arg5[%swap3A_279, %swap3A_280], %select_n3A_258 {strides = array<i32>} : memref<256x8xf32, #tpu.memory_space<vmem>>, vector<256x1xf32>,
    %swap3A_282 = arith.constant 0 : index
    %swap3A_283 = arith.constant 3 : index
    %swap3A_284 = vector.load %arg6[%swap3A_282, %swap3A_283] : memref<256x8xi32, #tpu.memory_space<vmem>>, vector<256x1xi32>
    tpu.vector_store %arg6[%swap3A_282, %swap3A_283], %select_n3A_260 {strides = array<i32>} : memref<256x8xi32, #tpu.memory_space<vmem>>, vector<256x1xi32>,
    %swap3A_285 = arith.constant 0 : index
    %swap3A_286 = arith.constant 4 : index
    %swap3A_287 = vector.load %arg5[%swap3A_285, %swap3A_286] : memref<256x8xf32, #tpu.memory_space<vmem>>, vector<256x1xf32>
    tpu.vector_store %arg5[%swap3A_285, %swap3A_286], %select_n3A_259 {strides = array<i32>} : memref<256x8xf32, #tpu.memory_space<vmem>>, vector<256x1xf32>,
    %swap3A_288 = arith.constant 0 : index
    %swap3A_289 = arith.constant 4 : index
    %swap3A_290 = vector.load %arg6[%swap3A_288, %swap3A_289] : memref<256x8xi32, #tpu.memory_space<vmem>>, vector<256x1xi32>
    tpu.vector_store %arg6[%swap3A_288, %swap3A_289], %select_n3A_261 {strides = array<i32>} : memref<256x8xi32, #tpu.memory_space<vmem>>, vector<256x1xi32>,
    %swap3A_291 = arith.constant 0 : index
    %swap3A_292 = arith.constant 5 : index
    %swap3A_293 = vector.load %arg5[%swap3A_291, %swap3A_292] : memref<256x8xf32, #tpu.memory_space<vmem>>, vector<256x1xf32>
    tpu.vector_store %arg5[%swap3A_291, %swap3A_292], %select_n3A_249 {strides = array<i32>} : memref<256x8xf32, #tpu.memory_space<vmem>>, vector<256x1xf32>,
    %swap3A_294 = arith.constant 0 : index
    %swap3A_295 = arith.constant 5 : index
    %swap3A_296 = vector.load %arg6[%swap3A_294, %swap3A_295] : memref<256x8xi32, #tpu.memory_space<vmem>>, vector<256x1xi32>
    tpu.vector_store %arg6[%swap3A_294, %swap3A_295], %select_n3A_251 {strides = array<i32>} : memref<256x8xi32, #tpu.memory_space<vmem>>, vector<256x1xi32>,
    %eq3A_297 = arith.constant 4 : i32
    %eq3A_298 = arith.cmpi eq, %arg1, %eq3A_297 : i32
    %convert_element_type3A_299 = arith.extui %eq3A_298 : i1 to i32
    %cond3A_300 = arith.constant 0 : i32
    %cond3A_301 = arith.cmpi ne, %convert_element_type3A_299, %cond3A_300 : i32
    scf.if %cond3A_301 {
      %swap3A_302 = arith.constant 0 : index
      %swap3A_303 = arith.constant 0 : index
      %swap3A_304 = vector.load %arg4[%swap3A_302, %swap3A_303] : memref<256x6xi32, #tpu.memory_space<vmem>>, vector<256x1xi32>
      tpu.vector_store %arg4[%swap3A_302, %swap3A_303], %select_n3A_240 {strides = array<i32>} : memref<256x6xi32, #tpu.memory_space<vmem>>, vector<256x1xi32>,
      %swap3A_305 = arith.constant 0 : index
      %swap3A_306 = arith.constant 1 : index
      %swap3A_307 = vector.load %arg4[%swap3A_305, %swap3A_306] : memref<256x6xi32, #tpu.memory_space<vmem>>, vector<256x1xi32>
      tpu.vector_store %arg4[%swap3A_305, %swap3A_306], %select_n3A_255 {strides = array<i32>} : memref<256x6xi32, #tpu.memory_space<vmem>>, vector<256x1xi32>,
      %swap3A_308 = arith.constant 0 : index
      %swap3A_309 = arith.constant 2 : index
      %swap3A_310 = vector.load %arg4[%swap3A_308, %swap3A_309] : memref<256x6xi32, #tpu.memory_space<vmem>>, vector<256x1xi32>
      tpu.vector_store %arg4[%swap3A_308, %swap3A_309], %select_n3A_256 {strides = array<i32>} : memref<256x6xi32, #tpu.memory_space<vmem>>, vector<256x1xi32>,
      %swap3A_311 = arith.constant 0 : index
      %swap3A_312 = arith.constant 3 : index
      %swap3A_313 = vector.load %arg4[%swap3A_311, %swap3A_312] : memref<256x6xi32, #tpu.memory_space<vmem>>, vector<256x1xi32>
      tpu.vector_store %arg4[%swap3A_311, %swap3A_312], %select_n3A_260 {strides = array<i32>} : memref<256x6xi32, #tpu.memory_space<vmem>>, vector<256x1xi32>,
      %swap3A_314 = arith.constant 0 : index
      %swap3A_315 = arith.constant 4 : index
      %swap3A_316 = vector.load %arg4[%swap3A_314, %swap3A_315] : memref<256x6xi32, #tpu.memory_space<vmem>>, vector<256x1xi32>
      tpu.vector_store %arg4[%swap3A_314, %swap3A_315], %select_n3A_261 {strides = array<i32>} : memref<256x6xi32, #tpu.memory_space<vmem>>, vector<256x1xi32>,
      %swap3A_317 = arith.constant 0 : index
      %swap3A_318 = arith.constant 5 : index
      %swap3A_319 = vector.load %arg4[%swap3A_317, %swap3A_318] : memref<256x6xi32, #tpu.memory_space<vmem>>, vector<256x1xi32>
      tpu.vector_store %arg4[%swap3A_317, %swap3A_318], %select_n3A_251 {strides = array<i32>} : memref<256x6xi32, #tpu.memory_space<vmem>>, vector<256x1xi32>,
    } else {
    }
    return
  }
  func.func @transform_0(%arg0: i32, %arg1: i32) -> (i32, i32) {
    %c0_i32 = arith.constant 0 : i32
    %c0_i32_0 = arith.constant 0 : i32
    return %arg0, %c0_i32 : i32, i32
  }
  func.func @transform_1(%arg0: i32, %arg1: i32) -> (i32, i32) {
    %c0_i32 = arith.constant 0 : i32
    %c0_i32_0 = arith.constant 0 : i32
    return %c0_i32, %arg1 : i32, i32
  }
  func.func @transform_2(%arg0: i32, %arg1: i32) -> (i32, i32) {
    %c0_i32 = arith.constant 0 : i32
    %c0_i32_0 = arith.constant 0 : i32
    return %arg0, %c0_i32 : i32, i32
  }
}

module attributes {stable_mosaic.version = 14 : i64} {
  func.func @_pool_body(%arg0: i32, %arg1: memref<512x128xf32, #tpu.memory_space<vmem>>, %arg2: memref<512x144xf32, #tpu.memory_space<vmem>>, %arg3: memref<1x128xf32, #tpu.memory_space<vmem>>) attributes {dimension_semantics = [#tpu.dimension_semantics<arbitrary>], iteration_bounds = array<i64: 20>, scalar_prefetch = 0 : i64, scratch_operands = 0 : i64, tpu.core_type = #tpu.core_type<tc>, window_params = [{transform_indices = @transform_0, window_bounds = array<i64: 512, 128>}, {transform_indices = @transform_1, window_bounds = array<i64: 512, 144>}, {pipeline_mode = #tpu.pipeline_mode<synchronous>, transform_indices = @transform_2, window_bounds = array<i64: 1, 128>}]} {
    %eq3A = arith.constant 0 : i32
    %eq3A_0 = arith.cmpi eq, %arg0, %eq3A : i32
    %convert_element_type3A = arith.extui %eq3A_0 : i1 to i32
    %cond3A = arith.constant 0 : i32
    %cond3A_1 = arith.cmpi ne, %convert_element_type3A, %cond3A : i32
    scf.if %cond3A_1 {
      %broadcast_in_dim3A_22 = arith.constant 0.000000e+00 : f32
      %broadcast_in_dim3A_23 = vector.broadcast %broadcast_in_dim3A_22 : f32 to vector<1x128xf32>
      %swap3A_24 = arith.constant 0 : index
      %swap3A_25 = arith.constant 0 : index
      %swap3A_26 = vector.load %arg3[%swap3A_24, %swap3A_25] : memref<1x128xf32, #tpu.memory_space<vmem>>, vector<1x128xf32>
      tpu.vector_store %arg3[%swap3A_24, %swap3A_25], %broadcast_in_dim3A_23 {strides = array<i32>} : memref<1x128xf32, #tpu.memory_space<vmem>>, vector<1x128xf32>,
    } else {
    }
    %get3A = arith.constant 0 : index
    %get3A_2 = arith.constant 0 : index
    %get3A_3 = vector.load %arg1[%get3A, %get3A_2] : memref<512x128xf32, #tpu.memory_space<vmem>>, vector<512x128xf32>
    %get3A_4 = arith.constant 0 : index
    %get3A_5 = arith.constant 0 : index
    %get3A_6 = vector.load %arg2[%get3A_4, %get3A_5] : memref<512x144xf32, #tpu.memory_space<vmem>>, vector<512x128xf32>
    %add3A = arith.addf %get3A_3, %get3A_6 : vector<512x128xf32>
    %iota3A = tpu.iota {dimensions = array<i32: 0>} : vector<512x1xi32>
    %mul3A = arith.constant 512 : i32
    %mul3A_7 = arith.muli %arg0, %mul3A : i32
    %add3A_8 = vector.broadcast %mul3A_7 : i32 to vector<512x1xi32>
    %add3A_9 = arith.addi %iota3A, %add3A_8 : vector<512x1xi32>
    %lt3A = arith.constant 10000 : i32
    %lt3A_10 = vector.broadcast %lt3A : i32 to vector<512x1xi32>
    %lt3A_11 = arith.cmpi slt, %add3A_9, %lt3A_10 : vector<512x1xi32>
    %jit3A = arith.constant 0.000000e+00 : f32
    %broadcast_in_dim3A = vector.shape_cast %lt3A_11 : vector<512x1xi1> to vector<512x1xi1>
    %broadcast_in_dim3A_12 = vector.broadcast %broadcast_in_dim3A : vector<512x1xi1> to vector<512x128xi1>
    %broadcast_in_dim3A_13 = vector.broadcast %jit3A : f32 to vector<512x128xf32>
    %select_n3A = arith.select %broadcast_in_dim3A_12, %add3A, %broadcast_in_dim3A_13 : vector<512x128xi1>, vector<512x128xf32>
    %get3A_14 = arith.constant 0 : index
    %get3A_15 = arith.constant 0 : index
    %get3A_16 = vector.load %arg3[%get3A_14, %get3A_15] : memref<1x128xf32, #tpu.memory_space<vmem>>, vector<1x128xf32>
    %reduce_sum3A = arith.constant dense<0.000000e+00> : vector<128xf32>
    %reduce_sum3A_17 = vector.multi_reduction <add>, %select_n3A, %reduce_sum3A [0] : vector<512x128xf32> to vector<128xf32>
    %broadcast_in_dim3A_18 = vector.shape_cast %reduce_sum3A_17 : vector<128xf32> to vector<1x128xf32>
    %add3A_19 = arith.addf %get3A_16, %broadcast_in_dim3A_18 : vector<1x128xf32>
    %swap3A = arith.constant 0 : index
    %swap3A_20 = arith.constant 0 : index
    %swap3A_21 = vector.load %arg3[%swap3A, %swap3A_20] : memref<1x128xf32, #tpu.memory_space<vmem>>, vector<1x128xf32>
    tpu.vector_store %arg3[%swap3A, %swap3A_20], %add3A_19 {strides = array<i32>} : memref<1x128xf32, #tpu.memory_space<vmem>>, vector<1x128xf32>,
    return
  }
  func.func @transform_0(%arg0: i32) -> (i32, i32) {
    %c0_i32 = arith.constant 0 : i32
    %c0_i32_0 = arith.constant 0 : i32
    return %arg0, %c0_i32 : i32, i32
  }
  func.func @transform_1(%arg0: i32) -> (i32, i32) {
    %c0_i32 = arith.constant 0 : i32
    %c0_i32_0 = arith.constant 0 : i32
    return %arg0, %c0_i32 : i32, i32
  }
  func.func @transform_2(%arg0: i32) -> (i32, i32) {
    %c0_i32 = arith.constant 0 : i32
    %c0_i32_0 = arith.constant 0 : i32
    %c0_i32_1 = arith.constant 0 : i32
    return %c0_i32, %c0_i32_0 : i32, i32
  }
}

module attributes {stable_mosaic.version = 14 : i64} {
  func.func @_head_body(%arg0: i32, %arg1: memref<1x128xf32, #tpu.memory_space<vmem>>, %arg2: memref<128x128xf32, #tpu.memory_space<vmem>>, %arg3: memref<1x128xf32, #tpu.memory_space<vmem>>, %arg4: memref<128x3xf32, #tpu.memory_space<vmem>>, %arg5: memref<1x3xf32, #tpu.memory_space<vmem>>, %arg6: memref<1x4xf32, #tpu.memory_space<vmem>>) attributes {dimension_semantics = [#tpu.dimension_semantics<arbitrary>], iteration_bounds = array<i64: 1>, scalar_prefetch = 0 : i64, scratch_operands = 0 : i64, tpu.core_type = #tpu.core_type<tc>, window_params = [{pipeline_mode = #tpu.pipeline_mode<synchronous>, transform_indices = @transform_0, window_bounds = array<i64: 1, 128>}, {pipeline_mode = #tpu.pipeline_mode<synchronous>, transform_indices = @transform_1, window_bounds = array<i64: 128, 128>}, {pipeline_mode = #tpu.pipeline_mode<synchronous>, transform_indices = @transform_2, window_bounds = array<i64: 1, 128>}, {pipeline_mode = #tpu.pipeline_mode<synchronous>, transform_indices = @transform_3, window_bounds = array<i64: 128, 3>}, {pipeline_mode = #tpu.pipeline_mode<synchronous>, transform_indices = @transform_4, window_bounds = array<i64: 1, 3>}, {pipeline_mode = #tpu.pipeline_mode<synchronous>, transform_indices = @transform_5, window_bounds = array<i64: 1, 4>}]} {
    %get3A = arith.constant 0 : index
    %get3A_0 = arith.constant 0 : index
    %get3A_1 = vector.load %arg1[%get3A, %get3A_0] : memref<1x128xf32, #tpu.memory_space<vmem>>, vector<1x128xf32>
    %mul3A = arith.constant 9.99999974E-5 : f32
    %mul3A_2 = vector.broadcast %mul3A : f32 to vector<1x128xf32>
    %mul3A_3 = arith.mulf %get3A_1, %mul3A_2 : vector<1x128xf32>
    %get3A_4 = arith.constant 0 : index
    %get3A_5 = arith.constant 0 : index
    %get3A_6 = vector.load %arg2[%get3A_4, %get3A_5] : memref<128x128xf32, #tpu.memory_space<vmem>>, vector<128x128xf32>
    %dot_general3A = arith.constant dense<0.000000e+00> : vector<1x128xf32>
    %dot_general3A_7 = tpu.matmul %mul3A_3, %get3A_6, %dot_general3A {dimension_numbers = #tpu.dot_dimension_numbers<[1], [0], [0], [1], [0, 0, 1, 1], [], []>, transpose_lhs_hint = false} : vector<1x128xf32>, vector<128x128xf32>, vector<1x128xf32> -> vector<1x128xf32>
    %get3A_8 = arith.constant 0 : index
    %get3A_9 = arith.constant 0 : index
    %get3A_10 = vector.load %arg3[%get3A_8, %get3A_9] : memref<1x128xf32, #tpu.memory_space<vmem>>, vector<1x128xf32>
    %add3A = arith.addf %dot_general3A_7, %get3A_10 : vector<1x128xf32>
    %max3A = arith.constant 0.000000e+00 : f32
    %max3A_11 = vector.broadcast %max3A : f32 to vector<1x128xf32>
    %max3A_12 = arith.maximumf %add3A, %max3A_11 : vector<1x128xf32>
    %get3A_13 = arith.constant 0 : index
    %get3A_14 = arith.constant 0 : index
    %get3A_15 = vector.load %arg4[%get3A_13, %get3A_14] : memref<128x3xf32, #tpu.memory_space<vmem>>, vector<128x3xf32>
    %dot_general3A_16 = arith.constant dense<0.000000e+00> : vector<1x3xf32>
    %dot_general3A_17 = tpu.matmul %max3A_12, %get3A_15, %dot_general3A_16 {dimension_numbers = #tpu.dot_dimension_numbers<[1], [0], [0], [1], [0, 0, 1, 1], [], []>, transpose_lhs_hint = false} : vector<1x128xf32>, vector<128x3xf32>, vector<1x3xf32> -> vector<1x3xf32>
    %get3A_18 = arith.constant 0 : index
    %get3A_19 = arith.constant 0 : index
    %get3A_20 = vector.load %arg5[%get3A_18, %get3A_19] : memref<1x3xf32, #tpu.memory_space<vmem>>, vector<1x3xf32>
    %add3A_21 = arith.addf %dot_general3A_17, %get3A_20 : vector<1x3xf32>
    %swap3A = arith.constant 0 : index
    %swap3A_22 = arith.constant 0 : index
    %swap3A_23 = vector.load %arg6[%swap3A, %swap3A_22] : memref<1x4xf32, #tpu.memory_space<vmem>>, vector<1x3xf32>
    tpu.vector_store %arg6[%swap3A, %swap3A_22], %add3A_21 {strides = array<i32>} : memref<1x4xf32, #tpu.memory_space<vmem>>, vector<1x3xf32>,
    %broadcast_in_dim3A = arith.constant 0.000000e+00 : f32
    %broadcast_in_dim3A_24 = vector.broadcast %broadcast_in_dim3A : f32 to vector<1x1xf32>
    %swap3A_25 = arith.constant 0 : index
    %swap3A_26 = arith.constant 3 : index
    %swap3A_27 = vector.load %arg6[%swap3A_25, %swap3A_26] : memref<1x4xf32, #tpu.memory_space<vmem>>, vector<1x1xf32>
    tpu.vector_store %arg6[%swap3A_25, %swap3A_26], %broadcast_in_dim3A_24 {strides = array<i32>} : memref<1x4xf32, #tpu.memory_space<vmem>>, vector<1x1xf32>,
    return
  }
  func.func @transform_0(%arg0: i32) -> (i32, i32) {
    %c0_i32 = arith.constant 0 : i32
    %c0_i32_0 = arith.constant 0 : i32
    %c0_i32_1 = arith.constant 0 : i32
    return %c0_i32, %c0_i32_0 : i32, i32
  }
  func.func @transform_1(%arg0: i32) -> (i32, i32) {
    %c0_i32 = arith.constant 0 : i32
    %c0_i32_0 = arith.constant 0 : i32
    %c0_i32_1 = arith.constant 0 : i32
    return %c0_i32, %c0_i32_0 : i32, i32
  }
  func.func @transform_2(%arg0: i32) -> (i32, i32) {
    %c0_i32 = arith.constant 0 : i32
    %c0_i32_0 = arith.constant 0 : i32
    %c0_i32_1 = arith.constant 0 : i32
    return %c0_i32, %c0_i32_0 : i32, i32
  }
  func.func @transform_3(%arg0: i32) -> (i32, i32) {
    %c0_i32 = arith.constant 0 : i32
    %c0_i32_0 = arith.constant 0 : i32
    %c0_i32_1 = arith.constant 0 : i32
    return %c0_i32, %c0_i32_0 : i32, i32
  }
  func.func @transform_4(%arg0: i32) -> (i32, i32) {
    %c0_i32 = arith.constant 0 : i32
    %c0_i32_0 = arith.constant 0 : i32
    %c0_i32_1 = arith.constant 0 : i32
    return %c0_i32, %c0_i32_0 : i32, i32
  }
  func.func @transform_5(%arg0: i32) -> (i32, i32) {
    %c0_i32 = arith.constant 0 : i32
    %c0_i32_0 = arith.constant 0 : i32
    %c0_i32_1 = arith.constant 0 : i32
    return %c0_i32, %c0_i32_0 : i32, i32
  }
}

module attributes {stable_mosaic.version = 14 : i64} {
  func.func @_finish_body(%arg0: i32, %arg1: memref<512x4xf32, #tpu.memory_space<vmem>>, %arg2: memref<512x144xf32, #tpu.memory_space<vmem>>, %arg3: memref<1x4xf32, #tpu.memory_space<vmem>>, %arg4: memref<512x3xf32, #tpu.memory_space<vmem>>) attributes {dimension_semantics = [#tpu.dimension_semantics<arbitrary>], iteration_bounds = array<i64: 20>, scalar_prefetch = 0 : i64, scratch_operands = 0 : i64, tpu.core_type = #tpu.core_type<tc>, window_params = [{transform_indices = @transform_0, window_bounds = array<i64: 512, 4>}, {transform_indices = @transform_1, window_bounds = array<i64: 512, 144>}, {pipeline_mode = #tpu.pipeline_mode<synchronous>, transform_indices = @transform_2, window_bounds = array<i64: 1, 4>}, {transform_indices = @transform_3, window_bounds = array<i64: 512, 3>}]} {
    %get3A = arith.constant 0 : index
    %get3A_0 = arith.constant 131 : index
    %get3A_1 = vector.load %arg2[%get3A, %get3A_0] : memref<512x144xf32, #tpu.memory_space<vmem>>, vector<512x1xf32>
    %get3A_2 = arith.constant 0 : index
    %get3A_3 = arith.constant 128 : index
    %get3A_4 = vector.load %arg2[%get3A_2, %get3A_3] : memref<512x144xf32, #tpu.memory_space<vmem>>, vector<512x3xf32>
    %get3A_5 = arith.constant 0 : index
    %get3A_6 = arith.constant 0 : index
    %get3A_7 = vector.load %arg1[%get3A_5, %get3A_6] : memref<512x4xf32, #tpu.memory_space<vmem>>, vector<512x3xf32>
    %mul3A = vector.broadcast %get3A_1 : vector<512x1xf32> to vector<512x3xf32>
    %mul3A_8 = arith.mulf %get3A_7, %mul3A : vector<512x3xf32>
    %add3A = arith.addf %get3A_7, %mul3A_8 : vector<512x3xf32>
    %sub3A = arith.subf %add3A, %get3A_4 : vector<512x3xf32>
    %get3A_9 = arith.constant 0 : index
    %get3A_10 = arith.constant 0 : index
    %get3A_11 = vector.load %arg3[%get3A_9, %get3A_10] : memref<1x4xf32, #tpu.memory_space<vmem>>, vector<1x3xf32>
    %add3A_12 = vector.broadcast %get3A_11 : vector<1x3xf32> to vector<512x3xf32>
    %add3A_13 = arith.addf %sub3A, %add3A_12 : vector<512x3xf32>
    %swap3A = arith.constant 0 : index
    %swap3A_14 = arith.constant 0 : index
    %swap3A_15 = vector.load %arg4[%swap3A, %swap3A_14] : memref<512x3xf32, #tpu.memory_space<vmem>>, vector<512x3xf32>
    tpu.vector_store %arg4[%swap3A, %swap3A_14], %add3A_13 {strides = array<i32>} : memref<512x3xf32, #tpu.memory_space<vmem>>, vector<512x3xf32>,
    return
  }
  func.func @transform_0(%arg0: i32) -> (i32, i32) {
    %c0_i32 = arith.constant 0 : i32
    %c0_i32_0 = arith.constant 0 : i32
    return %arg0, %c0_i32 : i32, i32
  }
  func.func @transform_1(%arg0: i32) -> (i32, i32) {
    %c0_i32 = arith.constant 0 : i32
    %c0_i32_0 = arith.constant 0 : i32
    return %arg0, %c0_i32 : i32, i32
  }
  func.func @transform_2(%arg0: i32) -> (i32, i32) {
    %c0_i32 = arith.constant 0 : i32
    %c0_i32_0 = arith.constant 0 : i32
    %c0_i32_1 = arith.constant 0 : i32
    return %c0_i32, %c0_i32_0 : i32, i32
  }
  func.func @transform_3(%arg0: i32) -> (i32, i32) {
    %c0_i32 = arith.constant 0 : i32
    %c0_i32_0 = arith.constant 0 : i32
    return %arg0, %c0_i32 : i32, i32
  }
}

</mosaic_0001>

<sc_bundles>
// kernel: kernel.12.cloned.1.call-start
scs
__scs_entry_jumppad:
0x0: {  	(pc) =	sbr.rel $0x88, $3  }
0x1: {  	(tag) =	ssettag $0x0;
	lr =	simm.s32 $0x1  }
0x2: {  	[smem:$0x3F8F] =	sst lr;
	_ =	strace $0xD0000000  }
0x3: {  	_ = 	snop  }
0x4: {  	_ = 	snop  }
0x5: {  	_ = 	snop  }
0x6: {  	_ = 	snop  }
0x7: {  	_ = 	snop  }
__scs_overlays_trampoline_lowered:
0x8: {  	[smem:$0x3F9E] =	sst s0  }
0x9: {  	[smem:$0x3F9F] =	sst s1  }
0xa: {  	[smem:$0x3FA0] =	sst s2  }
0xb: {  	[smem:$0x3FA1] =	sst s3  }
0xc: {  	[smem:$0x3FA2] =	sst s4  }
0xd: {  	[smem:$0x3FA3] =	sst s5  }
0xe: {  	[smem:$0x3FA4] =	sst s6  }
0xf: {  	[smem:$0x3FA5] =	sst s7  }
0x10: {  	[smem:$0x3FA6] =	sst s8  }
0x11: {  	[smem:$0x3FA7] =	sst s9;
	s0 =	simm.s32 @!p0 $0x0  }
0x12: {  	s1 =	sld [smem:$0x3F8D];
	s0 =	simm.s32 @p0 $0x1  }
0x13: {  	[smem:$0x3FA8] =	sst s0;
	s0 =	simm.s32 @!p1 $0x0  }
0x14: {  	s2 =	sld [smem:$0x3F8C];
	s0 =	simm.s32 @p1 $0x1  }
0x15: {  	[smem:$0x3FA9] =	sst s0;
	s0 =	simm.s32 @!p2 $0x0  }
0x16: {  	s3 =	sld [smem:$0x3FDB];
	s0 =	simm.s32 @p2 $0x1  }
0x17: {  	s4 =	simm.s32 $0x1BF5;
	[smem:$0x3FAB] =	sst s0  }
0x18: {  	s0 =	sld [smem:$0x3F8E];
	_ =	swait.ge [sflag:s4], $0x0  }
0x19: {  	s7 =	sld [smem:$0x3F8F]  }
0x1a: {  	s8 =	sadd.s32 $0xFFFFE003, lr  }
0x1b: {  	s9 =	sadd.s32 $0xFFFFFEF7, lr;
	s5 =	simm.s32 $0xFFFFFFFF;
	p2 =	slt.u32 s8, $0xFFFFF086  }
0x1c: {  	p1 =	slt.u32 s9, $0xF7A;
	s5 =	simm.s32 @!p2 $0x0  }
0x1d: {  	s5 =	simm.s32 @p1 $0x1;
	p0 =	seq.s32 s7, s2  }
0x1e: {  	s7 =	smul.u32 @!p0 $0xF7A, s2;
	p2 =	seq.s32 @!p0 s5, $0x0  }
0x1f: {  	s9 =	smul.u32 $0xF7A, s1;
	s8 =	simm.s32 @!p0 $0x1BF5;
	p2 =	por !p2, p0  }
0x20: {  	[sflag:s8] =	ssyncset.s32 @!p0 $0xFFFFF086;
	s6 =	sadd.s32 @!p0 s3, s7;
	s7 =	simm.s32 @!p0 $0x108  }
0x21: {  	s3 =	sadd.s32 s3, s9;
	s6 =	sadd.s32 @!p0 $0x88, s6;
	s7 =	simm.s32 @p2 $0x1082  }
0x22: {  	[simem:s7], [sflag:s8] =	dma.local @!p0 [hbm:s6], $0xF7A  }
0x23: {  	s9 =	sor.u32 $0xD0000000, s2;
	s6 =	simm.s32 $0x108;
	_ =	swait.ge @!p0 [sflag:s8], $0x0  }
0x24: {  	s3 =	sadd.s32 $0x88, s3;
	s6 =	simm.s32 @!p1 $0x1082;
	[sflag:s4] =	ssyncset.s32 $0xFFFFF086  }
0x25: {  	[simem:s6], [sflag:s4] =	dma.local [hbm:s3], $0xF7A  }
0x26: {  	[smem:$0x3F8F] =	sst s1;
	(tag) =	ssettag s2;
	_ =	strace s9  }
0x27: {  	s1 =	sld [smem:$0x3F9F]  }
0x28: {  	s2 =	sld [smem:$0x3FA0]  }
0x29: {  	s4 =	sld [smem:$0x3FA2]  }
0x2a: {  	p0 =	seq.s32 s5, $0x0;
	s5 =	sld [smem:$0x3FA3]  }
0x2b: {  	s6 =	sld [smem:$0x3FA4]  }
0x2c: {  	s7 =	sld [smem:$0x3FA5]  }
0x2d: {  	s3 =	simm.s32 $0x108;
	s8 =	sld [smem:$0x3FA6]  }
0x2e: {  	s3 =	simm.s32 @!p0 $0x1082;
	s9 =	sld [smem:$0x3FA7]  }
0x2f: {  	lr =	sadd.s32 s0, s3;
	s0 =	sld [smem:$0x3F9E]  }
0x30: {  	s3 =	sld [smem:$0x3FA1]  }
0x31: {  	[smem:$0x3FAA] =	sst s10  }
0x32: {  	s10 =	sld [smem:$0x3FA8];
	_ =	sdelay $0x3  }
0x33: {  	p0 =	seq.s32 s10, $0x1;
	s10 =	sld [smem:$0x3FAA];
	_ =	sdelay $0x3  }
0x34: {  	[smem:$0x3FAA] =	sst s10  }
0x35: {  	s10 =	sld [smem:$0x3FA9];
	_ =	sdelay $0x3  }
0x36: {  	p1 =	seq.s32 s10, $0x1;
	s10 =	sld [smem:$0x3FAA];
	_ =	sdelay $0x3  }
0x37: {  	[smem:$0x3FAA] =	sst s10  }
0x38: {  	s10 =	sld [smem:$0x3FAB]  }
0x39: {  	_ = 	snop;
	(pc) =	sbr.ind lr, $3  }
0x3a: {  	_ = 	snop  }
0x3b: {  	_ = 	snop  }
0x3c: {  	p2 =	seq.s32 s10, $0x1;
	s10 =	sld [smem:$0x3FAA]  }
0x3d: {  	_ =	shalt  }
0x3e: {  	_ =	shalt  }
0x3f: {  	_ =	shalt  }
0x40: {  	_ =	shalt  }
0x41: {  	_ =	shalt  }
0x42: {  	_ =	shalt  }
0x43: {  	_ =	shalt  }
0x44: {  	_ =	shalt  }
0x45: {  	_ =	shalt  }
0x46: {  	_ =	shalt  }
0x47: {  	_ =	shalt  }
0x48: {  	_ =	shalt  }
0x49: {  	_ =	shalt  }
0x4a: {  	_ =	shalt  }
0x4b: {  	_ =	shalt  }
0x4c: {  	_ =	shalt  }
0x4d: {  	_ =	shalt  }
0x4e: {  	_ =	shalt  }
0x4f: {  	_ =	shalt  }
0x50: {  	_ =	shalt  }
0x51: {  	_ =	shalt  }
0x52: {  	_ =	shalt  }
0x53: {  	_ =	shalt  }
0x54: {  	_ =	shalt  }
0x55: {  	_ =	shalt  }
0x56: {  	_ =	shalt  }
0x57: {  	_ =	shalt  }
0x58: {  	_ =	shalt  }
0x59: {  	_ =	shalt  }
0x5a: {  	_ =	shalt  }
0x5b: {  	_ =	shalt  }
0x5c: {  	_ =	shalt  }
0x5d: {  	_ =	shalt  }
0x5e: {  	_ =	shalt  }
0x5f: {  	_ =	shalt  }
0x60: {  	_ =	shalt  }
0x61: {  	_ =	shalt  }
0x62: {  	_ =	shalt  }
0x63: {  	_ =	shalt  }
0x64: {  	_ =	shalt  }
0x65: {  	_ =	shalt  }
0x66: {  	_ =	shalt  }
0x67: {  	_ =	shalt  }
0x68: {  	_ =	shalt  }
0x69: {  	_ =	shalt  }
0x6a: {  	_ =	shalt  }
0x6b: {  	_ =	shalt  }
0x6c: {  	_ =	shalt  }
0x6d: {  	_ =	shalt  }
0x6e: {  	_ =	shalt  }
0x6f: {  	_ =	shalt  }
0x70: {  	_ =	shalt  }
0x71: {  	_ =	shalt  }
0x72: {  	_ =	shalt  }
0x73: {  	_ =	shalt  }
0x74: {  	_ =	shalt  }
0x75: {  	_ =	shalt  }
0x76: {  	_ =	shalt  }
0x77: {  	_ =	shalt  }
0x78: {  	_ =	shalt  }
0x79: {  	_ =	shalt  }
0x7a: {  	_ =	shalt  }
0x7b: {  	_ =	shalt  }
0x7c: {  	_ =	shalt  }
0x7d: {  	_ =	shalt  }
0x7e: {  	_ =	shalt  }
0x7f: {  	_ =	shalt  }
0x80: {  	_ =	shalt  }
0x81: {  	_ =	shalt  }
0x82: {  	_ =	shalt  }
0x83: {  	_ =	shalt  }
0x84: {  	_ =	shalt  }
0x85: {  	_ =	shalt  }
0x86: {  	_ =	shalt  }
0x87: {  	_ =	shalt  }
.Lfunc_end0:
.L_simem_size_0:
called_computation_lowered:
.L_overlay_start_0:
0x88: {  	s2 =	sld [smem:$0x3FD9]  }
0x89: {  	s3 =	sld [smem:$0x3FFE];
	_ =	sdelay $0x1  }
0x8a: {  	s1 =	srdreg.scid  }
0x8b: {  	s0 =	sand.u32 $0x1, s1  }
0x8c: {  	s16 =	sshll.u32 s0, $0xA;
	s2 =	sadd.s32 s3, s2  }
0x8d: {  	s2 =	sadd.s32 s2, s16  }
0x8e: {  	[smem:$0x3FB6] =	sst s2  }
0x8f: {  	_ = 	snop  }
0x90: {  	(tm) =	ssettm $0x1  }
0x91: {  	s17 =	sld [smem:$0x3FFB];
	_ =	sdelay $0x3  }
0x92: {  	_ =	strace s17  }
0x93: {  	s2 =	sld [smem:$0x3FFC];
	_ =	sdelay $0x3  }
0x94: {  	_ =	strace s2  }
0x95: {  	s2 =	sld [smem:$0x3FFD];
	_ =	sdelay $0x3  }
0x96: {  	_ =	strace s2  }
0x97: {  	_ =	strace $0x8FFFFFFF  }
0x98: {  	s18 =	sld [smem:$0x3FDB];
	_ =	sdelay $0x1  }
0x99: {  	s19 =	simm.s32 $_scs_section_size  }
0x9a: {  	s4 =	simm.s32 $_size__tile_overlayer_lowered;
	s5 =	simm.s32 $_tile_overlayer_lowered  }
0x9b: {  	s22 =	simm.s32 $0x1BFF;
	s21 =	sshll.u32 s5, $0x1;
	s2 =	sadd.s32 s19, s18  }
0x9c: {  	s6 =	simm.s32 $0x0;
	s20 =	sshll.u32 s4, $0x1;
	s4 =	sadd.s32 s21, s2  }
0x9d: {  	[timem:s6], [sflag:s22] =	dma.local [hbm:s4], s20  }
0x9e: {  	_ =	swait.ge [sflag:s22], s20  }
0x9f: {  	s3 =	ssub.s32 $0x0, s20;
	[sflag:s22] =	ssyncset.done $0x0  }
0xa0: {  	[sflag:s22] =	ssyncadd.s32 s3;
	_ =	sdelay $0x1  }
0xa1: {  	s23 =	simm.s32 $0x1B8B  }
0xa2: {  	_ =	swait.ge [sflag:s23], $0x1  }
0xa3: {  	[sflag:s23] =	ssyncset.done $0x0  }
0xa4: {  	s25 =	simm.s32 $0x1B8E;
	s24 =	sld [smem:$0x3FFE];
	[sflag:s23] =	ssyncadd.s32 $0xFFFFFFFF  }
0xa5: {  	s26 =	simm.s32 $execute0_lowered;
	[smem:$0x3FD2] =	sst s25  }
0xa6: {  	s4 =	sshll.u32 s26, $0x1;
	_ =	strace $0x80000046;
	[dreg:$0x1] =	wrdreg $0xFFFFFFFF  }
0xa7: {  	s28 =	simm.s32 $_size_execute0_lowered;
	s2 =	sadd.s32 s2, s4;
	[dreg:$0x0] =	wrdreg $0x0  }
0xa8: {  	s4 =	sshll.u32 s28, $0x1;
	[dreg:$0x2] =	wrdreg s2  }
0xa9: {  	[dreg:$0x3] =	wrdreg s4  }
0xaa: {  	[dreg:$0x4] =	wrdreg $0xC0  }
0xab: {  	_ =	task [dreg:s6], $0x5FFFF  }
0xac: {  	[dreg:$0x1] =	wrdreg $0xFFFFFFFF  }
0xad: {  	[dreg:$0x0] =	wrdreg $0x60  }
0xae: {  	[dreg:$0x2] =	wrdreg s24  }
0xaf: {  	[dreg:$0x3] =	wrdreg $0x9  }
0xb0: {  	_ =	task.clear_ibuf [dreg:s6], $0x4FFFF;
	_ =	strace $0x90000046  }
0xb1: {  	s29 =	simm.s32 $0x9;
	_ =	strace $0x80000048  }
0xb2: {  	_ =	swait.ge [sflag:s29], $0x1  }
0xb3: {  	[sflag:s29] =	ssyncadd.s32 $0xFFFFFFFF  }
0xb4: {  	_ =	strace $0x90000048  }
0xb5: {  	_ =	sfence  }
0xb6: {  	s30 =	sld [smem:$0x0];
	_ =	sdelay $0x2  }
0xb7: {  	s31 =	sshll.u32 s1, $0xD;
	s1 =	sshrl.u32 s1, $0x2  }
0xb8: {  	s3 =	sand.u32 $0x4000, s31;
	s1 =	sadd.s32 s1, s30  }
0xb9: {  	s0 =	sor.u32 s3, s0;
	s1 =	sshll.u32 s1, $0x11  }
0xba: {  	s0 =	sor.u32 s1, s0  }
0xbb: {  	s0 =	sadd.s32 $0x8F2B, s0  }
0xbc: {  	[sflag:s0] =	ssyncadd.remote.s32 $0x1  }
0xbd: {  	_ =	sfence.sel $0xFFFF  }
0xbe: {  	[dreg:$0x0] =	wrdreg $0xFFFFFFFF;
	(pc) =	sbr.abs _section_cstart, $3  }
0xbf: {  	[dreg:$0x1] =	wrdreg $0xFFFFFFFF  }
0xc0: {  	_ =	task.clear_ibuf [dreg:s6], $0x2FFFF;
	_ =	strace $0x9FFFFFFF  }
0xc1: {  	(tm) =	ssettm $0x7FFFFFFF  }
tec
execute0_lowered:
.L_overlay_start_1:
0x0: {  	(tag) =	ssettag $0x1  }
0x1: {  	s5 =	rddreg [dreg:$0x0]  }
0x2: {  	s0 =	rddreg [dreg:$0x1];
	s1 =	simm.s32 $0x0  }
0x3: {  	s2 =	srdreg.scid;
	s10 =	simm.s32 $0x180;
	s11 =	simm.s32 $0x4980  }
0x4: {  	s12 =	simm.s32 $0x100;
	s13 =	simm.s32 $0x9180;
	s14 =	simm.s32 $0x1  }
0x5: {  	s15 =	simm.s32 $0xD980;
	s16 =	simm.s32 $0x0;
	[smem:$0x7FF] =	sst s1  }
0x6: {  	s6 =	sand.u32 $0x1, s2;
	s2 =	stileid.u32;
	s3 =	sadd.s32 $0x3E00, s5  }
0x7: {  	s4 =	sadd.s32 $0x30E00, s5;
	s5 =	sadd.s32 $0x32C00, s5;
	s7 =	ssub.s32 $0x2, s6  }
0x8: {  	_ =	strace $0x80000047;
	s9 =	sshll.u32 s2, $0x1;
	s8 =	sshrl.u32 s7, $0x1  }
0x9: {  	s6 =	sor.u32 s6, s9;
	s9 =	simm.s32 $0x80;
	s7 =	ssub.s32 s7, s8  }
0xa: {  	s6 =	smul.u32 $0x140, s6;
	s8 =	simm.s32 $0x2;
	s7 =	smax.u32 s7, $0x1  }
.LBB2_1:
0xb: {  	s17 =	simm.s32 $0x0  }
.LBB2_2:
0xc: {  	s18 =	sshll.u32 s17, $0x6  }
0xd: {  	s18 =	sadd.s32 s6, s18  }
0xe: {  	s19 =	smul.u32 $0x6, s18;
	_ =	sdelay $0x1  }
0xf: {  	s19 =	sshrl.u32 s19, $0x3  }
0x10: {  	s20 =	simm.s32 $0x0;
	s19 =	sadd.s32 s4, s19  }
0x11: {  	[tilespmem:s20], [sflag:$0x2] =	stream.linear.gather [hbm4b:s19+s20], $0x180, $0x38;
	[tilespmem:$0xFD80] =	vst v63  }
0x12: {  	_ =	swait.ge [sflag:s8], $0x180  }
0x13: {  	[sflag:s8] =	ssyncset.done $0x0  }
0x14: {  	[sflag:s8] =	ssyncadd.s32 $0xFFFFFE80  }
0x15: {  	[tilespmem:s10], [sflag:$0x1] =	stream.indirect.gather [hbm4b:s3+s9], $0x90, s20, s9, $0xb8;
	[tilespmem:$0xFD80] =	vst v63  }
0x16: {  	_ = 	snop  }
0x17: {  	[tilespmem:s11], [sflag:$0x1] =	stream.indirect.gather [hbm4b:s3+s9], $0x90, s9, s9, $0xb8;
	[tilespmem:$0xFD80] =	vst v63  }
0x18: {  	_ = 	snop  }
0x19: {  	[tilespmem:s13], [sflag:$0x1] =	stream.indirect.gather [hbm4b:s3+s9], $0x90, s12, s9, $0xb8;
	[tilespmem:$0xFD80] =	vst v63  }
0x1a: {  	_ =	swait.ge [sflag:s14], $0x4800  }
0x1b: {  	[sflag:s14] =	ssyncset.done $0x0  }
0x1c: {  	[sflag:s14] =	ssyncadd.s32 $0xFFFFB800  }
0x1d: {  	_ =	swait.ge [sflag:s14], $0x4800  }
0x1e: {  	[sflag:s14] =	ssyncset.done $0x0  }
0x1f: {  	[sflag:s14] =	ssyncadd.s32 $0xFFFFB800  }
0x20: {  	_ =	swait.ge [sflag:s14], $0x4800  }
0x21: {  	[sflag:s14] =	ssyncset.done $0x0  }
0x22: {  	s19 =	simm.s32 $0x330;
	[sflag:s14] =	ssyncadd.s32 $0xFFFFB800  }
0x23: {  	v0 =	vld [tilespmem:s19+$0xFFFFFEE0]  }
0x24: {  	v1 =	vld [tilespmem:s19+$0xFFFFFE50];
	_ =	sdelay $0x1  }
0x25: {  	v2 =	vld [tilespmem:s19+$0xFFFFFF70];
	_ =	sdelay $0x1  }
0x26: {  	v3 =	vld [tilespmem:s19+$0x0]  }
0x27: {  	v0 =	vadd.f32 v0, v1  }
0x28: {  	v1 =	vld [tilespmem:s19+$0x90]  }
0x29: {  	v0 =	vadd.f32 v2, v0  }
0x2a: {  	v2 =	vld [tilespmem:s19+$0x120]  }
0x2b: {  	v0 =	vadd.f32 v3, v0;
	_ =	sdelay $0x1  }
0x2c: {  	v0 =	vadd.f32 v1, v0;
	_ =	sdelay $0x1  }
0x2d: {  	v0 =	vadd.f32 v2, v0  }
0x2e: {  	s20 =	simm.s32 $0x0  }
0x2f: {  	[tilespmem:s20+$0xD980] =	vst v0  }
0x30: {  	v0 =	vld [tilespmem:s19+$0xFFFFFE60]  }
0x31: {  	v1 =	vld [tilespmem:s19+$0xFFFFFEF0];
	_ =	sdelay $0x1  }
0x32: {  	v2 =	vld [tilespmem:s19+$0xFFFFFF80];
	_ =	sdelay $0x1  }
0x33: {  	v3 =	vld [tilespmem:s19+$0x10]  }
0x34: {  	v0 =	vadd.f32 v1, v0  }
0x35: {  	v1 =	vld [tilespmem:s19+$0xA0]  }
0x36: {  	v0 =	vadd.f32 v2, v0  }
0x37: {  	v2 =	vld [tilespmem:s19+$0x130]  }
0x38: {  	v0 =	vadd.f32 v3, v0;
	_ =	sdelay $0x1  }
0x39: {  	v0 =	vadd.f32 v1, v0;
	_ =	sdelay $0x1  }
0x3a: {  	v0 =	vadd.f32 v2, v0;
	_ =	sdelay $0x1  }
0x3b: {  	[tilespmem:s20+$0xD990] =	vst v0  }
0x3c: {  	v0 =	vld [tilespmem:s19+$0xFFFFFE70]  }
0x3d: {  	v1 =	vld [tilespmem:s19+$0xFFFFFF00];
	_ =	sdelay $0x1  }
0x3e: {  	v2 =	vld [tilespmem:s19+$0xFFFFFF90];
	_ =	sdelay $0x1  }
0x3f: {  	v3 =	vld [tilespmem:s19+$0x20]  }
0x40: {  	v0 =	vadd.f32 v1, v0  }
0x41: {  	v1 =	vld [tilespmem:s19+$0xB0]  }
0x42: {  	v0 =	vadd.f32 v2, v0  }
0x43: {  	v2 =	vld [tilespmem:s19+$0x140]  }
0x44: {  	v0 =	vadd.f32 v3, v0;
	_ =	sdelay $0x1  }
0x45: {  	v0 =	vadd.f32 v1, v0;
	_ =	sdelay $0x1  }
0x46: {  	v0 =	vadd.f32 v2, v0;
	_ =	sdelay $0x1  }
0x47: {  	[tilespmem:s20+$0xD9A0] =	vst v0  }
0x48: {  	v0 =	vld [tilespmem:s19+$0xFFFFFE80]  }
0x49: {  	v1 =	vld [tilespmem:s19+$0xFFFFFF10];
	_ =	sdelay $0x1  }
0x4a: {  	v2 =	vld [tilespmem:s19+$0xFFFFFFA0];
	_ =	sdelay $0x1  }
0x4b: {  	v3 =	vld [tilespmem:s19+$0x30]  }
0x4c: {  	v0 =	vadd.f32 v1, v0  }
0x4d: {  	v1 =	vld [tilespmem:s19+$0xC0]  }
0x4e: {  	v0 =	vadd.f32 v2, v0  }
0x4f: {  	v2 =	vld [tilespmem:s19+$0x150]  }
0x50: {  	v0 =	vadd.f32 v3, v0;
	_ =	sdelay $0x1  }
0x51: {  	v0 =	vadd.f32 v1, v0;
	_ =	sdelay $0x1  }
0x52: {  	v0 =	vadd.f32 v2, v0;
	_ =	sdelay $0x1  }
0x53: {  	[tilespmem:s20+$0xD9B0] =	vst v0  }
0x54: {  	v0 =	vld [tilespmem:s19+$0xFFFFFE90]  }
0x55: {  	v1 =	vld [tilespmem:s19+$0xFFFFFF20];
	_ =	sdelay $0x1  }
0x56: {  	v2 =	vld [tilespmem:s19+$0xFFFFFFB0];
	_ =	sdelay $0x1  }
0x57: {  	v3 =	vld [tilespmem:s19+$0x40]  }
0x58: {  	v0 =	vadd.f32 v1, v0  }
0x59: {  	v1 =	vld [tilespmem:s19+$0xD0]  }
0x5a: {  	v0 =	vadd.f32 v2, v0  }
0x5b: {  	v2 =	vld [tilespmem:s19+$0x160]  }
0x5c: {  	v0 =	vadd.f32 v3, v0;
	_ =	sdelay $0x1  }
0x5d: {  	v0 =	vadd.f32 v1, v0;
	_ =	sdelay $0x1  }
0x5e: {  	v0 =	vadd.f32 v2, v0;
	_ =	sdelay $0x1  }
0x5f: {  	[tilespmem:s20+$0xD9C0] =	vst v0  }
0x60: {  	v0 =	vld [tilespmem:s19+$0xFFFFFEA0]  }
0x61: {  	v1 =	vld [tilespmem:s19+$0xFFFFFF30];
	_ =	sdelay $0x1  }
0x62: {  	v2 =	vld [tilespmem:s19+$0xFFFFFFC0];
	_ =	sdelay $0x1  }
0x63: {  	v3 =	vld [tilespmem:s19+$0x50]  }
0x64: {  	v0 =	vadd.f32 v1, v0  }
0x65: {  	v1 =	vld [tilespmem:s19+$0xE0]  }
0x66: {  	v0 =	vadd.f32 v2, v0  }
0x67: {  	v2 =	vld [tilespmem:s19+$0x170]  }
0x68: {  	v0 =	vadd.f32 v3, v0;
	_ =	sdelay $0x1  }
0x69: {  	v0 =	vadd.f32 v1, v0;
	_ =	sdelay $0x1  }
0x6a: {  	v0 =	vadd.f32 v2, v0;
	_ =	sdelay $0x1  }
0x6b: {  	[tilespmem:s20+$0xD9D0] =	vst v0  }
0x6c: {  	v0 =	vld [tilespmem:s19+$0xFFFFFEB0]  }
0x6d: {  	v1 =	vld [tilespmem:s19+$0xFFFFFF40];
	_ =	sdelay $0x1  }
0x6e: {  	v2 =	vld [tilespmem:s19+$0xFFFFFFD0];
	_ =	sdelay $0x1  }
0x6f: {  	v3 =	vld [tilespmem:s19+$0x60]  }
0x70: {  	v0 =	vadd.f32 v1, v0  }
0x71: {  	v1 =	vld [tilespmem:s19+$0xF0]  }
0x72: {  	v0 =	vadd.f32 v2, v0  }
0x73: {  	v2 =	vld [tilespmem:s19+$0x180]  }
0x74: {  	v0 =	vadd.f32 v3, v0;
	_ =	sdelay $0x1  }
0x75: {  	v0 =	vadd.f32 v1, v0;
	_ =	sdelay $0x1  }
0x76: {  	v0 =	vadd.f32 v2, v0;
	_ =	sdelay $0x1  }
0x77: {  	[tilespmem:s20+$0xD9E0] =	vst v0  }
0x78: {  	v0 =	vld [tilespmem:s19+$0xFFFFFEC0]  }
0x79: {  	v1 =	vld [tilespmem:s19+$0xFFFFFF50];
	_ =	sdelay $0x1  }
0x7a: {  	v2 =	vld [tilespmem:s19+$0xFFFFFFE0];
	_ =	sdelay $0x1  }
0x7b: {  	v3 =	vld [tilespmem:s19+$0x70]  }
0x7c: {  	v0 =	vadd.f32 v1, v0  }
0x7d: {  	v1 =	vld [tilespmem:s19+$0x100]  }
0x7e: {  	v0 =	vadd.f32 v2, v0  }
0x7f: {  	v2 =	vld [tilespmem:s19+$0x190]  }
0x80: {  	v0 =	vadd.f32 v3, v0;
	_ =	sdelay $0x1  }
0x81: {  	v0 =	vadd.f32 v1, v0;
	_ =	sdelay $0x1  }
0x82: {  	v0 =	vadd.f32 v2, v0;
	_ =	sdelay $0x1  }
0x83: {  	[tilespmem:s20+$0xD9F0] =	vst v0  }
0x84: {  	v4 =	vld [tilespmem:s19+$0xFFFFFED0]  }
0x85: {  	v5 =	vld [tilespmem:s19+$0xFFFFFF60];
	_ =	sdelay $0x1  }
0x86: {  	v0 =	vld [tilespmem:s19+$0x80]  }
0x87: {  	v3 =	vld [tilespmem:s19+$0xFFFFFFF0]  }
0x88: {  	v1 =	vld [tilespmem:s19+$0x110]  }
0x89: {  	s21 =	simm.s32 $0x240;
	v2 =	vld [tilespmem:s19+$0x1A0];
	v4 =	vadd.f32 v5, v4  }
.LBB2_3:
0x8a: {  	p0 =	sne.s32 s21, $0x8DC0  }
0x8b: {  	s19 =	sadd.s32 $0x360, s19;
	s22 =	smov.u32 s21;
	s21 =	sadd.s32 $0x240, s21  }
0x8c: {  	v3 =	vadd.f32 v3, v4;
	_ =	sdelay $0x1  }
0x8d: {  	v0 =	vadd.f32 v0, v3;
	_ =	sdelay $0x1  }
0x8e: {  	v0 =	vadd.f32 v1, v0;
	_ =	sdelay $0x1  }
0x8f: {  	v0 =	vadd.f32 v2, v0;
	_ =	sdelay $0x1  }
0x90: {  	[tilespmem:s20+$0xDA00] =	vst v0  }
0x91: {  	v0 =	vld [tilespmem:s19+$0xFFFFFEE0]  }
0x92: {  	v1 =	vld [tilespmem:s19+$0xFFFFFE50]  }
0x93: {  	v2 =	vld [tilespmem:s19+$0xFFFFFF70];
	_ =	sdelay $0x1  }
0x94: {  	v3 =	vld [tilespmem:s19+$0x0];
	_ =	sdelay $0x1  }
0x95: {  	v0 =	vadd.f32 v0, v1  }
0x96: {  	v1 =	vld [tilespmem:s19+$0x90]  }
0x97: {  	v0 =	vadd.f32 v2, v0  }
0x98: {  	v2 =	vld [tilespmem:s19+$0x120]  }
0x99: {  	v0 =	vadd.f32 v3, v0;
	_ =	sdelay $0x1  }
0x9a: {  	v0 =	vadd.f32 v1, v0;
	_ =	sdelay $0x1  }
0x9b: {  	v0 =	vadd.f32 v2, v0  }
0x9c: {  	s20 =	sshra.s32 s22, $0x2  }
0x9d: {  	[tilespmem:s20+$0xD980] =	vst v0  }
0x9e: {  	v0 =	vld [tilespmem:s19+$0xFFFFFE60]  }
0x9f: {  	v1 =	vld [tilespmem:s19+$0xFFFFFEF0];
	_ =	sdelay $0x1  }
0xa0: {  	v2 =	vld [tilespmem:s19+$0xFFFFFF80];
	_ =	sdelay $0x1  }
0xa1: {  	v3 =	vld [tilespmem:s19+$0x10]  }
0xa2: {  	v0 =	vadd.f32 v1, v0  }
0xa3: {  	v1 =	vld [tilespmem:s19+$0xA0]  }
0xa4: {  	v0 =	vadd.f32 v2, v0  }
0xa5: {  	v2 =	vld [tilespmem:s19+$0x130]  }
0xa6: {  	v0 =	vadd.f32 v3, v0;
	_ =	sdelay $0x1  }
0xa7: {  	v0 =	vadd.f32 v1, v0;
	_ =	sdelay $0x1  }
0xa8: {  	v0 =	vadd.f32 v2, v0;
	_ =	sdelay $0x1  }
0xa9: {  	[tilespmem:s20+$0xD990] =	vst v0  }
0xaa: {  	v0 =	vld [tilespmem:s19+$0xFFFFFE70]  }
0xab: {  	v1 =	vld [tilespmem:s19+$0xFFFFFF00];
	_ =	sdelay $0x1  }
0xac: {  	v2 =	vld [tilespmem:s19+$0xFFFFFF90];
	_ =	sdelay $0x1  }
0xad: {  	v3 =	vld [tilespmem:s19+$0x20]  }
0xae: {  	v0 =	vadd.f32 v1, v0  }
0xaf: {  	v1 =	vld [tilespmem:s19+$0xB0]  }
0xb0: {  	v0 =	vadd.f32 v2, v0  }
0xb1: {  	v2 =	vld [tilespmem:s19+$0x140]  }
0xb2: {  	v0 =	vadd.f32 v3, v0;
	_ =	sdelay $0x1  }
0xb3: {  	v0 =	vadd.f32 v1, v0;
	_ =	sdelay $0x1  }
0xb4: {  	v0 =	vadd.f32 v2, v0;
	_ =	sdelay $0x1  }
0xb5: {  	[tilespmem:s20+$0xD9A0] =	vst v0  }
0xb6: {  	v0 =	vld [tilespmem:s19+$0xFFFFFE80]  }
0xb7: {  	v1 =	vld [tilespmem:s19+$0xFFFFFF10]  }
0xb8: {  	v2 =	vld [tilespmem:s19+$0x30]  }
0xb9: {  	v3 =	vld [tilespmem:s19+$0xFFFFFFA0];
	_ =	sdelay $0x2  }
0xba: {  	v0 =	vadd.f32 v1, v0  }
0xbb: {  	v1 =	vld [tilespmem:s19+$0xC0]  }
0xbc: {  	v0 =	vadd.f32 v3, v0  }
0xbd: {  	v3 =	vld [tilespmem:s19+$0x150]  }
0xbe: {  	v0 =	vadd.f32 v2, v0;
	_ =	sdelay $0x1  }
0xbf: {  	v0 =	vadd.f32 v1, v0;
	_ =	sdelay $0x1  }
0xc0: {  	v0 =	vadd.f32 v3, v0;
	_ =	sdelay $0x1  }
0xc1: {  	[tilespmem:s20+$0xD9B0] =	vst v0  }
0xc2: {  	v0 =	vld [tilespmem:s19+$0xFFFFFE90]  }
0xc3: {  	v1 =	vld [tilespmem:s19+$0xFFFFFF20];
	_ =	sdelay $0x1  }
0xc4: {  	v2 =	vld [tilespmem:s19+$0xFFFFFFB0];
	_ =	sdelay $0x1  }
0xc5: {  	v3 =	vld [tilespmem:s19+$0x40]  }
0xc6: {  	v0 =	vadd.f32 v1, v0  }
0xc7: {  	v1 =	vld [tilespmem:s19+$0xD0]  }
0xc8: {  	v0 =	vadd.f32 v2, v0  }
0xc9: {  	v2 =	vld [tilespmem:s19+$0x160]  }
0xca: {  	v0 =	vadd.f32 v3, v0;
	_ =	sdelay $0x1  }
0xcb: {  	v0 =	vadd.f32 v1, v0;
	_ =	sdelay $0x1  }
0xcc: {  	v0 =	vadd.f32 v2, v0;
	_ =	sdelay $0x1  }
0xcd: {  	[tilespmem:s20+$0xD9C0] =	vst v0  }
0xce: {  	v0 =	vld [tilespmem:s19+$0xFFFFFEA0]  }
0xcf: {  	v1 =	vld [tilespmem:s19+$0xFFFFFF30];
	_ =	sdelay $0x1  }
0xd0: {  	v2 =	vld [tilespmem:s19+$0xFFFFFFC0];
	_ =	sdelay $0x1  }
0xd1: {  	v3 =	vld [tilespmem:s19+$0x50]  }
0xd2: {  	v0 =	vadd.f32 v1, v0  }
0xd3: {  	v1 =	vld [tilespmem:s19+$0xE0]  }
0xd4: {  	v0 =	vadd.f32 v2, v0  }
0xd5: {  	v2 =	vld [tilespmem:s19+$0x170]  }
0xd6: {  	v0 =	vadd.f32 v3, v0;
	_ =	sdelay $0x1  }
0xd7: {  	v0 =	vadd.f32 v1, v0;
	_ =	sdelay $0x1  }
0xd8: {  	v0 =	vadd.f32 v2, v0;
	_ =	sdelay $0x1  }
0xd9: {  	[tilespmem:s20+$0xD9D0] =	vst v0  }
0xda: {  	v0 =	vld [tilespmem:s19+$0xFFFFFEB0]  }
0xdb: {  	v1 =	vld [tilespmem:s19+$0xFFFFFF40]  }
0xdc: {  	v2 =	vld [tilespmem:s19+$0xFFFFFFD0]  }
0xdd: {  	v3 =	vld [tilespmem:s19+$0x60]  }
0xde: {  	v4 =	vld [tilespmem:s19+$0xF0]  }
0xdf: {  	v5 =	vld [tilespmem:s19+$0x180]  }
0xe0: {  	v0 =	vadd.f32 v1, v0;
	_ =	sdelay $0x1  }
0xe1: {  	v0 =	vadd.f32 v2, v0;
	_ =	sdelay $0x1  }
0xe2: {  	v0 =	vadd.f32 v3, v0;
	_ =	sdelay $0x1  }
0xe3: {  	v0 =	vadd.f32 v4, v0;
	_ =	sdelay $0x1  }
0xe4: {  	v0 =	vadd.f32 v5, v0;
	_ =	sdelay $0x1  }
0xe5: {  	[tilespmem:s20+$0xD9E0] =	vst v0  }
0xe6: {  	v0 =	vld [tilespmem:s19+$0xFFFFFEC0]  }
0xe7: {  	v1 =	vld [tilespmem:s19+$0xFFFFFF50]  }
0xe8: {  	v2 =	vld [tilespmem:s19+$0xFFFFFFE0]  }
0xe9: {  	v3 =	vld [tilespmem:s19+$0x70]  }
0xea: {  	v4 =	vld [tilespmem:s19+$0x100]  }
0xeb: {  	v5 =	vld [tilespmem:s19+$0x190]  }
0xec: {  	v0 =	vadd.f32 v1, v0;
	_ =	sdelay $0x1  }
0xed: {  	v0 =	vadd.f32 v2, v0;
	_ =	sdelay $0x1  }
0xee: {  	v0 =	vadd.f32 v3, v0;
	_ =	sdelay $0x1  }
0xef: {  	v0 =	vadd.f32 v4, v0;
	_ =	sdelay $0x1  }
0xf0: {  	v0 =	vadd.f32 v5, v0;
	_ =	sdelay $0x1  }
0xf1: {  	[tilespmem:s20+$0xD9F0] =	vst v0  }
0xf2: {  	v4 =	vld [tilespmem:s19+$0xFFFFFED0]  }
0xf3: {  	v5 =	vld [tilespmem:s19+$0xFFFFFF60]  }
.Ltmp0:
0xf4: {  	v0 =	vld [tilespmem:s19+$0x80];
	(pc) =	sbr.rel @p0 .LBB2_3-.Ltmp0, $4  }
0xf5: {  	v3 =	vld [tilespmem:s19+$0xFFFFFFF0]  }
0xf6: {  	v1 =	vld [tilespmem:s19+$0x110]  }
0xf7: {  	v2 =	vld [tilespmem:s19+$0x1A0]  }
0xf8: {  	v4 =	vadd.f32 v5, v4  }
0xf9: {  	_ = 	snop  }
0xfa: {  	v3 =	vadd.f32 v3, v4;
	_ =	sdelay $0x1  }
0xfb: {  	v0 =	vadd.f32 v0, v3;
	_ =	sdelay $0x1  }
0xfc: {  	v0 =	vadd.f32 v1, v0;
	_ =	sdelay $0x1  }
0xfd: {  	s18 =	smul.u32 $0x12, s18;
	s17 =	sadd.s32 $0x1, s17;
	v0 =	vadd.f32 v2, v0  }
0xfe: {  	p0 =	sne.s32 s17, $0x5  }
.Ltmp1:
0xff: {  	s18 =	sadd.s32 s5, s18;
	[tilespmem:s20+$0xDA00] =	vst v0;
	(pc) =	sbr.rel @p0 .LBB2_2-.Ltmp1, $4  }
0x100: {  	[hbm4b:s18+s1] =	stream.linear.scatter [tilespmem:s15], [sflag:$0x2], $0x2400, $0x38;
	[tilespmem:$0xFD80] =	vst v63  }
0x101: {  	_ =	swait.ge [sflag:s8], $0x2400  }
0x102: {  	[sflag:s8] =	ssyncset.done $0x0  }
0x103: {  	[sflag:s8] =	ssyncadd.s32 $0xFFFFDC00  }
0x104: {  	s16 =	sadd.s32 $0x1, s16  }
0x105: {  	p0 =	sne.s32 s16, s7  }
.Ltmp2:
0x106: {  	_ = 	snop;
	(pc) =	sbr.rel @p0 .LBB2_1-.Ltmp2, $1  }
0x107: {  	_ =	sdelay $0x3  }
0x108: {  	_ =	sfence.sel $0x180000  }
0x109: {  	[bflag:$0x0] =	sbarrier.arrive $0xFFFF  }
0x10a: {  	p0 =	sne.s32 s2, $0x0;
	_ =	strace $0x90000047  }
0x10b: {  	s0 =	sadd.s32 @!p0 $0x100000, s0;
	[bflag:$0x2] =	sbarrier.arrive $0xFFFF  }
0x10c: {  	[sflag:s0] =	ssyncadd.tile.s32 @!p0 $0x1;
	_ =	shalt  }
.Lfunc_end2:
_tile_overlayer_lowered:
.L_overlay_start_2:
0x10d: {  	(tag) =	ssettag $0x2  }
0x10e: {  	s0 =	rddreg [dreg:$0x0];
	s2 =	stileid.u32  }
0x10f: {  	s1 =	rddreg [dreg:$0x1];
	p0 =	sne.s32 s2, $0x0  }
0x110: {  	s3 =	rddreg [dreg:$0x2];
	[bflag:$0x3] =	sbarrier.arrive $0xFFFF;
	s2 =	simm.s32 @!p0 $0x1C02  }
0x111: {  	[timem:s3], [sflag:s2] =	dma.local @!p0 [hbm:s0], s1  }
0x112: {  	s0 =	simm.s32 @!p0 $0x2  }
0x113: {  	_ =	swait.ge @!p0 [sflag:s0], s1  }
0x114: {  	s1 =	ssub.s32 @!p0 $0x0, s1;
	[sflag:s0] =	ssyncset.done @!p0 $0x0  }
0x115: {  	[sflag:s0] =	ssyncadd.s32 @!p0 s1  }
0x116: {  	[bflag:$0x3] =	sbarrier.arrive $0xFFFF  }
0x117: {  	_ =	shalt  }

// kernel: kernel.15.cloned.1.call-start
scs
__scs_entry_jumppad:
0x0: {  	(pc) =	sbr.rel $0x88, $3  }
0x1: {  	(tag) =	ssettag $0x0;
	lr =	simm.s32 $0x1  }
0x2: {  	[smem:$0x3F8F] =	sst lr;
	_ =	strace $0xD0000000  }
0x3: {  	_ = 	snop  }
0x4: {  	_ = 	snop  }
0x5: {  	_ = 	snop  }
0x6: {  	_ = 	snop  }
0x7: {  	_ = 	snop  }
__scs_overlays_trampoline_lowered:
0x8: {  	[smem:$0x3F9E] =	sst s0  }
0x9: {  	[smem:$0x3F9F] =	sst s1  }
0xa: {  	[smem:$0x3FA0] =	sst s2  }
0xb: {  	[smem:$0x3FA1] =	sst s3  }
0xc: {  	[smem:$0x3FA2] =	sst s4  }
0xd: {  	[smem:$0x3FA3] =	sst s5  }
0xe: {  	[smem:$0x3FA4] =	sst s6  }
0xf: {  	[smem:$0x3FA5] =	sst s7  }
0x10: {  	[smem:$0x3FA6] =	sst s8  }
0x11: {  	[smem:$0x3FA7] =	sst s9;
	s0 =	simm.s32 @!p0 $0x0  }
0x12: {  	s1 =	sld [smem:$0x3F8D];
	s0 =	simm.s32 @p0 $0x1  }
0x13: {  	[smem:$0x3FA8] =	sst s0;
	s0 =	simm.s32 @!p1 $0x0  }
0x14: {  	s2 =	sld [smem:$0x3F8C];
	s0 =	simm.s32 @p1 $0x1  }
0x15: {  	[smem:$0x3FA9] =	sst s0;
	s0 =	simm.s32 @!p2 $0x0  }
0x16: {  	s3 =	sld [smem:$0x3FDB];
	s0 =	simm.s32 @p2 $0x1  }
0x17: {  	s4 =	simm.s32 $0x1BF5;
	[smem:$0x3FAB] =	sst s0  }
0x18: {  	s0 =	sld [smem:$0x3F8E];
	_ =	swait.ge [sflag:s4], $0x0  }
0x19: {  	s7 =	sld [smem:$0x3F8F]  }
0x1a: {  	s8 =	sadd.s32 $0xFFFFE003, lr  }
0x1b: {  	s9 =	sadd.s32 $0xFFFFFEF7, lr;
	s5 =	simm.s32 $0xFFFFFFFF;
	p2 =	slt.u32 s8, $0xFFFFF086  }
0x1c: {  	p1 =	slt.u32 s9, $0xF7A;
	s5 =	simm.s32 @!p2 $0x0  }
0x1d: {  	s5 =	simm.s32 @p1 $0x1;
	p0 =	seq.s32 s7, s2  }
0x1e: {  	s7 =	smul.u32 @!p0 $0xF7A, s2;
	p2 =	seq.s32 @!p0 s5, $0x0  }
0x1f: {  	s9 =	smul.u32 $0xF7A, s1;
	s8 =	simm.s32 @!p0 $0x1BF5;
	p2 =	por !p2, p0  }
0x20: {  	[sflag:s8] =	ssyncset.s32 @!p0 $0xFFFFF086;
	s6 =	sadd.s32 @!p0 s3, s7;
	s7 =	simm.s32 @!p0 $0x108  }
0x21: {  	s3 =	sadd.s32 s3, s9;
	s6 =	sadd.s32 @!p0 $0x88, s6;
	s7 =	simm.s32 @p2 $0x1082  }
0x22: {  	[simem:s7], [sflag:s8] =	dma.local @!p0 [hbm:s6], $0xF7A  }
0x23: {  	s9 =	sor.u32 $0xD0000000, s2;
	s6 =	simm.s32 $0x108;
	_ =	swait.ge @!p0 [sflag:s8], $0x0  }
0x24: {  	s3 =	sadd.s32 $0x88, s3;
	s6 =	simm.s32 @!p1 $0x1082;
	[sflag:s4] =	ssyncset.s32 $0xFFFFF086  }
0x25: {  	[simem:s6], [sflag:s4] =	dma.local [hbm:s3], $0xF7A  }
0x26: {  	[smem:$0x3F8F] =	sst s1;
	(tag) =	ssettag s2;
	_ =	strace s9  }
0x27: {  	s1 =	sld [smem:$0x3F9F]  }
0x28: {  	s2 =	sld [smem:$0x3FA0]  }
0x29: {  	s4 =	sld [smem:$0x3FA2]  }
0x2a: {  	p0 =	seq.s32 s5, $0x0;
	s5 =	sld [smem:$0x3FA3]  }
0x2b: {  	s6 =	sld [smem:$0x3FA4]  }
0x2c: {  	s7 =	sld [smem:$0x3FA5]  }
0x2d: {  	s3 =	simm.s32 $0x108;
	s8 =	sld [smem:$0x3FA6]  }
0x2e: {  	s3 =	simm.s32 @!p0 $0x1082;
	s9 =	sld [smem:$0x3FA7]  }
0x2f: {  	lr =	sadd.s32 s0, s3;
	s0 =	sld [smem:$0x3F9E]  }
0x30: {  	s3 =	sld [smem:$0x3FA1]  }
0x31: {  	[smem:$0x3FAA] =	sst s10  }
0x32: {  	s10 =	sld [smem:$0x3FA8];
	_ =	sdelay $0x3  }
0x33: {  	p0 =	seq.s32 s10, $0x1;
	s10 =	sld [smem:$0x3FAA];
	_ =	sdelay $0x3  }
0x34: {  	[smem:$0x3FAA] =	sst s10  }
0x35: {  	s10 =	sld [smem:$0x3FA9];
	_ =	sdelay $0x3  }
0x36: {  	p1 =	seq.s32 s10, $0x1;
	s10 =	sld [smem:$0x3FAA];
	_ =	sdelay $0x3  }
0x37: {  	[smem:$0x3FAA] =	sst s10  }
0x38: {  	s10 =	sld [smem:$0x3FAB]  }
0x39: {  	_ = 	snop;
	(pc) =	sbr.ind lr, $3  }
0x3a: {  	_ = 	snop  }
0x3b: {  	_ = 	snop  }
0x3c: {  	p2 =	seq.s32 s10, $0x1;
	s10 =	sld [smem:$0x3FAA]  }
0x3d: {  	_ =	shalt  }
0x3e: {  	_ =	shalt  }
0x3f: {  	_ =	shalt  }
0x40: {  	_ =	shalt  }
0x41: {  	_ =	shalt  }
0x42: {  	_ =	shalt  }
0x43: {  	_ =	shalt  }
0x44: {  	_ =	shalt  }
0x45: {  	_ =	shalt  }
0x46: {  	_ =	shalt  }
0x47: {  	_ =	shalt  }
0x48: {  	_ =	shalt  }
0x49: {  	_ =	shalt  }
0x4a: {  	_ =	shalt  }
0x4b: {  	_ =	shalt  }
0x4c: {  	_ =	shalt  }
0x4d: {  	_ =	shalt  }
0x4e: {  	_ =	shalt  }
0x4f: {  	_ =	shalt  }
0x50: {  	_ =	shalt  }
0x51: {  	_ =	shalt  }
0x52: {  	_ =	shalt  }
0x53: {  	_ =	shalt  }
0x54: {  	_ =	shalt  }
0x55: {  	_ =	shalt  }
0x56: {  	_ =	shalt  }
0x57: {  	_ =	shalt  }
0x58: {  	_ =	shalt  }
0x59: {  	_ =	shalt  }
0x5a: {  	_ =	shalt  }
0x5b: {  	_ =	shalt  }
0x5c: {  	_ =	shalt  }
0x5d: {  	_ =	shalt  }
0x5e: {  	_ =	shalt  }
0x5f: {  	_ =	shalt  }
0x60: {  	_ =	shalt  }
0x61: {  	_ =	shalt  }
0x62: {  	_ =	shalt  }
0x63: {  	_ =	shalt  }
0x64: {  	_ =	shalt  }
0x65: {  	_ =	shalt  }
0x66: {  	_ =	shalt  }
0x67: {  	_ =	shalt  }
0x68: {  	_ =	shalt  }
0x69: {  	_ =	shalt  }
0x6a: {  	_ =	shalt  }
0x6b: {  	_ =	shalt  }
0x6c: {  	_ =	shalt  }
0x6d: {  	_ =	shalt  }
0x6e: {  	_ =	shalt  }
0x6f: {  	_ =	shalt  }
0x70: {  	_ =	shalt  }
0x71: {  	_ =	shalt  }
0x72: {  	_ =	shalt  }
0x73: {  	_ =	shalt  }
0x74: {  	_ =	shalt  }
0x75: {  	_ =	shalt  }
0x76: {  	_ =	shalt  }
0x77: {  	_ =	shalt  }
0x78: {  	_ =	shalt  }
0x79: {  	_ =	shalt  }
0x7a: {  	_ =	shalt  }
0x7b: {  	_ =	shalt  }
0x7c: {  	_ =	shalt  }
0x7d: {  	_ =	shalt  }
0x7e: {  	_ =	shalt  }
0x7f: {  	_ =	shalt  }
0x80: {  	_ =	shalt  }
0x81: {  	_ =	shalt  }
0x82: {  	_ =	shalt  }
0x83: {  	_ =	shalt  }
0x84: {  	_ =	shalt  }
0x85: {  	_ =	shalt  }
0x86: {  	_ =	shalt  }
0x87: {  	_ =	shalt  }
.Lfunc_end0:
.L_simem_size_0:
called_computation.1_lowered:
.L_overlay_start_0:
0x88: {  	s2 =	sld [smem:$0x3FD9]  }
0x89: {  	s3 =	sld [smem:$0x3FFE];
	_ =	sdelay $0x1  }
0x8a: {  	s1 =	srdreg.scid  }
0x8b: {  	s0 =	sand.u32 $0x1, s1  }
0x8c: {  	s16 =	sshll.u32 s0, $0xA;
	s2 =	sadd.s32 s3, s2  }
0x8d: {  	s2 =	sadd.s32 s2, s16  }
0x8e: {  	[smem:$0x3FB6] =	sst s2  }
0x8f: {  	_ = 	snop  }
0x90: {  	(tm) =	ssettm $0x1  }
0x91: {  	s17 =	sld [smem:$0x3FFB];
	_ =	sdelay $0x3  }
0x92: {  	_ =	strace s17  }
0x93: {  	s2 =	sld [smem:$0x3FFC];
	_ =	sdelay $0x3  }
0x94: {  	_ =	strace s2  }
0x95: {  	s2 =	sld [smem:$0x3FFD];
	_ =	sdelay $0x3  }
0x96: {  	_ =	strace s2  }
0x97: {  	_ =	strace $0x8FFFFFFF  }
0x98: {  	s18 =	sld [smem:$0x3FDB];
	_ =	sdelay $0x1  }
0x99: {  	s19 =	simm.s32 $_scs_section_size  }
0x9a: {  	s4 =	simm.s32 $_size__tile_overlayer_lowered;
	s5 =	simm.s32 $_tile_overlayer_lowered  }
0x9b: {  	s22 =	simm.s32 $0x1BFF;
	s21 =	sshll.u32 s5, $0x1;
	s2 =	sadd.s32 s19, s18  }
0x9c: {  	s6 =	simm.s32 $0x0;
	s20 =	sshll.u32 s4, $0x1;
	s4 =	sadd.s32 s21, s2  }
0x9d: {  	[timem:s6], [sflag:s22] =	dma.local [hbm:s4], s20  }
0x9e: {  	_ =	swait.ge [sflag:s22], s20  }
0x9f: {  	s3 =	ssub.s32 $0x0, s20;
	[sflag:s22] =	ssyncset.done $0x0  }
0xa0: {  	[sflag:s22] =	ssyncadd.s32 s3;
	_ =	sdelay $0x1  }
0xa1: {  	s23 =	simm.s32 $0x1B8B  }
0xa2: {  	_ =	swait.ge [sflag:s23], $0x1  }
0xa3: {  	[sflag:s23] =	ssyncset.done $0x0  }
0xa4: {  	s25 =	simm.s32 $0x1B8E;
	s24 =	sld [smem:$0x3FFE];
	[sflag:s23] =	ssyncadd.s32 $0xFFFFFFFF  }
0xa5: {  	s26 =	simm.s32 $execute0_lowered;
	[smem:$0x3FD2] =	sst s25  }
0xa6: {  	s4 =	sshll.u32 s26, $0x1;
	_ =	strace $0x80000049;
	[dreg:$0x1] =	wrdreg $0xFFFFFFFF  }
0xa7: {  	s28 =	simm.s32 $_size_execute0_lowered;
	s2 =	sadd.s32 s2, s4;
	[dreg:$0x0] =	wrdreg $0x0  }
0xa8: {  	s4 =	sshll.u32 s28, $0x1;
	[dreg:$0x2] =	wrdreg s2  }
0xa9: {  	[dreg:$0x3] =	wrdreg s4  }
0xaa: {  	[dreg:$0x4] =	wrdreg $0xC0  }
0xab: {  	_ =	task [dreg:s6], $0x5FFFF  }
0xac: {  	[dreg:$0x1] =	wrdreg $0xFFFFFFFF  }
0xad: {  	[dreg:$0x0] =	wrdreg $0x60  }
0xae: {  	[dreg:$0x2] =	wrdreg s24  }
0xaf: {  	[dreg:$0x3] =	wrdreg $0x9  }
0xb0: {  	_ =	task.clear_ibuf [dreg:s6], $0x4FFFF;
	_ =	strace $0x90000049  }
0xb1: {  	s29 =	simm.s32 $0x9;
	_ =	strace $0x8000004B  }
0xb2: {  	_ =	swait.ge [sflag:s29], $0x1  }
0xb3: {  	[sflag:s29] =	ssyncadd.s32 $0xFFFFFFFF  }
0xb4: {  	_ =	strace $0x9000004B  }
0xb5: {  	_ =	sfence  }
0xb6: {  	s30 =	sld [smem:$0x0];
	_ =	sdelay $0x2  }
0xb7: {  	s31 =	sshll.u32 s1, $0xD;
	s1 =	sshrl.u32 s1, $0x2  }
0xb8: {  	s3 =	sand.u32 $0x4000, s31;
	s1 =	sadd.s32 s1, s30  }
0xb9: {  	s0 =	sor.u32 s3, s0;
	s1 =	sshll.u32 s1, $0x11  }
0xba: {  	s0 =	sor.u32 s1, s0  }
0xbb: {  	s0 =	sadd.s32 $0x8F2B, s0  }
0xbc: {  	[sflag:s0] =	ssyncadd.remote.s32 $0x1  }
0xbd: {  	_ =	sfence.sel $0xFFFF  }
0xbe: {  	[dreg:$0x0] =	wrdreg $0xFFFFFFFF;
	(pc) =	sbr.abs _section_cstart, $3  }
0xbf: {  	[dreg:$0x1] =	wrdreg $0xFFFFFFFF  }
0xc0: {  	_ =	task.clear_ibuf [dreg:s6], $0x2FFFF;
	_ =	strace $0x9FFFFFFF  }
0xc1: {  	(tm) =	ssettm $0x7FFFFFFF  }
tec
execute0_lowered:
.L_overlay_start_1:
0x0: {  	(tag) =	ssettag $0x1  }
0x1: {  	s5 =	rddreg [dreg:$0x0]  }
0x2: {  	s0 =	rddreg [dreg:$0x1];
	s1 =	simm.s32 $0x0  }
0x3: {  	s2 =	srdreg.scid;
	s10 =	simm.s32 $0x180;
	s11 =	simm.s32 $0x4980  }
0x4: {  	s12 =	simm.s32 $0x100;
	s13 =	simm.s32 $0x9180;
	s14 =	simm.s32 $0x1  }
0x5: {  	s15 =	simm.s32 $0xD980;
	s16 =	simm.s32 $0x0;
	[smem:$0x7FF] =	sst s1  }
0x6: {  	s6 =	sand.u32 $0x1, s2;
	s2 =	stileid.u32;
	s3 =	sadd.s32 $0x3E00, s5  }
0x7: {  	s4 =	sadd.s32 $0x30E00, s5;
	s5 =	sadd.s32 $0x32C00, s5;
	s7 =	ssub.s32 $0x2, s6  }
0x8: {  	_ =	strace $0x8000004A;
	s9 =	sshll.u32 s2, $0x1;
	s8 =	sshrl.u32 s7, $0x1  }
0x9: {  	s6 =	sor.u32 s6, s9;
	s9 =	simm.s32 $0x80;
	s7 =	ssub.s32 s7, s8  }
0xa: {  	s6 =	smul.u32 $0x140, s6;
	s8 =	simm.s32 $0x2;
	s7 =	smax.u32 s7, $0x1  }
.LBB2_1:
0xb: {  	s17 =	simm.s32 $0x0  }
.LBB2_2:
0xc: {  	s18 =	sshll.u32 s17, $0x6  }
0xd: {  	s18 =	sadd.s32 s6, s18  }
0xe: {  	s19 =	smul.u32 $0x6, s18;
	_ =	sdelay $0x1  }
0xf: {  	s19 =	sshrl.u32 s19, $0x3  }
0x10: {  	s20 =	simm.s32 $0x0;
	s19 =	sadd.s32 s4, s19  }
0x11: {  	[tilespmem:s20], [sflag:$0x2] =	stream.linear.gather [hbm4b:s19+s20], $0x180, $0x38;
	[tilespmem:$0xFD80] =	vst v63  }
0x12: {  	_ =	swait.ge [sflag:s8], $0x180  }
0x13: {  	[sflag:s8] =	ssyncset.done $0x0  }
0x14: {  	[sflag:s8] =	ssyncadd.s32 $0xFFFFFE80  }
0x15: {  	[tilespmem:s10], [sflag:$0x1] =	stream.indirect.gather [hbm4b:s3+s9], $0x90, s20, s9, $0xb8;
	[tilespmem:$0xFD80] =	vst v63  }
0x16: {  	_ = 	snop  }
0x17: {  	[tilespmem:s11], [sflag:$0x1] =	stream.indirect.gather [hbm4b:s3+s9], $0x90, s9, s9, $0xb8;
	[tilespmem:$0xFD80] =	vst v63  }
0x18: {  	_ = 	snop  }
0x19: {  	[tilespmem:s13], [sflag:$0x1] =	stream.indirect.gather [hbm4b:s3+s9], $0x90, s12, s9, $0xb8;
	[tilespmem:$0xFD80] =	vst v63  }
0x1a: {  	_ =	swait.ge [sflag:s14], $0x4800  }
0x1b: {  	[sflag:s14] =	ssyncset.done $0x0  }
0x1c: {  	[sflag:s14] =	ssyncadd.s32 $0xFFFFB800  }
0x1d: {  	_ =	swait.ge [sflag:s14], $0x4800  }
0x1e: {  	[sflag:s14] =	ssyncset.done $0x0  }
0x1f: {  	[sflag:s14] =	ssyncadd.s32 $0xFFFFB800  }
0x20: {  	_ =	swait.ge [sflag:s14], $0x4800  }
0x21: {  	[sflag:s14] =	ssyncset.done $0x0  }
0x22: {  	s19 =	simm.s32 $0x330;
	[sflag:s14] =	ssyncadd.s32 $0xFFFFB800  }
0x23: {  	v0 =	vld [tilespmem:s19+$0xFFFFFEE0]  }
0x24: {  	v1 =	vld [tilespmem:s19+$0xFFFFFE50];
	_ =	sdelay $0x1  }
0x25: {  	v2 =	vld [tilespmem:s19+$0xFFFFFF70];
	_ =	sdelay $0x1  }
0x26: {  	v3 =	vld [tilespmem:s19+$0x0]  }
0x27: {  	v0 =	vadd.f32 v0, v1  }
0x28: {  	v1 =	vld [tilespmem:s19+$0x90]  }
0x29: {  	v0 =	vadd.f32 v2, v0  }
0x2a: {  	v2 =	vld [tilespmem:s19+$0x120]  }
0x2b: {  	v0 =	vadd.f32 v3, v0;
	_ =	sdelay $0x1  }
0x2c: {  	v0 =	vadd.f32 v1, v0;
	_ =	sdelay $0x1  }
0x2d: {  	v0 =	vadd.f32 v2, v0  }
0x2e: {  	s20 =	simm.s32 $0x0  }
0x2f: {  	[tilespmem:s20+$0xD980] =	vst v0  }
0x30: {  	v0 =	vld [tilespmem:s19+$0xFFFFFE60]  }
0x31: {  	v1 =	vld [tilespmem:s19+$0xFFFFFEF0];
	_ =	sdelay $0x1  }
0x32: {  	v2 =	vld [tilespmem:s19+$0xFFFFFF80];
	_ =	sdelay $0x1  }
0x33: {  	v3 =	vld [tilespmem:s19+$0x10]  }
0x34: {  	v0 =	vadd.f32 v1, v0  }
0x35: {  	v1 =	vld [tilespmem:s19+$0xA0]  }
0x36: {  	v0 =	vadd.f32 v2, v0  }
0x37: {  	v2 =	vld [tilespmem:s19+$0x130]  }
0x38: {  	v0 =	vadd.f32 v3, v0;
	_ =	sdelay $0x1  }
0x39: {  	v0 =	vadd.f32 v1, v0;
	_ =	sdelay $0x1  }
0x3a: {  	v0 =	vadd.f32 v2, v0;
	_ =	sdelay $0x1  }
0x3b: {  	[tilespmem:s20+$0xD990] =	vst v0  }
0x3c: {  	v0 =	vld [tilespmem:s19+$0xFFFFFE70]  }
0x3d: {  	v1 =	vld [tilespmem:s19+$0xFFFFFF00];
	_ =	sdelay $0x1  }
0x3e: {  	v2 =	vld [tilespmem:s19+$0xFFFFFF90];
	_ =	sdelay $0x1  }
0x3f: {  	v3 =	vld [tilespmem:s19+$0x20]  }
0x40: {  	v0 =	vadd.f32 v1, v0  }
0x41: {  	v1 =	vld [tilespmem:s19+$0xB0]  }
0x42: {  	v0 =	vadd.f32 v2, v0  }
0x43: {  	v2 =	vld [tilespmem:s19+$0x140]  }
0x44: {  	v0 =	vadd.f32 v3, v0;
	_ =	sdelay $0x1  }
0x45: {  	v0 =	vadd.f32 v1, v0;
	_ =	sdelay $0x1  }
0x46: {  	v0 =	vadd.f32 v2, v0;
	_ =	sdelay $0x1  }
0x47: {  	[tilespmem:s20+$0xD9A0] =	vst v0  }
0x48: {  	v0 =	vld [tilespmem:s19+$0xFFFFFE80]  }
0x49: {  	v1 =	vld [tilespmem:s19+$0xFFFFFF10];
	_ =	sdelay $0x1  }
0x4a: {  	v2 =	vld [tilespmem:s19+$0xFFFFFFA0];
	_ =	sdelay $0x1  }
0x4b: {  	v3 =	vld [tilespmem:s19+$0x30]  }
0x4c: {  	v0 =	vadd.f32 v1, v0  }
0x4d: {  	v1 =	vld [tilespmem:s19+$0xC0]  }
0x4e: {  	v0 =	vadd.f32 v2, v0  }
0x4f: {  	v2 =	vld [tilespmem:s19+$0x150]  }
0x50: {  	v0 =	vadd.f32 v3, v0;
	_ =	sdelay $0x1  }
0x51: {  	v0 =	vadd.f32 v1, v0;
	_ =	sdelay $0x1  }
0x52: {  	v0 =	vadd.f32 v2, v0;
	_ =	sdelay $0x1  }
0x53: {  	[tilespmem:s20+$0xD9B0] =	vst v0  }
0x54: {  	v0 =	vld [tilespmem:s19+$0xFFFFFE90]  }
0x55: {  	v1 =	vld [tilespmem:s19+$0xFFFFFF20];
	_ =	sdelay $0x1  }
0x56: {  	v2 =	vld [tilespmem:s19+$0xFFFFFFB0];
	_ =	sdelay $0x1  }
0x57: {  	v3 =	vld [tilespmem:s19+$0x40]  }
0x58: {  	v0 =	vadd.f32 v1, v0  }
0x59: {  	v1 =	vld [tilespmem:s19+$0xD0]  }
0x5a: {  	v0 =	vadd.f32 v2, v0  }
0x5b: {  	v2 =	vld [tilespmem:s19+$0x160]  }
0x5c: {  	v0 =	vadd.f32 v3, v0;
	_ =	sdelay $0x1  }
0x5d: {  	v0 =	vadd.f32 v1, v0;
	_ =	sdelay $0x1  }
0x5e: {  	v0 =	vadd.f32 v2, v0;
	_ =	sdelay $0x1  }
0x5f: {  	[tilespmem:s20+$0xD9C0] =	vst v0  }
0x60: {  	v0 =	vld [tilespmem:s19+$0xFFFFFEA0]  }
0x61: {  	v1 =	vld [tilespmem:s19+$0xFFFFFF30];
	_ =	sdelay $0x1  }
0x62: {  	v2 =	vld [tilespmem:s19+$0xFFFFFFC0];
	_ =	sdelay $0x1  }
0x63: {  	v3 =	vld [tilespmem:s19+$0x50]  }
0x64: {  	v0 =	vadd.f32 v1, v0  }
0x65: {  	v1 =	vld [tilespmem:s19+$0xE0]  }
0x66: {  	v0 =	vadd.f32 v2, v0  }
0x67: {  	v2 =	vld [tilespmem:s19+$0x170]  }
0x68: {  	v0 =	vadd.f32 v3, v0;
	_ =	sdelay $0x1  }
0x69: {  	v0 =	vadd.f32 v1, v0;
	_ =	sdelay $0x1  }
0x6a: {  	v0 =	vadd.f32 v2, v0;
	_ =	sdelay $0x1  }
0x6b: {  	[tilespmem:s20+$0xD9D0] =	vst v0  }
0x6c: {  	v0 =	vld [tilespmem:s19+$0xFFFFFEB0]  }
0x6d: {  	v1 =	vld [tilespmem:s19+$0xFFFFFF40];
	_ =	sdelay $0x1  }
0x6e: {  	v2 =	vld [tilespmem:s19+$0xFFFFFFD0];
	_ =	sdelay $0x1  }
0x6f: {  	v3 =	vld [tilespmem:s19+$0x60]  }
0x70: {  	v0 =	vadd.f32 v1, v0  }
0x71: {  	v1 =	vld [tilespmem:s19+$0xF0]  }
0x72: {  	v0 =	vadd.f32 v2, v0  }
0x73: {  	v2 =	vld [tilespmem:s19+$0x180]  }
0x74: {  	v0 =	vadd.f32 v3, v0;
	_ =	sdelay $0x1  }
0x75: {  	v0 =	vadd.f32 v1, v0;
	_ =	sdelay $0x1  }
0x76: {  	v0 =	vadd.f32 v2, v0;
	_ =	sdelay $0x1  }
0x77: {  	[tilespmem:s20+$0xD9E0] =	vst v0  }
0x78: {  	v0 =	vld [tilespmem:s19+$0xFFFFFEC0]  }
0x79: {  	v1 =	vld [tilespmem:s19+$0xFFFFFF50];
	_ =	sdelay $0x1  }
0x7a: {  	v2 =	vld [tilespmem:s19+$0xFFFFFFE0];
	_ =	sdelay $0x1  }
0x7b: {  	v3 =	vld [tilespmem:s19+$0x70]  }
0x7c: {  	v0 =	vadd.f32 v1, v0  }
0x7d: {  	v1 =	vld [tilespmem:s19+$0x100]  }
0x7e: {  	v0 =	vadd.f32 v2, v0  }
0x7f: {  	v2 =	vld [tilespmem:s19+$0x190]  }
0x80: {  	v0 =	vadd.f32 v3, v0;
	_ =	sdelay $0x1  }
0x81: {  	v0 =	vadd.f32 v1, v0;
	_ =	sdelay $0x1  }
0x82: {  	v0 =	vadd.f32 v2, v0;
	_ =	sdelay $0x1  }
0x83: {  	[tilespmem:s20+$0xD9F0] =	vst v0  }
0x84: {  	v4 =	vld [tilespmem:s19+$0xFFFFFED0]  }
0x85: {  	v5 =	vld [tilespmem:s19+$0xFFFFFF60];
	_ =	sdelay $0x1  }
0x86: {  	v0 =	vld [tilespmem:s19+$0x80]  }
0x87: {  	v3 =	vld [tilespmem:s19+$0xFFFFFFF0]  }
0x88: {  	v1 =	vld [tilespmem:s19+$0x110]  }
0x89: {  	s21 =	simm.s32 $0x240;
	v2 =	vld [tilespmem:s19+$0x1A0];
	v4 =	vadd.f32 v5, v4  }
.LBB2_3:
0x8a: {  	p0 =	sne.s32 s21, $0x8DC0  }
0x8b: {  	s19 =	sadd.s32 $0x360, s19;
	s22 =	smov.u32 s21;
	s21 =	sadd.s32 $0x240, s21  }
0x8c: {  	v3 =	vadd.f32 v3, v4;
	_ =	sdelay $0x1  }
0x8d: {  	v0 =	vadd.f32 v0, v3;
	_ =	sdelay $0x1  }
0x8e: {  	v0 =	vadd.f32 v1, v0;
	_ =	sdelay $0x1  }
0x8f: {  	v0 =	vadd.f32 v2, v0;
	_ =	sdelay $0x1  }
0x90: {  	[tilespmem:s20+$0xDA00] =	vst v0  }
0x91: {  	v0 =	vld [tilespmem:s19+$0xFFFFFEE0]  }
0x92: {  	v1 =	vld [tilespmem:s19+$0xFFFFFE50]  }
0x93: {  	v2 =	vld [tilespmem:s19+$0xFFFFFF70];
	_ =	sdelay $0x1  }
0x94: {  	v3 =	vld [tilespmem:s19+$0x0];
	_ =	sdelay $0x1  }
0x95: {  	v0 =	vadd.f32 v0, v1  }
0x96: {  	v1 =	vld [tilespmem:s19+$0x90]  }
0x97: {  	v0 =	vadd.f32 v2, v0  }
0x98: {  	v2 =	vld [tilespmem:s19+$0x120]  }
0x99: {  	v0 =	vadd.f32 v3, v0;
	_ =	sdelay $0x1  }
0x9a: {  	v0 =	vadd.f32 v1, v0;
	_ =	sdelay $0x1  }
0x9b: {  	v0 =	vadd.f32 v2, v0  }
0x9c: {  	s20 =	sshra.s32 s22, $0x2  }
0x9d: {  	[tilespmem:s20+$0xD980] =	vst v0  }
0x9e: {  	v0 =	vld [tilespmem:s19+$0xFFFFFE60]  }
0x9f: {  	v1 =	vld [tilespmem:s19+$0xFFFFFEF0];
	_ =	sdelay $0x1  }
0xa0: {  	v2 =	vld [tilespmem:s19+$0xFFFFFF80];
	_ =	sdelay $0x1  }
0xa1: {  	v3 =	vld [tilespmem:s19+$0x10]  }
0xa2: {  	v0 =	vadd.f32 v1, v0  }
0xa3: {  	v1 =	vld [tilespmem:s19+$0xA0]  }
0xa4: {  	v0 =	vadd.f32 v2, v0  }
0xa5: {  	v2 =	vld [tilespmem:s19+$0x130]  }
0xa6: {  	v0 =	vadd.f32 v3, v0;
	_ =	sdelay $0x1  }
0xa7: {  	v0 =	vadd.f32 v1, v0;
	_ =	sdelay $0x1  }
0xa8: {  	v0 =	vadd.f32 v2, v0;
	_ =	sdelay $0x1  }
0xa9: {  	[tilespmem:s20+$0xD990] =	vst v0  }
0xaa: {  	v0 =	vld [tilespmem:s19+$0xFFFFFE70]  }
0xab: {  	v1 =	vld [tilespmem:s19+$0xFFFFFF00];
	_ =	sdelay $0x1  }
0xac: {  	v2 =	vld [tilespmem:s19+$0xFFFFFF90];
	_ =	sdelay $0x1  }
0xad: {  	v3 =	vld [tilespmem:s19+$0x20]  }
0xae: {  	v0 =	vadd.f32 v1, v0  }
0xaf: {  	v1 =	vld [tilespmem:s19+$0xB0]  }
0xb0: {  	v0 =	vadd.f32 v2, v0  }
0xb1: {  	v2 =	vld [tilespmem:s19+$0x140]  }
0xb2: {  	v0 =	vadd.f32 v3, v0;
	_ =	sdelay $0x1  }
0xb3: {  	v0 =	vadd.f32 v1, v0;
	_ =	sdelay $0x1  }
0xb4: {  	v0 =	vadd.f32 v2, v0;
	_ =	sdelay $0x1  }
0xb5: {  	[tilespmem:s20+$0xD9A0] =	vst v0  }
0xb6: {  	v0 =	vld [tilespmem:s19+$0xFFFFFE80]  }
0xb7: {  	v1 =	vld [tilespmem:s19+$0xFFFFFF10]  }
0xb8: {  	v2 =	vld [tilespmem:s19+$0x30]  }
0xb9: {  	v3 =	vld [tilespmem:s19+$0xFFFFFFA0];
	_ =	sdelay $0x2  }
0xba: {  	v0 =	vadd.f32 v1, v0  }
0xbb: {  	v1 =	vld [tilespmem:s19+$0xC0]  }
0xbc: {  	v0 =	vadd.f32 v3, v0  }
0xbd: {  	v3 =	vld [tilespmem:s19+$0x150]  }
0xbe: {  	v0 =	vadd.f32 v2, v0;
	_ =	sdelay $0x1  }
0xbf: {  	v0 =	vadd.f32 v1, v0;
	_ =	sdelay $0x1  }
0xc0: {  	v0 =	vadd.f32 v3, v0;
	_ =	sdelay $0x1  }
0xc1: {  	[tilespmem:s20+$0xD9B0] =	vst v0  }
0xc2: {  	v0 =	vld [tilespmem:s19+$0xFFFFFE90]  }
0xc3: {  	v1 =	vld [tilespmem:s19+$0xFFFFFF20];
	_ =	sdelay $0x1  }
0xc4: {  	v2 =	vld [tilespmem:s19+$0xFFFFFFB0];
	_ =	sdelay $0x1  }
0xc5: {  	v3 =	vld [tilespmem:s19+$0x40]  }
0xc6: {  	v0 =	vadd.f32 v1, v0  }
0xc7: {  	v1 =	vld [tilespmem:s19+$0xD0]  }
0xc8: {  	v0 =	vadd.f32 v2, v0  }
0xc9: {  	v2 =	vld [tilespmem:s19+$0x160]  }
0xca: {  	v0 =	vadd.f32 v3, v0;
	_ =	sdelay $0x1  }
0xcb: {  	v0 =	vadd.f32 v1, v0;
	_ =	sdelay $0x1  }
0xcc: {  	v0 =	vadd.f32 v2, v0;
	_ =	sdelay $0x1  }
0xcd: {  	[tilespmem:s20+$0xD9C0] =	vst v0  }
0xce: {  	v0 =	vld [tilespmem:s19+$0xFFFFFEA0]  }
0xcf: {  	v1 =	vld [tilespmem:s19+$0xFFFFFF30];
	_ =	sdelay $0x1  }
0xd0: {  	v2 =	vld [tilespmem:s19+$0xFFFFFFC0];
	_ =	sdelay $0x1  }
0xd1: {  	v3 =	vld [tilespmem:s19+$0x50]  }
0xd2: {  	v0 =	vadd.f32 v1, v0  }
0xd3: {  	v1 =	vld [tilespmem:s19+$0xE0]  }
0xd4: {  	v0 =	vadd.f32 v2, v0  }
0xd5: {  	v2 =	vld [tilespmem:s19+$0x170]  }
0xd6: {  	v0 =	vadd.f32 v3, v0;
	_ =	sdelay $0x1  }
0xd7: {  	v0 =	vadd.f32 v1, v0;
	_ =	sdelay $0x1  }
0xd8: {  	v0 =	vadd.f32 v2, v0;
	_ =	sdelay $0x1  }
0xd9: {  	[tilespmem:s20+$0xD9D0] =	vst v0  }
0xda: {  	v0 =	vld [tilespmem:s19+$0xFFFFFEB0]  }
0xdb: {  	v1 =	vld [tilespmem:s19+$0xFFFFFF40]  }
0xdc: {  	v2 =	vld [tilespmem:s19+$0xFFFFFFD0]  }
0xdd: {  	v3 =	vld [tilespmem:s19+$0x60]  }
0xde: {  	v4 =	vld [tilespmem:s19+$0xF0]  }
0xdf: {  	v5 =	vld [tilespmem:s19+$0x180]  }
0xe0: {  	v0 =	vadd.f32 v1, v0;
	_ =	sdelay $0x1  }
0xe1: {  	v0 =	vadd.f32 v2, v0;
	_ =	sdelay $0x1  }
0xe2: {  	v0 =	vadd.f32 v3, v0;
	_ =	sdelay $0x1  }
0xe3: {  	v0 =	vadd.f32 v4, v0;
	_ =	sdelay $0x1  }
0xe4: {  	v0 =	vadd.f32 v5, v0;
	_ =	sdelay $0x1  }
0xe5: {  	[tilespmem:s20+$0xD9E0] =	vst v0  }
0xe6: {  	v0 =	vld [tilespmem:s19+$0xFFFFFEC0]  }
0xe7: {  	v1 =	vld [tilespmem:s19+$0xFFFFFF50]  }
0xe8: {  	v2 =	vld [tilespmem:s19+$0xFFFFFFE0]  }
0xe9: {  	v3 =	vld [tilespmem:s19+$0x70]  }
0xea: {  	v4 =	vld [tilespmem:s19+$0x100]  }
0xeb: {  	v5 =	vld [tilespmem:s19+$0x190]  }
0xec: {  	v0 =	vadd.f32 v1, v0;
	_ =	sdelay $0x1  }
0xed: {  	v0 =	vadd.f32 v2, v0;
	_ =	sdelay $0x1  }
0xee: {  	v0 =	vadd.f32 v3, v0;
	_ =	sdelay $0x1  }
0xef: {  	v0 =	vadd.f32 v4, v0;
	_ =	sdelay $0x1  }
0xf0: {  	v0 =	vadd.f32 v5, v0;
	_ =	sdelay $0x1  }
0xf1: {  	[tilespmem:s20+$0xD9F0] =	vst v0  }
0xf2: {  	v4 =	vld [tilespmem:s19+$0xFFFFFED0]  }
0xf3: {  	v5 =	vld [tilespmem:s19+$0xFFFFFF60]  }
.Ltmp0:
0xf4: {  	v0 =	vld [tilespmem:s19+$0x80];
	(pc) =	sbr.rel @p0 .LBB2_3-.Ltmp0, $4  }
0xf5: {  	v3 =	vld [tilespmem:s19+$0xFFFFFFF0]  }
0xf6: {  	v1 =	vld [tilespmem:s19+$0x110]  }
0xf7: {  	v2 =	vld [tilespmem:s19+$0x1A0]  }
0xf8: {  	v4 =	vadd.f32 v5, v4  }
0xf9: {  	_ = 	snop  }
0xfa: {  	v3 =	vadd.f32 v3, v4;
	_ =	sdelay $0x1  }
0xfb: {  	v0 =	vadd.f32 v0, v3;
	_ =	sdelay $0x1  }
0xfc: {  	v0 =	vadd.f32 v1, v0;
	_ =	sdelay $0x1  }
0xfd: {  	s18 =	smul.u32 $0x12, s18;
	s17 =	sadd.s32 $0x1, s17;
	v0 =	vadd.f32 v2, v0  }
0xfe: {  	p0 =	sne.s32 s17, $0x5  }
.Ltmp1:
0xff: {  	s18 =	sadd.s32 s5, s18;
	[tilespmem:s20+$0xDA00] =	vst v0;
	(pc) =	sbr.rel @p0 .LBB2_2-.Ltmp1, $4  }
0x100: {  	[hbm4b:s18+s1] =	stream.linear.scatter [tilespmem:s15], [sflag:$0x2], $0x2400, $0x38;
	[tilespmem:$0xFD80] =	vst v63  }
0x101: {  	_ =	swait.ge [sflag:s8], $0x2400  }
0x102: {  	[sflag:s8] =	ssyncset.done $0x0  }
0x103: {  	[sflag:s8] =	ssyncadd.s32 $0xFFFFDC00  }
0x104: {  	s16 =	sadd.s32 $0x1, s16  }
0x105: {  	p0 =	sne.s32 s16, s7  }
.Ltmp2:
0x106: {  	_ = 	snop;
	(pc) =	sbr.rel @p0 .LBB2_1-.Ltmp2, $1  }
0x107: {  	_ =	sdelay $0x3  }
0x108: {  	_ =	sfence.sel $0x180000  }
0x109: {  	[bflag:$0x0] =	sbarrier.arrive $0xFFFF  }
0x10a: {  	p0 =	sne.s32 s2, $0x0;
	_ =	strace $0x9000004A  }
0x10b: {  	s0 =	sadd.s32 @!p0 $0x100000, s0;
	[bflag:$0x2] =	sbarrier.arrive $0xFFFF  }
0x10c: {  	[sflag:s0] =	ssyncadd.tile.s32 @!p0 $0x1;
	_ =	shalt  }
.Lfunc_end2:
_tile_overlayer_lowered:
.L_overlay_start_2:
0x10d: {  	(tag) =	ssettag $0x2  }
0x10e: {  	s0 =	rddreg [dreg:$0x0];
	s2 =	stileid.u32  }
0x10f: {  	s1 =	rddreg [dreg:$0x1];
	p0 =	sne.s32 s2, $0x0  }
0x110: {  	s3 =	rddreg [dreg:$0x2];
	[bflag:$0x3] =	sbarrier.arrive $0xFFFF;
	s2 =	simm.s32 @!p0 $0x1C02  }
0x111: {  	[timem:s3], [sflag:s2] =	dma.local @!p0 [hbm:s0], s1  }
0x112: {  	s0 =	simm.s32 @!p0 $0x2  }
0x113: {  	_ =	swait.ge @!p0 [sflag:s0], s1  }
0x114: {  	s1 =	ssub.s32 @!p0 $0x0, s1;
	[sflag:s0] =	ssyncset.done @!p0 $0x0  }
0x115: {  	[sflag:s0] =	ssyncadd.s32 @!p0 s1  }
0x116: {  	[bflag:$0x3] =	sbarrier.arrive $0xFFFF  }
0x117: {  	_ =	shalt  }

// kernel: kernel.18.cloned.1.call-start
scs
__scs_entry_jumppad:
0x0: {  	(pc) =	sbr.rel $0x88, $3  }
0x1: {  	(tag) =	ssettag $0x0;
	lr =	simm.s32 $0x1  }
0x2: {  	[smem:$0x3F8F] =	sst lr;
	_ =	strace $0xD0000000  }
0x3: {  	_ = 	snop  }
0x4: {  	_ = 	snop  }
0x5: {  	_ = 	snop  }
0x6: {  	_ = 	snop  }
0x7: {  	_ = 	snop  }
__scs_overlays_trampoline_lowered:
0x8: {  	[smem:$0x3F9E] =	sst s0  }
0x9: {  	[smem:$0x3F9F] =	sst s1  }
0xa: {  	[smem:$0x3FA0] =	sst s2  }
0xb: {  	[smem:$0x3FA1] =	sst s3  }
0xc: {  	[smem:$0x3FA2] =	sst s4  }
0xd: {  	[smem:$0x3FA3] =	sst s5  }
0xe: {  	[smem:$0x3FA4] =	sst s6  }
0xf: {  	[smem:$0x3FA5] =	sst s7  }
0x10: {  	[smem:$0x3FA6] =	sst s8  }
0x11: {  	[smem:$0x3FA7] =	sst s9;
	s0 =	simm.s32 @!p0 $0x0  }
0x12: {  	s1 =	sld [smem:$0x3F8D];
	s0 =	simm.s32 @p0 $0x1  }
0x13: {  	[smem:$0x3FA8] =	sst s0;
	s0 =	simm.s32 @!p1 $0x0  }
0x14: {  	s2 =	sld [smem:$0x3F8C];
	s0 =	simm.s32 @p1 $0x1  }
0x15: {  	[smem:$0x3FA9] =	sst s0;
	s0 =	simm.s32 @!p2 $0x0  }
0x16: {  	s3 =	sld [smem:$0x3FDB];
	s0 =	simm.s32 @p2 $0x1  }
0x17: {  	s4 =	simm.s32 $0x1BF5;
	[smem:$0x3FAB] =	sst s0  }
0x18: {  	s0 =	sld [smem:$0x3F8E];
	_ =	swait.ge [sflag:s4], $0x0  }
0x19: {  	s7 =	sld [smem:$0x3F8F]  }
0x1a: {  	s8 =	sadd.s32 $0xFFFFE003, lr  }
0x1b: {  	s9 =	sadd.s32 $0xFFFFFEF7, lr;
	s5 =	simm.s32 $0xFFFFFFFF;
	p2 =	slt.u32 s8, $0xFFFFF086  }
0x1c: {  	p1 =	slt.u32 s9, $0xF7A;
	s5 =	simm.s32 @!p2 $0x0  }
0x1d: {  	s5 =	simm.s32 @p1 $0x1;
	p0 =	seq.s32 s7, s2  }
0x1e: {  	s7 =	smul.u32 @!p0 $0xF7A, s2;
	p2 =	seq.s32 @!p0 s5, $0x0  }
0x1f: {  	s9 =	smul.u32 $0xF7A, s1;
	s8 =	simm.s32 @!p0 $0x1BF5;
	p2 =	por !p2, p0  }
0x20: {  	[sflag:s8] =	ssyncset.s32 @!p0 $0xFFFFF086;
	s6 =	sadd.s32 @!p0 s3, s7;
	s7 =	simm.s32 @!p0 $0x108  }
0x21: {  	s3 =	sadd.s32 s3, s9;
	s6 =	sadd.s32 @!p0 $0x88, s6;
	s7 =	simm.s32 @p2 $0x1082  }
0x22: {  	[simem:s7], [sflag:s8] =	dma.local @!p0 [hbm:s6], $0xF7A  }
0x23: {  	s9 =	sor.u32 $0xD0000000, s2;
	s6 =	simm.s32 $0x108;
	_ =	swait.ge @!p0 [sflag:s8], $0x0  }
0x24: {  	s3 =	sadd.s32 $0x88, s3;
	s6 =	simm.s32 @!p1 $0x1082;
	[sflag:s4] =	ssyncset.s32 $0xFFFFF086  }
0x25: {  	[simem:s6], [sflag:s4] =	dma.local [hbm:s3], $0xF7A  }
0x26: {  	[smem:$0x3F8F] =	sst s1;
	(tag) =	ssettag s2;
	_ =	strace s9  }
0x27: {  	s1 =	sld [smem:$0x3F9F]  }
0x28: {  	s2 =	sld [smem:$0x3FA0]  }
0x29: {  	s4 =	sld [smem:$0x3FA2]  }
0x2a: {  	p0 =	seq.s32 s5, $0x0;
	s5 =	sld [smem:$0x3FA3]  }
0x2b: {  	s6 =	sld [smem:$0x3FA4]  }
0x2c: {  	s7 =	sld [smem:$0x3FA5]  }
0x2d: {  	s3 =	simm.s32 $0x108;
	s8 =	sld [smem:$0x3FA6]  }
0x2e: {  	s3 =	simm.s32 @!p0 $0x1082;
	s9 =	sld [smem:$0x3FA7]  }
0x2f: {  	lr =	sadd.s32 s0, s3;
	s0 =	sld [smem:$0x3F9E]  }
0x30: {  	s3 =	sld [smem:$0x3FA1]  }
0x31: {  	[smem:$0x3FAA] =	sst s10  }
0x32: {  	s10 =	sld [smem:$0x3FA8];
	_ =	sdelay $0x3  }
0x33: {  	p0 =	seq.s32 s10, $0x1;
	s10 =	sld [smem:$0x3FAA];
	_ =	sdelay $0x3  }
0x34: {  	[smem:$0x3FAA] =	sst s10  }
0x35: {  	s10 =	sld [smem:$0x3FA9];
	_ =	sdelay $0x3  }
0x36: {  	p1 =	seq.s32 s10, $0x1;
	s10 =	sld [smem:$0x3FAA];
	_ =	sdelay $0x3  }
0x37: {  	[smem:$0x3FAA] =	sst s10  }
0x38: {  	s10 =	sld [smem:$0x3FAB]  }
0x39: {  	_ = 	snop;
	(pc) =	sbr.ind lr, $3  }
0x3a: {  	_ = 	snop  }
0x3b: {  	_ = 	snop  }
0x3c: {  	p2 =	seq.s32 s10, $0x1;
	s10 =	sld [smem:$0x3FAA]  }
0x3d: {  	_ =	shalt  }
0x3e: {  	_ =	shalt  }
0x3f: {  	_ =	shalt  }
0x40: {  	_ =	shalt  }
0x41: {  	_ =	shalt  }
0x42: {  	_ =	shalt  }
0x43: {  	_ =	shalt  }
0x44: {  	_ =	shalt  }
0x45: {  	_ =	shalt  }
0x46: {  	_ =	shalt  }
0x47: {  	_ =	shalt  }
0x48: {  	_ =	shalt  }
0x49: {  	_ =	shalt  }
0x4a: {  	_ =	shalt  }
0x4b: {  	_ =	shalt  }
0x4c: {  	_ =	shalt  }
0x4d: {  	_ =	shalt  }
0x4e: {  	_ =	shalt  }
0x4f: {  	_ =	shalt  }
0x50: {  	_ =	shalt  }
0x51: {  	_ =	shalt  }
0x52: {  	_ =	shalt  }
0x53: {  	_ =	shalt  }
0x54: {  	_ =	shalt  }
0x55: {  	_ =	shalt  }
0x56: {  	_ =	shalt  }
0x57: {  	_ =	shalt  }
0x58: {  	_ =	shalt  }
0x59: {  	_ =	shalt  }
0x5a: {  	_ =	shalt  }
0x5b: {  	_ =	shalt  }
0x5c: {  	_ =	shalt  }
0x5d: {  	_ =	shalt  }
0x5e: {  	_ =	shalt  }
0x5f: {  	_ =	shalt  }
0x60: {  	_ =	shalt  }
0x61: {  	_ =	shalt  }
0x62: {  	_ =	shalt  }
0x63: {  	_ =	shalt  }
0x64: {  	_ =	shalt  }
0x65: {  	_ =	shalt  }
0x66: {  	_ =	shalt  }
0x67: {  	_ =	shalt  }
0x68: {  	_ =	shalt  }
0x69: {  	_ =	shalt  }
0x6a: {  	_ =	shalt  }
0x6b: {  	_ =	shalt  }
0x6c: {  	_ =	shalt  }
0x6d: {  	_ =	shalt  }
0x6e: {  	_ =	shalt  }
0x6f: {  	_ =	shalt  }
0x70: {  	_ =	shalt  }
0x71: {  	_ =	shalt  }
0x72: {  	_ =	shalt  }
0x73: {  	_ =	shalt  }
0x74: {  	_ =	shalt  }
0x75: {  	_ =	shalt  }
0x76: {  	_ =	shalt  }
0x77: {  	_ =	shalt  }
0x78: {  	_ =	shalt  }
0x79: {  	_ =	shalt  }
0x7a: {  	_ =	shalt  }
0x7b: {  	_ =	shalt  }
0x7c: {  	_ =	shalt  }
0x7d: {  	_ =	shalt  }
0x7e: {  	_ =	shalt  }
0x7f: {  	_ =	shalt  }
0x80: {  	_ =	shalt  }
0x81: {  	_ =	shalt  }
0x82: {  	_ =	shalt  }
0x83: {  	_ =	shalt  }
0x84: {  	_ =	shalt  }
0x85: {  	_ =	shalt  }
0x86: {  	_ =	shalt  }
0x87: {  	_ =	shalt  }
.Lfunc_end0:
.L_simem_size_0:
called_computation.2_lowered:
.L_overlay_start_0:
0x88: {  	s2 =	sld [smem:$0x3FD9]  }
0x89: {  	s3 =	sld [smem:$0x3FFE];
	_ =	sdelay $0x1  }
0x8a: {  	s1 =	srdreg.scid  }
0x8b: {  	s0 =	sand.u32 $0x1, s1  }
0x8c: {  	s16 =	sshll.u32 s0, $0xA;
	s2 =	sadd.s32 s3, s2  }
0x8d: {  	s2 =	sadd.s32 s2, s16  }
0x8e: {  	[smem:$0x3FB6] =	sst s2  }
0x8f: {  	_ = 	snop  }
0x90: {  	(tm) =	ssettm $0x1  }
0x91: {  	s17 =	sld [smem:$0x3FFB];
	_ =	sdelay $0x3  }
0x92: {  	_ =	strace s17  }
0x93: {  	s2 =	sld [smem:$0x3FFC];
	_ =	sdelay $0x3  }
0x94: {  	_ =	strace s2  }
0x95: {  	s2 =	sld [smem:$0x3FFD];
	_ =	sdelay $0x3  }
0x96: {  	_ =	strace s2  }
0x97: {  	_ =	strace $0x8FFFFFFF  }
0x98: {  	s18 =	sld [smem:$0x3FDB];
	_ =	sdelay $0x1  }
0x99: {  	s19 =	simm.s32 $_scs_section_size  }
0x9a: {  	s4 =	simm.s32 $_size__tile_overlayer_lowered;
	s5 =	simm.s32 $_tile_overlayer_lowered  }
0x9b: {  	s22 =	simm.s32 $0x1BFF;
	s21 =	sshll.u32 s5, $0x1;
	s2 =	sadd.s32 s19, s18  }
0x9c: {  	s6 =	simm.s32 $0x0;
	s20 =	sshll.u32 s4, $0x1;
	s4 =	sadd.s32 s21, s2  }
0x9d: {  	[timem:s6], [sflag:s22] =	dma.local [hbm:s4], s20  }
0x9e: {  	_ =	swait.ge [sflag:s22], s20  }
0x9f: {  	s3 =	ssub.s32 $0x0, s20;
	[sflag:s22] =	ssyncset.done $0x0  }
0xa0: {  	[sflag:s22] =	ssyncadd.s32 s3;
	_ =	sdelay $0x1  }
0xa1: {  	s23 =	simm.s32 $0x1B8B  }
0xa2: {  	_ =	swait.ge [sflag:s23], $0x1  }
0xa3: {  	[sflag:s23] =	ssyncset.done $0x0  }
0xa4: {  	s25 =	simm.s32 $0x1B8E;
	s24 =	sld [smem:$0x3FFE];
	[sflag:s23] =	ssyncadd.s32 $0xFFFFFFFF  }
0xa5: {  	s26 =	simm.s32 $execute0_lowered;
	[smem:$0x3FD2] =	sst s25  }
0xa6: {  	s4 =	sshll.u32 s26, $0x1;
	_ =	strace $0x8000004C;
	[dreg:$0x1] =	wrdreg $0xFFFFFFFF  }
0xa7: {  	s28 =	simm.s32 $_size_execute0_lowered;
	s2 =	sadd.s32 s2, s4;
	[dreg:$0x0] =	wrdreg $0x0  }
0xa8: {  	s4 =	sshll.u32 s28, $0x1;
	[dreg:$0x2] =	wrdreg s2  }
0xa9: {  	[dreg:$0x3] =	wrdreg s4  }
0xaa: {  	[dreg:$0x4] =	wrdreg $0xC0  }
0xab: {  	_ =	task [dreg:s6], $0x5FFFF  }
0xac: {  	[dreg:$0x1] =	wrdreg $0xFFFFFFFF  }
0xad: {  	[dreg:$0x0] =	wrdreg $0x60  }
0xae: {  	[dreg:$0x2] =	wrdreg s24  }
0xaf: {  	[dreg:$0x3] =	wrdreg $0x9  }
0xb0: {  	_ =	task.clear_ibuf [dreg:s6], $0x4FFFF;
	_ =	strace $0x9000004C  }
0xb1: {  	s29 =	simm.s32 $0x9;
	_ =	strace $0x8000004E  }
0xb2: {  	_ =	swait.ge [sflag:s29], $0x1  }
0xb3: {  	[sflag:s29] =	ssyncadd.s32 $0xFFFFFFFF  }
0xb4: {  	_ =	strace $0x9000004E  }
0xb5: {  	_ =	sfence  }
0xb6: {  	s30 =	sld [smem:$0x0];
	_ =	sdelay $0x2  }
0xb7: {  	s31 =	sshll.u32 s1, $0xD;
	s1 =	sshrl.u32 s1, $0x2  }
0xb8: {  	s3 =	sand.u32 $0x4000, s31;
	s1 =	sadd.s32 s1, s30  }
0xb9: {  	s0 =	sor.u32 s3, s0;
	s1 =	sshll.u32 s1, $0x11  }
0xba: {  	s0 =	sor.u32 s1, s0  }
0xbb: {  	s0 =	sadd.s32 $0x8F2B, s0  }
0xbc: {  	[sflag:s0] =	ssyncadd.remote.s32 $0x1  }
0xbd: {  	_ =	sfence.sel $0xFFFF  }
0xbe: {  	[dreg:$0x0] =	wrdreg $0xFFFFFFFF;
	(pc) =	sbr.abs _section_cstart, $3  }
0xbf: {  	[dreg:$0x1] =	wrdreg $0xFFFFFFFF  }
0xc0: {  	_ =	task.clear_ibuf [dreg:s6], $0x2FFFF;
	_ =	strace $0x9FFFFFFF  }
0xc1: {  	(tm) =	ssettm $0x7FFFFFFF  }
tec
execute0_lowered:
.L_overlay_start_1:
0x0: {  	(tag) =	ssettag $0x1  }
0x1: {  	s5 =	rddreg [dreg:$0x0]  }
0x2: {  	s0 =	rddreg [dreg:$0x1];
	s1 =	simm.s32 $0x0  }
0x3: {  	s2 =	srdreg.scid;
	s10 =	simm.s32 $0x180;
	s11 =	simm.s32 $0x4980  }
0x4: {  	s12 =	simm.s32 $0x100;
	s13 =	simm.s32 $0x9180;
	s14 =	simm.s32 $0x1  }
0x5: {  	s15 =	simm.s32 $0xD980;
	s16 =	simm.s32 $0x0;
	[smem:$0x7FF] =	sst s1  }
0x6: {  	s6 =	sand.u32 $0x1, s2;
	s2 =	stileid.u32;
	s3 =	sadd.s32 $0x5AC00, s5  }
0x7: {  	s4 =	sadd.s32 $0x30E00, s5;
	s5 =	sadd.s32 $0x87C00, s5;
	s7 =	ssub.s32 $0x2, s6  }
0x8: {  	_ =	strace $0x8000004D;
	s9 =	sshll.u32 s2, $0x1;
	s8 =	sshrl.u32 s7, $0x1  }
0x9: {  	s6 =	sor.u32 s6, s9;
	s9 =	simm.s32 $0x80;
	s7 =	ssub.s32 s7, s8  }
0xa: {  	s6 =	smul.u32 $0x140, s6;
	s8 =	simm.s32 $0x2;
	s7 =	smax.u32 s7, $0x1  }
.LBB2_1:
0xb: {  	s17 =	simm.s32 $0x0  }
.LBB2_2:
0xc: {  	s18 =	sshll.u32 s17, $0x6  }
0xd: {  	s18 =	sadd.s32 s6, s18  }
0xe: {  	s19 =	smul.u32 $0x6, s18;
	_ =	sdelay $0x1  }
0xf: {  	s19 =	sshrl.u32 s19, $0x3  }
0x10: {  	s20 =	simm.s32 $0x0;
	s19 =	sadd.s32 s4, s19  }
0x11: {  	[tilespmem:s20], [sflag:$0x2] =	stream.linear.gather [hbm4b:s19+s20], $0x180, $0x38;
	[tilespmem:$0xFD80] =	vst v63  }
0x12: {  	_ =	swait.ge [sflag:s8], $0x180  }
0x13: {  	[sflag:s8] =	ssyncset.done $0x0  }
0x14: {  	[sflag:s8] =	ssyncadd.s32 $0xFFFFFE80  }
0x15: {  	[tilespmem:s10], [sflag:$0x1] =	stream.indirect.gather [hbm4b:s3+s9], $0x90, s20, s9, $0xb8;
	[tilespmem:$0xFD80] =	vst v63  }
0x16: {  	_ = 	snop  }
0x17: {  	[tilespmem:s11], [sflag:$0x1] =	stream.indirect.gather [hbm4b:s3+s9], $0x90, s9, s9, $0xb8;
	[tilespmem:$0xFD80] =	vst v63  }
0x18: {  	_ = 	snop  }
0x19: {  	[tilespmem:s13], [sflag:$0x1] =	stream.indirect.gather [hbm4b:s3+s9], $0x90, s12, s9, $0xb8;
	[tilespmem:$0xFD80] =	vst v63  }
0x1a: {  	_ =	swait.ge [sflag:s14], $0x4800  }
0x1b: {  	[sflag:s14] =	ssyncset.done $0x0  }
0x1c: {  	[sflag:s14] =	ssyncadd.s32 $0xFFFFB800  }
0x1d: {  	_ =	swait.ge [sflag:s14], $0x4800  }
0x1e: {  	[sflag:s14] =	ssyncset.done $0x0  }
0x1f: {  	[sflag:s14] =	ssyncadd.s32 $0xFFFFB800  }
0x20: {  	_ =	swait.ge [sflag:s14], $0x4800  }
0x21: {  	[sflag:s14] =	ssyncset.done $0x0  }
0x22: {  	s19 =	simm.s32 $0x330;
	[sflag:s14] =	ssyncadd.s32 $0xFFFFB800  }
0x23: {  	v0 =	vld [tilespmem:s19+$0xFFFFFEE0]  }
0x24: {  	v1 =	vld [tilespmem:s19+$0xFFFFFE50];
	_ =	sdelay $0x1  }
0x25: {  	v2 =	vld [tilespmem:s19+$0xFFFFFF70];
	_ =	sdelay $0x1  }
0x26: {  	v3 =	vld [tilespmem:s19+$0x0]  }
0x27: {  	v0 =	vadd.f32 v0, v1  }
0x28: {  	v1 =	vld [tilespmem:s19+$0x90]  }
0x29: {  	v0 =	vadd.f32 v2, v0  }
0x2a: {  	v2 =	vld [tilespmem:s19+$0x120]  }
0x2b: {  	v0 =	vadd.f32 v3, v0;
	_ =	sdelay $0x1  }
0x2c: {  	v0 =	vadd.f32 v1, v0;
	_ =	sdelay $0x1  }
0x2d: {  	v0 =	vadd.f32 v2, v0  }
0x2e: {  	s20 =	simm.s32 $0x0  }
0x2f: {  	[tilespmem:s20+$0xD980] =	vst v0  }
0x30: {  	v0 =	vld [tilespmem:s19+$0xFFFFFE60]  }
0x31: {  	v1 =	vld [tilespmem:s19+$0xFFFFFEF0];
	_ =	sdelay $0x1  }
0x32: {  	v2 =	vld [tilespmem:s19+$0xFFFFFF80];
	_ =	sdelay $0x1  }
0x33: {  	v3 =	vld [tilespmem:s19+$0x10]  }
0x34: {  	v0 =	vadd.f32 v1, v0  }
0x35: {  	v1 =	vld [tilespmem:s19+$0xA0]  }
0x36: {  	v0 =	vadd.f32 v2, v0  }
0x37: {  	v2 =	vld [tilespmem:s19+$0x130]  }
0x38: {  	v0 =	vadd.f32 v3, v0;
	_ =	sdelay $0x1  }
0x39: {  	v0 =	vadd.f32 v1, v0;
	_ =	sdelay $0x1  }
0x3a: {  	v0 =	vadd.f32 v2, v0;
	_ =	sdelay $0x1  }
0x3b: {  	[tilespmem:s20+$0xD990] =	vst v0  }
0x3c: {  	v0 =	vld [tilespmem:s19+$0xFFFFFE70]  }
0x3d: {  	v1 =	vld [tilespmem:s19+$0xFFFFFF00];
	_ =	sdelay $0x1  }
0x3e: {  	v2 =	vld [tilespmem:s19+$0xFFFFFF90];
	_ =	sdelay $0x1  }
0x3f: {  	v3 =	vld [tilespmem:s19+$0x20]  }
0x40: {  	v0 =	vadd.f32 v1, v0  }
0x41: {  	v1 =	vld [tilespmem:s19+$0xB0]  }
0x42: {  	v0 =	vadd.f32 v2, v0  }
0x43: {  	v2 =	vld [tilespmem:s19+$0x140]  }
0x44: {  	v0 =	vadd.f32 v3, v0;
	_ =	sdelay $0x1  }
0x45: {  	v0 =	vadd.f32 v1, v0;
	_ =	sdelay $0x1  }
0x46: {  	v0 =	vadd.f32 v2, v0;
	_ =	sdelay $0x1  }
0x47: {  	[tilespmem:s20+$0xD9A0] =	vst v0  }
0x48: {  	v0 =	vld [tilespmem:s19+$0xFFFFFE80]  }
0x49: {  	v1 =	vld [tilespmem:s19+$0xFFFFFF10];
	_ =	sdelay $0x1  }
0x4a: {  	v2 =	vld [tilespmem:s19+$0xFFFFFFA0];
	_ =	sdelay $0x1  }
0x4b: {  	v3 =	vld [tilespmem:s19+$0x30]  }
0x4c: {  	v0 =	vadd.f32 v1, v0  }
0x4d: {  	v1 =	vld [tilespmem:s19+$0xC0]  }
0x4e: {  	v0 =	vadd.f32 v2, v0  }
0x4f: {  	v2 =	vld [tilespmem:s19+$0x150]  }
0x50: {  	v0 =	vadd.f32 v3, v0;
	_ =	sdelay $0x1  }
0x51: {  	v0 =	vadd.f32 v1, v0;
	_ =	sdelay $0x1  }
0x52: {  	v0 =	vadd.f32 v2, v0;
	_ =	sdelay $0x1  }
0x53: {  	[tilespmem:s20+$0xD9B0] =	vst v0  }
0x54: {  	v0 =	vld [tilespmem:s19+$0xFFFFFE90]  }
0x55: {  	v1 =	vld [tilespmem:s19+$0xFFFFFF20];
	_ =	sdelay $0x1  }
0x56: {  	v2 =	vld [tilespmem:s19+$0xFFFFFFB0];
	_ =	sdelay $0x1  }
0x57: {  	v3 =	vld [tilespmem:s19+$0x40]  }
0x58: {  	v0 =	vadd.f32 v1, v0  }
0x59: {  	v1 =	vld [tilespmem:s19+$0xD0]  }
0x5a: {  	v0 =	vadd.f32 v2, v0  }
0x5b: {  	v2 =	vld [tilespmem:s19+$0x160]  }
0x5c: {  	v0 =	vadd.f32 v3, v0;
	_ =	sdelay $0x1  }
0x5d: {  	v0 =	vadd.f32 v1, v0;
	_ =	sdelay $0x1  }
0x5e: {  	v0 =	vadd.f32 v2, v0;
	_ =	sdelay $0x1  }
0x5f: {  	[tilespmem:s20+$0xD9C0] =	vst v0  }
0x60: {  	v0 =	vld [tilespmem:s19+$0xFFFFFEA0]  }
0x61: {  	v1 =	vld [tilespmem:s19+$0xFFFFFF30];
	_ =	sdelay $0x1  }
0x62: {  	v2 =	vld [tilespmem:s19+$0xFFFFFFC0];
	_ =	sdelay $0x1  }
0x63: {  	v3 =	vld [tilespmem:s19+$0x50]  }
0x64: {  	v0 =	vadd.f32 v1, v0  }
0x65: {  	v1 =	vld [tilespmem:s19+$0xE0]  }
0x66: {  	v0 =	vadd.f32 v2, v0  }
0x67: {  	v2 =	vld [tilespmem:s19+$0x170]  }
0x68: {  	v0 =	vadd.f32 v3, v0;
	_ =	sdelay $0x1  }
0x69: {  	v0 =	vadd.f32 v1, v0;
	_ =	sdelay $0x1  }
0x6a: {  	v0 =	vadd.f32 v2, v0;
	_ =	sdelay $0x1  }
0x6b: {  	[tilespmem:s20+$0xD9D0] =	vst v0  }
0x6c: {  	v0 =	vld [tilespmem:s19+$0xFFFFFEB0]  }
0x6d: {  	v1 =	vld [tilespmem:s19+$0xFFFFFF40];
	_ =	sdelay $0x1  }
0x6e: {  	v2 =	vld [tilespmem:s19+$0xFFFFFFD0];
	_ =	sdelay $0x1  }
0x6f: {  	v3 =	vld [tilespmem:s19+$0x60]  }
0x70: {  	v0 =	vadd.f32 v1, v0  }
0x71: {  	v1 =	vld [tilespmem:s19+$0xF0]  }
0x72: {  	v0 =	vadd.f32 v2, v0  }
0x73: {  	v2 =	vld [tilespmem:s19+$0x180]  }
0x74: {  	v0 =	vadd.f32 v3, v0;
	_ =	sdelay $0x1  }
0x75: {  	v0 =	vadd.f32 v1, v0;
	_ =	sdelay $0x1  }
0x76: {  	v0 =	vadd.f32 v2, v0;
	_ =	sdelay $0x1  }
0x77: {  	[tilespmem:s20+$0xD9E0] =	vst v0  }
0x78: {  	v0 =	vld [tilespmem:s19+$0xFFFFFEC0]  }
0x79: {  	v1 =	vld [tilespmem:s19+$0xFFFFFF50];
	_ =	sdelay $0x1  }
0x7a: {  	v2 =	vld [tilespmem:s19+$0xFFFFFFE0];
	_ =	sdelay $0x1  }
0x7b: {  	v3 =	vld [tilespmem:s19+$0x70]  }
0x7c: {  	v0 =	vadd.f32 v1, v0  }
0x7d: {  	v1 =	vld [tilespmem:s19+$0x100]  }
0x7e: {  	v0 =	vadd.f32 v2, v0  }
0x7f: {  	v2 =	vld [tilespmem:s19+$0x190]  }
0x80: {  	v0 =	vadd.f32 v3, v0;
	_ =	sdelay $0x1  }
0x81: {  	v0 =	vadd.f32 v1, v0;
	_ =	sdelay $0x1  }
0x82: {  	v0 =	vadd.f32 v2, v0;
	_ =	sdelay $0x1  }
0x83: {  	[tilespmem:s20+$0xD9F0] =	vst v0  }
0x84: {  	v4 =	vld [tilespmem:s19+$0xFFFFFED0]  }
0x85: {  	v5 =	vld [tilespmem:s19+$0xFFFFFF60];
	_ =	sdelay $0x1  }
0x86: {  	v0 =	vld [tilespmem:s19+$0x80]  }
0x87: {  	v3 =	vld [tilespmem:s19+$0xFFFFFFF0]  }
0x88: {  	v1 =	vld [tilespmem:s19+$0x110]  }
0x89: {  	s21 =	simm.s32 $0x240;
	v2 =	vld [tilespmem:s19+$0x1A0];
	v4 =	vadd.f32 v5, v4  }
.LBB2_3:
0x8a: {  	p0 =	sne.s32 s21, $0x8DC0  }
0x8b: {  	s19 =	sadd.s32 $0x360, s19;
	s22 =	smov.u32 s21;
	s21 =	sadd.s32 $0x240, s21  }
0x8c: {  	v3 =	vadd.f32 v3, v4;
	_ =	sdelay $0x1  }
0x8d: {  	v0 =	vadd.f32 v0, v3;
	_ =	sdelay $0x1  }
0x8e: {  	v0 =	vadd.f32 v1, v0;
	_ =	sdelay $0x1  }
0x8f: {  	v0 =	vadd.f32 v2, v0;
	_ =	sdelay $0x1  }
0x90: {  	[tilespmem:s20+$0xDA00] =	vst v0  }
0x91: {  	v0 =	vld [tilespmem:s19+$0xFFFFFEE0]  }
0x92: {  	v1 =	vld [tilespmem:s19+$0xFFFFFE50]  }
0x93: {  	v2 =	vld [tilespmem:s19+$0xFFFFFF70];
	_ =	sdelay $0x1  }
0x94: {  	v3 =	vld [tilespmem:s19+$0x0];
	_ =	sdelay $0x1  }
0x95: {  	v0 =	vadd.f32 v0, v1  }
0x96: {  	v1 =	vld [tilespmem:s19+$0x90]  }
0x97: {  	v0 =	vadd.f32 v2, v0  }
0x98: {  	v2 =	vld [tilespmem:s19+$0x120]  }
0x99: {  	v0 =	vadd.f32 v3, v0;
	_ =	sdelay $0x1  }
0x9a: {  	v0 =	vadd.f32 v1, v0;
	_ =	sdelay $0x1  }
0x9b: {  	v0 =	vadd.f32 v2, v0  }
0x9c: {  	s20 =	sshra.s32 s22, $0x2  }
0x9d: {  	[tilespmem:s20+$0xD980] =	vst v0  }
0x9e: {  	v0 =	vld [tilespmem:s19+$0xFFFFFE60]  }
0x9f: {  	v1 =	vld [tilespmem:s19+$0xFFFFFEF0];
	_ =	sdelay $0x1  }
0xa0: {  	v2 =	vld [tilespmem:s19+$0xFFFFFF80];
	_ =	sdelay $0x1  }
0xa1: {  	v3 =	vld [tilespmem:s19+$0x10]  }
0xa2: {  	v0 =	vadd.f32 v1, v0  }
0xa3: {  	v1 =	vld [tilespmem:s19+$0xA0]  }
0xa4: {  	v0 =	vadd.f32 v2, v0  }
0xa5: {  	v2 =	vld [tilespmem:s19+$0x130]  }
0xa6: {  	v0 =	vadd.f32 v3, v0;
	_ =	sdelay $0x1  }
0xa7: {  	v0 =	vadd.f32 v1, v0;
	_ =	sdelay $0x1  }
0xa8: {  	v0 =	vadd.f32 v2, v0;
	_ =	sdelay $0x1  }
0xa9: {  	[tilespmem:s20+$0xD990] =	vst v0  }
0xaa: {  	v0 =	vld [tilespmem:s19+$0xFFFFFE70]  }
0xab: {  	v1 =	vld [tilespmem:s19+$0xFFFFFF00];
	_ =	sdelay $0x1  }
0xac: {  	v2 =	vld [tilespmem:s19+$0xFFFFFF90];
	_ =	sdelay $0x1  }
0xad: {  	v3 =	vld [tilespmem:s19+$0x20]  }
0xae: {  	v0 =	vadd.f32 v1, v0  }
0xaf: {  	v1 =	vld [tilespmem:s19+$0xB0]  }
0xb0: {  	v0 =	vadd.f32 v2, v0  }
0xb1: {  	v2 =	vld [tilespmem:s19+$0x140]  }
0xb2: {  	v0 =	vadd.f32 v3, v0;
	_ =	sdelay $0x1  }
0xb3: {  	v0 =	vadd.f32 v1, v0;
	_ =	sdelay $0x1  }
0xb4: {  	v0 =	vadd.f32 v2, v0;
	_ =	sdelay $0x1  }
0xb5: {  	[tilespmem:s20+$0xD9A0] =	vst v0  }
0xb6: {  	v0 =	vld [tilespmem:s19+$0xFFFFFE80]  }
0xb7: {  	v1 =	vld [tilespmem:s19+$0xFFFFFF10]  }
0xb8: {  	v2 =	vld [tilespmem:s19+$0x30]  }
0xb9: {  	v3 =	vld [tilespmem:s19+$0xFFFFFFA0];
	_ =	sdelay $0x2  }
0xba: {  	v0 =	vadd.f32 v1, v0  }
0xbb: {  	v1 =	vld [tilespmem:s19+$0xC0]  }
0xbc: {  	v0 =	vadd.f32 v3, v0  }
0xbd: {  	v3 =	vld [tilespmem:s19+$0x150]  }
0xbe: {  	v0 =	vadd.f32 v2, v0;
	_ =	sdelay $0x1  }
0xbf: {  	v0 =	vadd.f32 v1, v0;
	_ =	sdelay $0x1  }
0xc0: {  	v0 =	vadd.f32 v3, v0;
	_ =	sdelay $0x1  }
0xc1: {  	[tilespmem:s20+$0xD9B0] =	vst v0  }
0xc2: {  	v0 =	vld [tilespmem:s19+$0xFFFFFE90]  }
0xc3: {  	v1 =	vld [tilespmem:s19+$0xFFFFFF20];
	_ =	sdelay $0x1  }
0xc4: {  	v2 =	vld [tilespmem:s19+$0xFFFFFFB0];
	_ =	sdelay $0x1  }
0xc5: {  	v3 =	vld [tilespmem:s19+$0x40]  }
0xc6: {  	v0 =	vadd.f32 v1, v0  }
0xc7: {  	v1 =	vld [tilespmem:s19+$0xD0]  }
0xc8: {  	v0 =	vadd.f32 v2, v0  }
0xc9: {  	v2 =	vld [tilespmem:s19+$0x160]  }
0xca: {  	v0 =	vadd.f32 v3, v0;
	_ =	sdelay $0x1  }
0xcb: {  	v0 =	vadd.f32 v1, v0;
	_ =	sdelay $0x1  }
0xcc: {  	v0 =	vadd.f32 v2, v0;
	_ =	sdelay $0x1  }
0xcd: {  	[tilespmem:s20+$0xD9C0] =	vst v0  }
0xce: {  	v0 =	vld [tilespmem:s19+$0xFFFFFEA0]  }
0xcf: {  	v1 =	vld [tilespmem:s19+$0xFFFFFF30];
	_ =	sdelay $0x1  }
0xd0: {  	v2 =	vld [tilespmem:s19+$0xFFFFFFC0];
	_ =	sdelay $0x1  }
0xd1: {  	v3 =	vld [tilespmem:s19+$0x50]  }
0xd2: {  	v0 =	vadd.f32 v1, v0  }
0xd3: {  	v1 =	vld [tilespmem:s19+$0xE0]  }
0xd4: {  	v0 =	vadd.f32 v2, v0  }
0xd5: {  	v2 =	vld [tilespmem:s19+$0x170]  }
0xd6: {  	v0 =	vadd.f32 v3, v0;
	_ =	sdelay $0x1  }
0xd7: {  	v0 =	vadd.f32 v1, v0;
	_ =	sdelay $0x1  }
0xd8: {  	v0 =	vadd.f32 v2, v0;
	_ =	sdelay $0x1  }
0xd9: {  	[tilespmem:s20+$0xD9D0] =	vst v0  }
0xda: {  	v0 =	vld [tilespmem:s19+$0xFFFFFEB0]  }
0xdb: {  	v1 =	vld [tilespmem:s19+$0xFFFFFF40]  }
0xdc: {  	v2 =	vld [tilespmem:s19+$0xFFFFFFD0]  }
0xdd: {  	v3 =	vld [tilespmem:s19+$0x60]  }
0xde: {  	v4 =	vld [tilespmem:s19+$0xF0]  }
0xdf: {  	v5 =	vld [tilespmem:s19+$0x180]  }
0xe0: {  	v0 =	vadd.f32 v1, v0;
	_ =	sdelay $0x1  }
0xe1: {  	v0 =	vadd.f32 v2, v0;
	_ =	sdelay $0x1  }
0xe2: {  	v0 =	vadd.f32 v3, v0;
	_ =	sdelay $0x1  }
0xe3: {  	v0 =	vadd.f32 v4, v0;
	_ =	sdelay $0x1  }
0xe4: {  	v0 =	vadd.f32 v5, v0;
	_ =	sdelay $0x1  }
0xe5: {  	[tilespmem:s20+$0xD9E0] =	vst v0  }
0xe6: {  	v0 =	vld [tilespmem:s19+$0xFFFFFEC0]  }
0xe7: {  	v1 =	vld [tilespmem:s19+$0xFFFFFF50]  }
0xe8: {  	v2 =	vld [tilespmem:s19+$0xFFFFFFE0]  }
0xe9: {  	v3 =	vld [tilespmem:s19+$0x70]  }
0xea: {  	v4 =	vld [tilespmem:s19+$0x100]  }
0xeb: {  	v5 =	vld [tilespmem:s19+$0x190]  }
0xec: {  	v0 =	vadd.f32 v1, v0;
	_ =	sdelay $0x1  }
0xed: {  	v0 =	vadd.f32 v2, v0;
	_ =	sdelay $0x1  }
0xee: {  	v0 =	vadd.f32 v3, v0;
	_ =	sdelay $0x1  }
0xef: {  	v0 =	vadd.f32 v4, v0;
	_ =	sdelay $0x1  }
0xf0: {  	v0 =	vadd.f32 v5, v0;
	_ =	sdelay $0x1  }
0xf1: {  	[tilespmem:s20+$0xD9F0] =	vst v0  }
0xf2: {  	v4 =	vld [tilespmem:s19+$0xFFFFFED0]  }
0xf3: {  	v5 =	vld [tilespmem:s19+$0xFFFFFF60]  }
.Ltmp0:
0xf4: {  	v0 =	vld [tilespmem:s19+$0x80];
	(pc) =	sbr.rel @p0 .LBB2_3-.Ltmp0, $4  }
0xf5: {  	v3 =	vld [tilespmem:s19+$0xFFFFFFF0]  }
0xf6: {  	v1 =	vld [tilespmem:s19+$0x110]  }
0xf7: {  	v2 =	vld [tilespmem:s19+$0x1A0]  }
0xf8: {  	v4 =	vadd.f32 v5, v4  }
0xf9: {  	_ = 	snop  }
0xfa: {  	v3 =	vadd.f32 v3, v4;
	_ =	sdelay $0x1  }
0xfb: {  	v0 =	vadd.f32 v0, v3;
	_ =	sdelay $0x1  }
0xfc: {  	v0 =	vadd.f32 v1, v0;
	_ =	sdelay $0x1  }
0xfd: {  	s18 =	smul.u32 $0x12, s18;
	s17 =	sadd.s32 $0x1, s17;
	v0 =	vadd.f32 v2, v0  }
0xfe: {  	p0 =	sne.s32 s17, $0x5  }
.Ltmp1:
0xff: {  	s18 =	sadd.s32 s5, s18;
	[tilespmem:s20+$0xDA00] =	vst v0;
	(pc) =	sbr.rel @p0 .LBB2_2-.Ltmp1, $4  }
0x100: {  	[hbm4b:s18+s1] =	stream.linear.scatter [tilespmem:s15], [sflag:$0x2], $0x2400, $0x38;
	[tilespmem:$0xFD80] =	vst v63  }
0x101: {  	_ =	swait.ge [sflag:s8], $0x2400  }
0x102: {  	[sflag:s8] =	ssyncset.done $0x0  }
0x103: {  	[sflag:s8] =	ssyncadd.s32 $0xFFFFDC00  }
0x104: {  	s16 =	sadd.s32 $0x1, s16  }
0x105: {  	p0 =	sne.s32 s16, s7  }
.Ltmp2:
0x106: {  	_ = 	snop;
	(pc) =	sbr.rel @p0 .LBB2_1-.Ltmp2, $1  }
0x107: {  	_ =	sdelay $0x3  }
0x108: {  	_ =	sfence.sel $0x180000  }
0x109: {  	[bflag:$0x0] =	sbarrier.arrive $0xFFFF  }
0x10a: {  	p0 =	sne.s32 s2, $0x0;
	_ =	strace $0x9000004D  }
0x10b: {  	s0 =	sadd.s32 @!p0 $0x100000, s0;
	[bflag:$0x2] =	sbarrier.arrive $0xFFFF  }
0x10c: {  	[sflag:s0] =	ssyncadd.tile.s32 @!p0 $0x1;
	_ =	shalt  }
.Lfunc_end2:
_tile_overlayer_lowered:
.L_overlay_start_2:
0x10d: {  	(tag) =	ssettag $0x2  }
0x10e: {  	s0 =	rddreg [dreg:$0x0];
	s2 =	stileid.u32  }
0x10f: {  	s1 =	rddreg [dreg:$0x1];
	p0 =	sne.s32 s2, $0x0  }
0x110: {  	s3 =	rddreg [dreg:$0x2];
	[bflag:$0x3] =	sbarrier.arrive $0xFFFF;
	s2 =	simm.s32 @!p0 $0x1C02  }
0x111: {  	[timem:s3], [sflag:s2] =	dma.local @!p0 [hbm:s0], s1  }
0x112: {  	s0 =	simm.s32 @!p0 $0x2  }
0x113: {  	_ =	swait.ge @!p0 [sflag:s0], s1  }
0x114: {  	s1 =	ssub.s32 @!p0 $0x0, s1;
	[sflag:s0] =	ssyncset.done @!p0 $0x0  }
0x115: {  	[sflag:s0] =	ssyncadd.s32 @!p0 s1  }
0x116: {  	[bflag:$0x3] =	sbarrier.arrive $0xFFFF  }
0x117: {  	_ =	shalt  }

</sc_bundles>
